<compile_context>
chip_gen: v7x
topology: tpu7x:2x2x1
jax: 0.10.2.dev20260603
libtpu: 0.0.44.dev20260713+nightly
codegen_flags: <defaults>
</compile_context>

<pallas_src>
import jax
import jax.numpy as jnp
from jax import lax
from jax.experimental import pallas as pl
from jax.experimental.pallas import tpu as pltpu
from jax.experimental.pallas import tpu_sc as plsc

N = 10000
NP = 10240
DIN = 128
HID = 128
LAT = 64
E = 320000
NC, NS = 2, 16
NW = NC * NS
CH = 128
KCH = 80
KCH1 = 160
EP = NW * KCH * CH
PAD = NP - N
RPT = NP // NS

_MESH = plsc.VectorSubcoreMesh(
    core_axis_name="c", subcore_axis_name="s", num_cores=NC, num_subcores=NS)

_SC_LINEAR = pltpu.CompilerParams(use_tc_tiling_on_sc=False)



def _deg_body(dstp, zeros_r, ones_r, out, idx_v, zb, ones_v, acc):
    c = lax.axis_index("c")
    s = lax.axis_index("s")
    wid = c * NS + s
    pltpu.sync_copy(zeros_r, zb)
    pltpu.sync_copy(ones_r, ones_v)
    pltpu.sync_copy(zb, acc.at[pl.ds(s * RPT, RPT)])
    plsc.subcore_barrier()
    pltpu.sync_copy(dstp.at[wid], idx_v)

    def body(j, carry):
        pltpu.sync_copy(ones_v, acc.at[idx_v.at[j]], add=True)
        return carry

    lax.fori_loop(0, KCH, body, 0)
    plsc.subcore_barrier()
    pltpu.sync_copy(acc.at[pl.ds(s * RPT, RPT)], zb)
    pltpu.sync_copy(zb, out.at[c, pl.ds(s * RPT, RPT)])


_deg_call = pl.kernel(
    _deg_body,
    out_type=jax.ShapeDtypeStruct((NC, NP), jnp.float32),
    mesh=_MESH,
    compiler_params=_SC_LINEAR,
    scratch_types=[
        pltpu.VMEM((KCH, CH), jnp.int32),
        pltpu.VMEM((RPT,), jnp.float32),
        pltpu.VMEM((CH,), jnp.float32),
        pltpu.VMEM_SHARED((NP,), jnp.float32),
    ],
)


_NBUF = 5


def _gather_scatter_loop(y, src_v, dst_v, rows, acc, gsems, ssems, kch):
    for b in range(_NBUF):
        pltpu.async_copy(y.at[src_v.at[b]], rows[b], gsems[b])

    def body(p, carry):
        j0 = _NBUF * p
        for b in range(_NBUF):
            pltpu.make_async_copy(y.at[src_v.at[j0 + b]], rows[b],
                                  gsems[b]).wait()
            pltpu.async_copy(rows[b], acc.at[dst_v.at[j0 + b]], ssems[b],
                             add=True)
        for b in range(_NBUF):
            pltpu.make_async_copy(rows[b], acc.at[dst_v.at[j0 + b]],
                                  ssems[b]).wait()
            jn = jnp.minimum(j0 + _NBUF + b, kch - 1)
            pltpu.async_copy(y.at[src_v.at[jn]], rows[b], gsems[b])
        return carry

    lax.fori_loop(0, kch // _NBUF, body, 0)
    for b in range(_NBUF):
        pltpu.make_async_copy(y.at[src_v.at[kch - 1]], rows[b],
                              gsems[b]).wait()


def _zero_acc_slice(zrows, rows_a, acc, s):
    pltpu.sync_copy(zrows, rows_a)
    for k in range(RPT // CH):
        pltpu.sync_copy(rows_a, acc.at[pl.ds(s * RPT + k * CH, CH)])


def _writeback(acc, rows_a, out, c, s):
    for k in range(RPT // CH):
        off = s * RPT + k * CH
        pltpu.sync_copy(acc.at[pl.ds(off, CH)], rows_a)
        pltpu.sync_copy(rows_a, out.at[c, pl.ds(off, CH)])


def _agg_scratch(kch):
    return ([pltpu.VMEM((kch, CH), jnp.int32)] * 2
            + [pltpu.VMEM((CH, LAT), jnp.float32)] * _NBUF
            + [pltpu.VMEM_SHARED((NP, LAT), jnp.float32)]
            + [pltpu.SemaphoreType.DMA] * (2 * _NBUF))


def _agg_cs_body(ycs, srcp, dstp, zrows, out, src_v, dst_v, *scr):
    rows, acc = scr[:_NBUF], scr[_NBUF]
    gsems, ssems = scr[_NBUF + 1:2 * _NBUF + 1], scr[2 * _NBUF + 1:]
    c = lax.axis_index("c")
    s = lax.axis_index("s")
    _zero_acc_slice(zrows, rows[0], acc, s)
    plsc.subcore_barrier()
    pltpu.sync_copy(srcp.at[s], src_v)
    pltpu.sync_copy(dstp.at[s], dst_v)
    _gather_scatter_loop(ycs.at[c], src_v, dst_v, rows, acc, gsems, ssems,
                         KCH1)
    plsc.subcore_barrier()
    _writeback(acc, rows[0], out, c, s)


_agg_cs_call = pl.kernel(
    _agg_cs_body,
    out_type=jax.ShapeDtypeStruct((NC, NP, LAT), jnp.float32),
    mesh=_MESH,
    compiler_params=_SC_LINEAR,
    scratch_types=_agg_scratch(KCH1),
)


def _agg_es_body(y, srcp, dstp, zrows, out, src_v, dst_v, *scr):
    rows, acc = scr[:_NBUF], scr[_NBUF]
    gsems, ssems = scr[_NBUF + 1:2 * _NBUF + 1], scr[2 * _NBUF + 1:]
    c = lax.axis_index("c")
    s = lax.axis_index("s")
    wid = c * NS + s
    _zero_acc_slice(zrows, rows[0], acc, s)
    plsc.subcore_barrier()
    pltpu.sync_copy(srcp.at[wid], src_v)
    pltpu.sync_copy(dstp.at[wid], dst_v)
    _gather_scatter_loop(y, src_v, dst_v, rows, acc, gsems, ssems, KCH)
    plsc.subcore_barrier()
    _writeback(acc, rows[0], out, c, s)


_agg_es_call = pl.kernel(
    _agg_es_body,
    out_type=jax.ShapeDtypeStruct((NC, NP, LAT), jnp.float32),
    mesh=_MESH,
    compiler_params=_SC_LINEAR,
    scratch_types=_agg_scratch(KCH),
)



_BR = 1000


def _dinv_block(degt_ref):
    return lax.rsqrt(degt_ref[:, 0] + degt_ref[:, 1] + 1.0)


def _mm_scale_body(x_ref, w_ref, degp_ref, y_ref):
    dinv = _dinv_block(degp_ref)
    y = jnp.dot(x_ref[...], w_ref[...], preferred_element_type=jnp.float32)
    y = y * dinv[:, None]
    y_ref[0] = y[:, :LAT]
    y_ref[1] = y[:, LAT:]


_mm_scale_call = pl.pallas_call(
    _mm_scale_body,
    grid=(N // _BR,),
    in_specs=[
        pl.BlockSpec((_BR, DIN), lambda i: (i, 0)),
        pl.BlockSpec((DIN, HID), lambda i: (0, 0)),
        pl.BlockSpec((_BR, NC), lambda i: (i, 0)),
    ],
    out_specs=pl.BlockSpec((NC, _BR, LAT), lambda i: (0, i, 0)),
    out_shape=jax.ShapeDtypeStruct((NC, NP, LAT), jnp.float32),
)


def _fuse1_body(agg_ref, y1_ref, degp_ref, b1_ref, w2_ref, y2_ref):
    dinv = _dinv_block(degp_ref)
    a = jnp.concatenate([agg_ref[0] + y1_ref[0], agg_ref[1] + y1_ref[1]],
                        axis=1)
    z = jnp.maximum(a * dinv[:, None] + b1_ref[...][None, :], 0.0)
    y2 = jnp.dot(z, w2_ref[...], preferred_element_type=jnp.float32)
    y2_ref[...] = y2 * dinv[:, None]


_fuse1_call = pl.pallas_call(
    _fuse1_body,
    grid=(N // _BR,),
    in_specs=[
        pl.BlockSpec((NC, _BR, LAT), lambda i: (0, i, 0)),
        pl.BlockSpec((NC, _BR, LAT), lambda i: (0, i, 0)),
        pl.BlockSpec((_BR, NC), lambda i: (i, 0)),
        pl.BlockSpec((HID,), lambda i: (0,)),
        pl.BlockSpec((HID, LAT), lambda i: (0, 0)),
    ],
    out_specs=pl.BlockSpec((_BR, LAT), lambda i: (i, 0)),
    out_shape=jax.ShapeDtypeStruct((NP, LAT), jnp.float32),
)


def _fuse2_body(agg_ref, y2_ref, degp_ref, b2_ref, wmu_ref, bmu_ref,
                wlv_ref, blv_ref, mu_ref, lv_ref):
    dinv = _dinv_block(degp_ref)
    a = agg_ref[0] + agg_ref[1] + y2_ref[...]
    z = a * dinv[:, None] + b2_ref[...][None, :]
    mu_ref[...] = (jnp.dot(z, wmu_ref[...], preferred_element_type=jnp.float32)
                   + bmu_ref[...][None, :])
    lv_ref[...] = (jnp.dot(z, wlv_ref[...], preferred_element_type=jnp.float32)
                   + blv_ref[...][None, :])


_fuse2_call = pl.pallas_call(
    _fuse2_body,
    grid=(N // _BR,),
    in_specs=[
        pl.BlockSpec((NC, _BR, LAT), lambda i: (0, i, 0)),
        pl.BlockSpec((_BR, LAT), lambda i: (i, 0)),
        pl.BlockSpec((_BR, NC), lambda i: (i, 0)),
        pl.BlockSpec((LAT,), lambda i: (0,)),
        pl.BlockSpec((LAT, LAT), lambda i: (0, 0)),
        pl.BlockSpec((LAT,), lambda i: (0,)),
        pl.BlockSpec((LAT, LAT), lambda i: (0, 0)),
        pl.BlockSpec((LAT,), lambda i: (0,)),
    ],
    out_specs=[
        pl.BlockSpec((_BR, LAT), lambda i: (i, 0)),
        pl.BlockSpec((_BR, LAT), lambda i: (i, 0)),
    ],
    out_shape=[
        jax.ShapeDtypeStruct((N, LAT), jnp.float32),
        jax.ShapeDtypeStruct((N, LAT), jnp.float32),
    ],
)



def kernel(x, edge_index, W1, b1, W2, b2, W_mu, b_mu, W_lv, b_lv):
    pad_idx = (jnp.arange(EP - E, dtype=jnp.int32) % PAD) + N
    src = jnp.concatenate([edge_index[0], pad_idx])
    dst = jnp.concatenate([edge_index[1], pad_idx])
    srcp16 = src.reshape(NS, KCH1, CH)
    dstp16 = dst.reshape(NS, KCH1, CH)
    srcp32 = src.reshape(NW, KCH, CH)
    dstp32 = dst.reshape(NW, KCH, CH)
    zeros_r = jnp.zeros((RPT,), jnp.float32)
    ones_r = jnp.ones((CH,), jnp.float32)
    zrows = jnp.zeros((CH, LAT), jnp.float32)

    degp = _deg_call(dstp32, zeros_r, ones_r)
    degt = degp.T
    y1cs = _mm_scale_call(x, W1, degt)
    agg1 = _agg_cs_call(y1cs, srcp16, dstp16, zrows)
    y2 = _fuse1_call(agg1, y1cs, degt, b1, W2)
    agg2 = _agg_es_call(y2, srcp32, dstp32, zrows)
    mu, lv = _fuse2_call(agg2, y2, degt, b2, W_mu, b_mu, W_lv, b_lv)
    return (mu, lv)

# --- scband reference (transcript-rebuilt; emitter-appended) ---
"""Pipeline reference for scband-encoder-9740985827606 (READ-ONLY COPY).

The authoritative reference and input builder live on the scoring server;
editing this copy changes nothing except your own understanding.
"""

import jax, jax.numpy as jnp
import numpy as np

N = 10000
E = 320000
D_IN = 128
LATENT = 64
HID = 2 * LATENT  # 128


def _gcn_conv(x, edge_index, W, b):
    # PyG GCNConv: out = D^-1/2 (A + I) D^-1/2 X W + b
    src = edge_index[0]
    dst = edge_index[1]
    loop = jnp.arange(N, dtype=src.dtype)
    src = jnp.concatenate([src, loop])
    dst = jnp.concatenate([dst, loop])
    ones = jnp.ones(src.shape[0], dtype=x.dtype)
    deg = jnp.zeros((N,), dtype=x.dtype).at[dst].add(ones)
    dinv = jnp.where(deg > 0, jax.lax.rsqrt(deg), 0.0)
    norm = dinv[src] * dinv[dst]
    xw = x @ W
    msg = jnp.take(xw, src, axis=0) * norm[:, None]
    out = jnp.zeros((N, W.shape[1]), dtype=x.dtype).at[dst].add(msg)
    return out + b


def setup_inputs(seed: int = 0) -> dict:
    key = jax.random.key(seed)
    ks = jax.random.split(key, 12)
    x = jax.random.normal(ks[0], (N, D_IN), dtype=jnp.float32)
    edge_index = jax.random.randint(ks[1], (2, E), 0, N, dtype=jnp.int32)
    W1 = jax.random.normal(ks[2], (D_IN, HID), dtype=jnp.float32) * (1.0 / np.sqrt(D_IN))
    b1 = jnp.zeros((HID,), dtype=jnp.float32)
    W2 = jax.random.normal(ks[3], (HID, LATENT), dtype=jnp.float32) * (1.0 / np.sqrt(HID))
    b2 = jnp.zeros((LATENT,), dtype=jnp.float32)
    W_mu = jax.random.normal(ks[4], (LATENT, LATENT), dtype=jnp.float32) * (1.0 / np.sqrt(LATENT))
    b_mu = jnp.zeros((LATENT,), dtype=jnp.float32)
    W_lv = jax.random.normal(ks[5], (LATENT, LATENT), dtype=jnp.float32) * (1.0 / np.sqrt(LATENT))
    b_lv = jnp.zeros((LATENT,), dtype=jnp.float32)
    return {"x": x, "edge_index": edge_index, "W1": W1, "b1": b1, "W2": W2, "b2": b2,
            "W_mu": W_mu, "b_mu": b_mu, "W_lv": W_lv, "b_lv": b_lv}


def reference(x, edge_index, W1, b1, W2, b2, W_mu, b_mu, W_lv, b_lv):
    z = _gcn_conv(x, edge_index, W1, b1)
    z = jax.nn.relu(z)
    z = _gcn_conv(z, edge_index, W2, b2)
    mu = z @ W_mu + b_mu
    logvar = z @ W_lv + b_lv
    return (mu, logvar)

if __name__ == "__main__":
    import jax
    _d = setup_inputs()
    print(jax.jit(kernel)(*tuple(_d.values())))

</pallas_src>

<mosaic_0001>
#map = affine_map<(d0, d1) -> (0, 0, 0)>
#map1 = affine_map<(d0, d1) -> (0, 0)>
module attributes {stable_mosaic.version = 14 : i64} {
  func.func @_agg_cs_body(%arg0: i32, %arg1: i32, %arg2: memref<2x10240x64xf32, #tpu.memory_space<hbm>>, %arg3: memref<16x160x128xi32, #tpu.memory_space<hbm>>, %arg4: memref<16x160x128xi32, #tpu.memory_space<hbm>>, %arg5: memref<128x64xf32, #tpu.memory_space<hbm>>, %arg6: memref<2x10240x64xf32, #tpu.memory_space<hbm>>, %arg7: memref<160x128xi32, #tpu.memory_space<vmem>>, %arg8: memref<160x128xi32, #tpu.memory_space<vmem>>, %arg9: memref<128x64xf32, #tpu.memory_space<vmem>>, %arg10: memref<128x64xf32, #tpu.memory_space<vmem>>, %arg11: memref<128x64xf32, #tpu.memory_space<vmem>>, %arg12: memref<128x64xf32, #tpu.memory_space<vmem>>, %arg13: memref<128x64xf32, #tpu.memory_space<vmem>>, %arg14: memref<10240x64xf32, #tpu.memory_space<vmem_shared>>, %arg15: memref<!tpu.dma_semaphore, #tpu.memory_space<semaphore_mem>>, %arg16: memref<!tpu.dma_semaphore, #tpu.memory_space<semaphore_mem>>, %arg17: memref<!tpu.dma_semaphore, #tpu.memory_space<semaphore_mem>>, %arg18: memref<!tpu.dma_semaphore, #tpu.memory_space<semaphore_mem>>, %arg19: memref<!tpu.dma_semaphore, #tpu.memory_space<semaphore_mem>>, %arg20: memref<!tpu.dma_semaphore, #tpu.memory_space<semaphore_mem>>, %arg21: memref<!tpu.dma_semaphore, #tpu.memory_space<semaphore_mem>>, %arg22: memref<!tpu.dma_semaphore, #tpu.memory_space<semaphore_mem>>, %arg23: memref<!tpu.dma_semaphore, #tpu.memory_space<semaphore_mem>>, %arg24: memref<!tpu.dma_semaphore, #tpu.memory_space<semaphore_mem>>) attributes {dimension_semantics = [#tpu.dimension_semantics<core_parallel>, #tpu.dimension_semantics<subcore_parallel>], iteration_bounds = array<i64: 2, 16>, scalar_prefetch = 0 : i64, scratch_operands = 18 : i64, tpu.core_type = #tpu.core_type<sc_vector_subcore>, window_params = [{transform_indices = #map}, {transform_indices = #map}, {transform_indices = #map}, {transform_indices = #map1}, {transform_indices = #map}]} {
    "tpu.region"() ({
      %run_scoped3A = tpu.sem_alloc : memref<!tpu.dma_semaphore, #tpu.memory_space<semaphore_mem>>
      tpu.enqueue_dma source(%arg5 : memref<128x64xf32, #tpu.memory_space<hbm>>) target(%arg9 : memref<128x64xf32, #tpu.memory_space<vmem>>) target_semaphore(%run_scoped3A : memref<!tpu.dma_semaphore, #tpu.memory_space<semaphore_mem>>)
      tpu.wait_dma2 semaphore(%run_scoped3A : memref<!tpu.dma_semaphore, #tpu.memory_space<semaphore_mem>>) src(%arg5 : memref<128x64xf32, #tpu.memory_space<hbm>>) dst(%arg9 : memref<128x64xf32, #tpu.memory_space<vmem>>)
      tpu.yield
    }) : () -> ()
    %mul3A = arith.constant 640 : i32
    %mul3A_0 = arith.muli %arg1, %mul3A : i32
    %add3A = arith.constant 0 : i32
    %add3A_1 = arith.addi %mul3A_0, %add3A : i32
    "tpu.region"() ({
      %run_scoped3A = tpu.sem_alloc : memref<!tpu.dma_semaphore, #tpu.memory_space<semaphore_mem>>
      %dma_start3A_152 = arith.constant 0 : i32
      %dma_start3A_153 = tpu.memref_slice %arg14[%add3A_1, %dma_start3A_152] : memref<10240x64xf32, #tpu.memory_space<vmem_shared>> -> memref<128x64xf32, #tpu.memory_space<vmem_shared>>
      %dma_start3A_154 = arith.constant 0 : i32
      %dma_start3A_155 = tpu.memref_slice %arg14[%add3A_1, %dma_start3A_154] : memref<10240x64xf32, #tpu.memory_space<vmem_shared>> -> memref<128x64xf32, #tpu.memory_space<vmem_shared>>
      tpu.enqueue_dma source(%arg9 : memref<128x64xf32, #tpu.memory_space<vmem>>) target(%dma_start3A_155 : memref<128x64xf32, #tpu.memory_space<vmem_shared>>) target_semaphore(%run_scoped3A : memref<!tpu.dma_semaphore, #tpu.memory_space<semaphore_mem>>)
      %dma_wait3A_156 = arith.constant 0 : i32
      %dma_wait3A_157 = tpu.memref_slice %arg14[%add3A_1, %dma_wait3A_156] : memref<10240x64xf32, #tpu.memory_space<vmem_shared>> -> memref<128x64xf32, #tpu.memory_space<vmem_shared>>
      %dma_wait3A_158 = arith.constant 0 : i32
      %dma_wait3A_159 = tpu.memref_slice %arg14[%add3A_1, %dma_wait3A_158] : memref<10240x64xf32, #tpu.memory_space<vmem_shared>> -> memref<128x64xf32, #tpu.memory_space<vmem_shared>>
      tpu.wait_dma2 semaphore(%run_scoped3A : memref<!tpu.dma_semaphore, #tpu.memory_space<semaphore_mem>>) src(%arg9 : memref<128x64xf32, #tpu.memory_space<vmem>>) dst(%dma_wait3A_159 : memref<128x64xf32, #tpu.memory_space<vmem_shared>>)
      tpu.yield
    }) : () -> ()
    %mul3A_2 = arith.constant 640 : i32
    %mul3A_3 = arith.muli %arg1, %mul3A_2 : i32
    %add3A_4 = arith.constant 128 : i32
    %add3A_5 = arith.addi %mul3A_3, %add3A_4 : i32
    "tpu.region"() ({
      %run_scoped3A = tpu.sem_alloc : memref<!tpu.dma_semaphore, #tpu.memory_space<semaphore_mem>>
      %dma_start3A_152 = arith.constant 0 : i32
      %dma_start3A_153 = tpu.memref_slice %arg14[%add3A_5, %dma_start3A_152] : memref<10240x64xf32, #tpu.memory_space<vmem_shared>> -> memref<128x64xf32, #tpu.memory_space<vmem_shared>>
      %dma_start3A_154 = arith.constant 0 : i32
      %dma_start3A_155 = tpu.memref_slice %arg14[%add3A_5, %dma_start3A_154] : memref<10240x64xf32, #tpu.memory_space<vmem_shared>> -> memref<128x64xf32, #tpu.memory_space<vmem_shared>>
      tpu.enqueue_dma source(%arg9 : memref<128x64xf32, #tpu.memory_space<vmem>>) target(%dma_start3A_155 : memref<128x64xf32, #tpu.memory_space<vmem_shared>>) target_semaphore(%run_scoped3A : memref<!tpu.dma_semaphore, #tpu.memory_space<semaphore_mem>>)
      %dma_wait3A_156 = arith.constant 0 : i32
      %dma_wait3A_157 = tpu.memref_slice %arg14[%add3A_5, %dma_wait3A_156] : memref<10240x64xf32, #tpu.memory_space<vmem_shared>> -> memref<128x64xf32, #tpu.memory_space<vmem_shared>>
      %dma_wait3A_158 = arith.constant 0 : i32
      %dma_wait3A_159 = tpu.memref_slice %arg14[%add3A_5, %dma_wait3A_158] : memref<10240x64xf32, #tpu.memory_space<vmem_shared>> -> memref<128x64xf32, #tpu.memory_space<vmem_shared>>
      tpu.wait_dma2 semaphore(%run_scoped3A : memref<!tpu.dma_semaphore, #tpu.memory_space<semaphore_mem>>) src(%arg9 : memref<128x64xf32, #tpu.memory_space<vmem>>) dst(%dma_wait3A_159 : memref<128x64xf32, #tpu.memory_space<vmem_shared>>)
      tpu.yield
    }) : () -> ()
    %mul3A_6 = arith.constant 640 : i32
    %mul3A_7 = arith.muli %arg1, %mul3A_6 : i32
    %add3A_8 = arith.constant 256 : i32
    %add3A_9 = arith.addi %mul3A_7, %add3A_8 : i32
    "tpu.region"() ({
      %run_scoped3A = tpu.sem_alloc : memref<!tpu.dma_semaphore, #tpu.memory_space<semaphore_mem>>
      %dma_start3A_152 = arith.constant 0 : i32
      %dma_start3A_153 = tpu.memref_slice %arg14[%add3A_9, %dma_start3A_152] : memref<10240x64xf32, #tpu.memory_space<vmem_shared>> -> memref<128x64xf32, #tpu.memory_space<vmem_shared>>
      %dma_start3A_154 = arith.constant 0 : i32
      %dma_start3A_155 = tpu.memref_slice %arg14[%add3A_9, %dma_start3A_154] : memref<10240x64xf32, #tpu.memory_space<vmem_shared>> -> memref<128x64xf32, #tpu.memory_space<vmem_shared>>
      tpu.enqueue_dma source(%arg9 : memref<128x64xf32, #tpu.memory_space<vmem>>) target(%dma_start3A_155 : memref<128x64xf32, #tpu.memory_space<vmem_shared>>) target_semaphore(%run_scoped3A : memref<!tpu.dma_semaphore, #tpu.memory_space<semaphore_mem>>)
      %dma_wait3A_156 = arith.constant 0 : i32
      %dma_wait3A_157 = tpu.memref_slice %arg14[%add3A_9, %dma_wait3A_156] : memref<10240x64xf32, #tpu.memory_space<vmem_shared>> -> memref<128x64xf32, #tpu.memory_space<vmem_shared>>
      %dma_wait3A_158 = arith.constant 0 : i32
      %dma_wait3A_159 = tpu.memref_slice %arg14[%add3A_9, %dma_wait3A_158] : memref<10240x64xf32, #tpu.memory_space<vmem_shared>> -> memref<128x64xf32, #tpu.memory_space<vmem_shared>>
      tpu.wait_dma2 semaphore(%run_scoped3A : memref<!tpu.dma_semaphore, #tpu.memory_space<semaphore_mem>>) src(%arg9 : memref<128x64xf32, #tpu.memory_space<vmem>>) dst(%dma_wait3A_159 : memref<128x64xf32, #tpu.memory_space<vmem_shared>>)
      tpu.yield
    }) : () -> ()
    %mul3A_10 = arith.constant 640 : i32
    %mul3A_11 = arith.muli %arg1, %mul3A_10 : i32
    %add3A_12 = arith.constant 384 : i32
    %add3A_13 = arith.addi %mul3A_11, %add3A_12 : i32
    "tpu.region"() ({
      %run_scoped3A = tpu.sem_alloc : memref<!tpu.dma_semaphore, #tpu.memory_space<semaphore_mem>>
      %dma_start3A_152 = arith.constant 0 : i32
      %dma_start3A_153 = tpu.memref_slice %arg14[%add3A_13, %dma_start3A_152] : memref<10240x64xf32, #tpu.memory_space<vmem_shared>> -> memref<128x64xf32, #tpu.memory_space<vmem_shared>>
      %dma_start3A_154 = arith.constant 0 : i32
      %dma_start3A_155 = tpu.memref_slice %arg14[%add3A_13, %dma_start3A_154] : memref<10240x64xf32, #tpu.memory_space<vmem_shared>> -> memref<128x64xf32, #tpu.memory_space<vmem_shared>>
      tpu.enqueue_dma source(%arg9 : memref<128x64xf32, #tpu.memory_space<vmem>>) target(%dma_start3A_155 : memref<128x64xf32, #tpu.memory_space<vmem_shared>>) target_semaphore(%run_scoped3A : memref<!tpu.dma_semaphore, #tpu.memory_space<semaphore_mem>>)
      %dma_wait3A_156 = arith.constant 0 : i32
      %dma_wait3A_157 = tpu.memref_slice %arg14[%add3A_13, %dma_wait3A_156] : memref<10240x64xf32, #tpu.memory_space<vmem_shared>> -> memref<128x64xf32, #tpu.memory_space<vmem_shared>>
      %dma_wait3A_158 = arith.constant 0 : i32
      %dma_wait3A_159 = tpu.memref_slice %arg14[%add3A_13, %dma_wait3A_158] : memref<10240x64xf32, #tpu.memory_space<vmem_shared>> -> memref<128x64xf32, #tpu.memory_space<vmem_shared>>
      tpu.wait_dma2 semaphore(%run_scoped3A : memref<!tpu.dma_semaphore, #tpu.memory_space<semaphore_mem>>) src(%arg9 : memref<128x64xf32, #tpu.memory_space<vmem>>) dst(%dma_wait3A_159 : memref<128x64xf32, #tpu.memory_space<vmem_shared>>)
      tpu.yield
    }) : () -> ()
    %mul3A_14 = arith.constant 640 : i32
    %mul3A_15 = arith.muli %arg1, %mul3A_14 : i32
    %add3A_16 = arith.constant 512 : i32
    %add3A_17 = arith.addi %mul3A_15, %add3A_16 : i32
    "tpu.region"() ({
      %run_scoped3A = tpu.sem_alloc : memref<!tpu.dma_semaphore, #tpu.memory_space<semaphore_mem>>
      %dma_start3A_152 = arith.constant 0 : i32
      %dma_start3A_153 = tpu.memref_slice %arg14[%add3A_17, %dma_start3A_152] : memref<10240x64xf32, #tpu.memory_space<vmem_shared>> -> memref<128x64xf32, #tpu.memory_space<vmem_shared>>
      %dma_start3A_154 = arith.constant 0 : i32
      %dma_start3A_155 = tpu.memref_slice %arg14[%add3A_17, %dma_start3A_154] : memref<10240x64xf32, #tpu.memory_space<vmem_shared>> -> memref<128x64xf32, #tpu.memory_space<vmem_shared>>
      tpu.enqueue_dma source(%arg9 : memref<128x64xf32, #tpu.memory_space<vmem>>) target(%dma_start3A_155 : memref<128x64xf32, #tpu.memory_space<vmem_shared>>) target_semaphore(%run_scoped3A : memref<!tpu.dma_semaphore, #tpu.memory_space<semaphore_mem>>)
      %dma_wait3A_156 = arith.constant 0 : i32
      %dma_wait3A_157 = tpu.memref_slice %arg14[%add3A_17, %dma_wait3A_156] : memref<10240x64xf32, #tpu.memory_space<vmem_shared>> -> memref<128x64xf32, #tpu.memory_space<vmem_shared>>
      %dma_wait3A_158 = arith.constant 0 : i32
      %dma_wait3A_159 = tpu.memref_slice %arg14[%add3A_17, %dma_wait3A_158] : memref<10240x64xf32, #tpu.memory_space<vmem_shared>> -> memref<128x64xf32, #tpu.memory_space<vmem_shared>>
      tpu.wait_dma2 semaphore(%run_scoped3A : memref<!tpu.dma_semaphore, #tpu.memory_space<semaphore_mem>>) src(%arg9 : memref<128x64xf32, #tpu.memory_space<vmem>>) dst(%dma_wait3A_159 : memref<128x64xf32, #tpu.memory_space<vmem_shared>>)
      tpu.yield
    }) : () -> ()
    %barrier3A = arith.constant 0 : index
    tpu.barrier barrier_id(%barrier3A)
    "tpu.region"() ({
      %run_scoped3A = tpu.sem_alloc : memref<!tpu.dma_semaphore, #tpu.memory_space<semaphore_mem>>
      %dma_start3A_152 = arith.constant 0 : i32
      %dma_start3A_153 = arith.constant 0 : i32
      %dma_start3A_154 = tpu.memref_slice %arg3[%arg1, %dma_start3A_152, %dma_start3A_153] : memref<16x160x128xi32, #tpu.memory_space<hbm>> -> memref<1x160x128xi32, #tpu.memory_space<hbm>>
      %dma_start3A_155 = tpu.memref_squeeze %dma_start3A_154 : memref<1x160x128xi32, #tpu.memory_space<hbm>> -> memref<160x128xi32, #tpu.memory_space<hbm>>
      %dma_start3A_156 = arith.constant 0 : i32
      %dma_start3A_157 = arith.constant 0 : i32
      %dma_start3A_158 = tpu.memref_slice %arg3[%arg1, %dma_start3A_156, %dma_start3A_157] : memref<16x160x128xi32, #tpu.memory_space<hbm>> -> memref<1x160x128xi32, #tpu.memory_space<hbm>>
      %dma_start3A_159 = tpu.memref_squeeze %dma_start3A_158 : memref<1x160x128xi32, #tpu.memory_space<hbm>> -> memref<160x128xi32, #tpu.memory_space<hbm>>
      tpu.enqueue_dma source(%dma_start3A_159 : memref<160x128xi32, #tpu.memory_space<hbm>>) target(%arg7 : memref<160x128xi32, #tpu.memory_space<vmem>>) target_semaphore(%run_scoped3A : memref<!tpu.dma_semaphore, #tpu.memory_space<semaphore_mem>>)
      %dma_wait3A_160 = arith.constant 0 : i32
      %dma_wait3A_161 = arith.constant 0 : i32
      %dma_wait3A_162 = tpu.memref_slice %arg3[%arg1, %dma_wait3A_160, %dma_wait3A_161] : memref<16x160x128xi32, #tpu.memory_space<hbm>> -> memref<1x160x128xi32, #tpu.memory_space<hbm>>
      %dma_wait3A_163 = tpu.memref_squeeze %dma_wait3A_162 : memref<1x160x128xi32, #tpu.memory_space<hbm>> -> memref<160x128xi32, #tpu.memory_space<hbm>>
      %dma_wait3A_164 = arith.constant 0 : i32
      %dma_wait3A_165 = arith.constant 0 : i32
      %dma_wait3A_166 = tpu.memref_slice %arg3[%arg1, %dma_wait3A_164, %dma_wait3A_165] : memref<16x160x128xi32, #tpu.memory_space<hbm>> -> memref<1x160x128xi32, #tpu.memory_space<hbm>>
      %dma_wait3A_167 = tpu.memref_squeeze %dma_wait3A_166 : memref<1x160x128xi32, #tpu.memory_space<hbm>> -> memref<160x128xi32, #tpu.memory_space<hbm>>
      tpu.wait_dma2 semaphore(%run_scoped3A : memref<!tpu.dma_semaphore, #tpu.memory_space<semaphore_mem>>) src(%dma_wait3A_167 : memref<160x128xi32, #tpu.memory_space<hbm>>) dst(%arg7 : memref<160x128xi32, #tpu.memory_space<vmem>>)
      tpu.yield
    }) : () -> ()
    "tpu.region"() ({
      %run_scoped3A = tpu.sem_alloc : memref<!tpu.dma_semaphore, #tpu.memory_space<semaphore_mem>>
      %dma_start3A_152 = arith.constant 0 : i32
      %dma_start3A_153 = arith.constant 0 : i32
      %dma_start3A_154 = tpu.memref_slice %arg4[%arg1, %dma_start3A_152, %dma_start3A_153] : memref<16x160x128xi32, #tpu.memory_space<hbm>> -> memref<1x160x128xi32, #tpu.memory_space<hbm>>
      %dma_start3A_155 = tpu.memref_squeeze %dma_start3A_154 : memref<1x160x128xi32, #tpu.memory_space<hbm>> -> memref<160x128xi32, #tpu.memory_space<hbm>>
      %dma_start3A_156 = arith.constant 0 : i32
      %dma_start3A_157 = arith.constant 0 : i32
      %dma_start3A_158 = tpu.memref_slice %arg4[%arg1, %dma_start3A_156, %dma_start3A_157] : memref<16x160x128xi32, #tpu.memory_space<hbm>> -> memref<1x160x128xi32, #tpu.memory_space<hbm>>
      %dma_start3A_159 = tpu.memref_squeeze %dma_start3A_158 : memref<1x160x128xi32, #tpu.memory_space<hbm>> -> memref<160x128xi32, #tpu.memory_space<hbm>>
      tpu.enqueue_dma source(%dma_start3A_159 : memref<160x128xi32, #tpu.memory_space<hbm>>) target(%arg8 : memref<160x128xi32, #tpu.memory_space<vmem>>) target_semaphore(%run_scoped3A : memref<!tpu.dma_semaphore, #tpu.memory_space<semaphore_mem>>)
      %dma_wait3A_160 = arith.constant 0 : i32
      %dma_wait3A_161 = arith.constant 0 : i32
      %dma_wait3A_162 = tpu.memref_slice %arg4[%arg1, %dma_wait3A_160, %dma_wait3A_161] : memref<16x160x128xi32, #tpu.memory_space<hbm>> -> memref<1x160x128xi32, #tpu.memory_space<hbm>>
      %dma_wait3A_163 = tpu.memref_squeeze %dma_wait3A_162 : memref<1x160x128xi32, #tpu.memory_space<hbm>> -> memref<160x128xi32, #tpu.memory_space<hbm>>
      %dma_wait3A_164 = arith.constant 0 : i32
      %dma_wait3A_165 = arith.constant 0 : i32
      %dma_wait3A_166 = tpu.memref_slice %arg4[%arg1, %dma_wait3A_164, %dma_wait3A_165] : memref<16x160x128xi32, #tpu.memory_space<hbm>> -> memref<1x160x128xi32, #tpu.memory_space<hbm>>
      %dma_wait3A_167 = tpu.memref_squeeze %dma_wait3A_166 : memref<1x160x128xi32, #tpu.memory_space<hbm>> -> memref<160x128xi32, #tpu.memory_space<hbm>>
      tpu.wait_dma2 semaphore(%run_scoped3A : memref<!tpu.dma_semaphore, #tpu.memory_space<semaphore_mem>>) src(%dma_wait3A_167 : memref<160x128xi32, #tpu.memory_space<hbm>>) dst(%arg8 : memref<160x128xi32, #tpu.memory_space<vmem>>)
      tpu.yield
    }) : () -> ()
    %dma_start3A = arith.constant 0 : i32
    %dma_start3A_18 = arith.constant 0 : i32
    %dma_start3A_19 = tpu.memref_slice %arg7[%dma_start3A, %dma_start3A_18] : memref<160x128xi32, #tpu.memory_space<vmem>> -> memref<1x128xi32, #tpu.memory_space<vmem>>
    %dma_start3A_20 = tpu.memref_squeeze %dma_start3A_19 : memref<1x128xi32, #tpu.memory_space<vmem>> -> memref<128xi32, #tpu.memory_space<vmem>>
    %dma_start3A_21 = arith.constant 0 : i32
    %dma_start3A_22 = arith.constant 0 : i32
    %dma_start3A_23 = tpu.memref_slice %arg2[%arg0, %dma_start3A_21, %dma_start3A_22] : memref<2x10240x64xf32, #tpu.memory_space<hbm>> -> memref<1x10240x64xf32, #tpu.memory_space<hbm>>
    %dma_start3A_24 = tpu.memref_squeeze %dma_start3A_23 : memref<1x10240x64xf32, #tpu.memory_space<hbm>> -> memref<10240x64xf32, #tpu.memory_space<hbm>>
    %dma_start3A_25 = arith.constant 0 : i32
    %dma_start3A_26 = arith.constant 0 : i32
    %dma_start3A_27 = tpu.memref_slice %dma_start3A_24[%dma_start3A_25, %dma_start3A_26] : memref<10240x64xf32, #tpu.memory_space<hbm>> -> memref<10240x64xf32, #tpu.memory_space<hbm>>
    tpu.enqueue_indirect_dma source(%dma_start3A_27 : memref<10240x64xf32, #tpu.memory_space<hbm>>) target(%arg9 : memref<128x64xf32, #tpu.memory_space<vmem>>) offsets(%dma_start3A_20 : memref<128xi32, #tpu.memory_space<vmem>>) semaphore(%arg15 : memref<!tpu.dma_semaphore, #tpu.memory_space<semaphore_mem>>)
    %dma_start3A_28 = arith.constant 1 : i32
    %dma_start3A_29 = arith.constant 0 : i32
    %dma_start3A_30 = tpu.memref_slice %arg7[%dma_start3A_28, %dma_start3A_29] : memref<160x128xi32, #tpu.memory_space<vmem>> -> memref<1x128xi32, #tpu.memory_space<vmem>>
    %dma_start3A_31 = tpu.memref_squeeze %dma_start3A_30 : memref<1x128xi32, #tpu.memory_space<vmem>> -> memref<128xi32, #tpu.memory_space<vmem>>
    %dma_start3A_32 = arith.constant 0 : i32
    %dma_start3A_33 = arith.constant 0 : i32
    %dma_start3A_34 = tpu.memref_slice %arg2[%arg0, %dma_start3A_32, %dma_start3A_33] : memref<2x10240x64xf32, #tpu.memory_space<hbm>> -> memref<1x10240x64xf32, #tpu.memory_space<hbm>>
    %dma_start3A_35 = tpu.memref_squeeze %dma_start3A_34 : memref<1x10240x64xf32, #tpu.memory_space<hbm>> -> memref<10240x64xf32, #tpu.memory_space<hbm>>
    %dma_start3A_36 = arith.constant 0 : i32
    %dma_start3A_37 = arith.constant 0 : i32
    %dma_start3A_38 = tpu.memref_slice %dma_start3A_35[%dma_start3A_36, %dma_start3A_37] : memref<10240x64xf32, #tpu.memory_space<hbm>> -> memref<10240x64xf32, #tpu.memory_space<hbm>>
    tpu.enqueue_indirect_dma source(%dma_start3A_38 : memref<10240x64xf32, #tpu.memory_space<hbm>>) target(%arg10 : memref<128x64xf32, #tpu.memory_space<vmem>>) offsets(%dma_start3A_31 : memref<128xi32, #tpu.memory_space<vmem>>) semaphore(%arg16 : memref<!tpu.dma_semaphore, #tpu.memory_space<semaphore_mem>>)
    %dma_start3A_39 = arith.constant 2 : i32
    %dma_start3A_40 = arith.constant 0 : i32
    %dma_start3A_41 = tpu.memref_slice %arg7[%dma_start3A_39, %dma_start3A_40] : memref<160x128xi32, #tpu.memory_space<vmem>> -> memref<1x128xi32, #tpu.memory_space<vmem>>
    %dma_start3A_42 = tpu.memref_squeeze %dma_start3A_41 : memref<1x128xi32, #tpu.memory_space<vmem>> -> memref<128xi32, #tpu.memory_space<vmem>>
    %dma_start3A_43 = arith.constant 0 : i32
    %dma_start3A_44 = arith.constant 0 : i32
    %dma_start3A_45 = tpu.memref_slice %arg2[%arg0, %dma_start3A_43, %dma_start3A_44] : memref<2x10240x64xf32, #tpu.memory_space<hbm>> -> memref<1x10240x64xf32, #tpu.memory_space<hbm>>
    %dma_start3A_46 = tpu.memref_squeeze %dma_start3A_45 : memref<1x10240x64xf32, #tpu.memory_space<hbm>> -> memref<10240x64xf32, #tpu.memory_space<hbm>>
    %dma_start3A_47 = arith.constant 0 : i32
    %dma_start3A_48 = arith.constant 0 : i32
    %dma_start3A_49 = tpu.memref_slice %dma_start3A_46[%dma_start3A_47, %dma_start3A_48] : memref<10240x64xf32, #tpu.memory_space<hbm>> -> memref<10240x64xf32, #tpu.memory_space<hbm>>
    tpu.enqueue_indirect_dma source(%dma_start3A_49 : memref<10240x64xf32, #tpu.memory_space<hbm>>) target(%arg11 : memref<128x64xf32, #tpu.memory_space<vmem>>) offsets(%dma_start3A_42 : memref<128xi32, #tpu.memory_space<vmem>>) semaphore(%arg17 : memref<!tpu.dma_semaphore, #tpu.memory_space<semaphore_mem>>)
    %dma_start3A_50 = arith.constant 3 : i32
    %dma_start3A_51 = arith.constant 0 : i32
    %dma_start3A_52 = tpu.memref_slice %arg7[%dma_start3A_50, %dma_start3A_51] : memref<160x128xi32, #tpu.memory_space<vmem>> -> memref<1x128xi32, #tpu.memory_space<vmem>>
    %dma_start3A_53 = tpu.memref_squeeze %dma_start3A_52 : memref<1x128xi32, #tpu.memory_space<vmem>> -> memref<128xi32, #tpu.memory_space<vmem>>
    %dma_start3A_54 = arith.constant 0 : i32
    %dma_start3A_55 = arith.constant 0 : i32
    %dma_start3A_56 = tpu.memref_slice %arg2[%arg0, %dma_start3A_54, %dma_start3A_55] : memref<2x10240x64xf32, #tpu.memory_space<hbm>> -> memref<1x10240x64xf32, #tpu.memory_space<hbm>>
    %dma_start3A_57 = tpu.memref_squeeze %dma_start3A_56 : memref<1x10240x64xf32, #tpu.memory_space<hbm>> -> memref<10240x64xf32, #tpu.memory_space<hbm>>
    %dma_start3A_58 = arith.constant 0 : i32
    %dma_start3A_59 = arith.constant 0 : i32
    %dma_start3A_60 = tpu.memref_slice %dma_start3A_57[%dma_start3A_58, %dma_start3A_59] : memref<10240x64xf32, #tpu.memory_space<hbm>> -> memref<10240x64xf32, #tpu.memory_space<hbm>>
    tpu.enqueue_indirect_dma source(%dma_start3A_60 : memref<10240x64xf32, #tpu.memory_space<hbm>>) target(%arg12 : memref<128x64xf32, #tpu.memory_space<vmem>>) offsets(%dma_start3A_53 : memref<128xi32, #tpu.memory_space<vmem>>) semaphore(%arg18 : memref<!tpu.dma_semaphore, #tpu.memory_space<semaphore_mem>>)
    %dma_start3A_61 = arith.constant 4 : i32
    %dma_start3A_62 = arith.constant 0 : i32
    %dma_start3A_63 = tpu.memref_slice %arg7[%dma_start3A_61, %dma_start3A_62] : memref<160x128xi32, #tpu.memory_space<vmem>> -> memref<1x128xi32, #tpu.memory_space<vmem>>
    %dma_start3A_64 = tpu.memref_squeeze %dma_start3A_63 : memref<1x128xi32, #tpu.memory_space<vmem>> -> memref<128xi32, #tpu.memory_space<vmem>>
    %dma_start3A_65 = arith.constant 0 : i32
    %dma_start3A_66 = arith.constant 0 : i32
    %dma_start3A_67 = tpu.memref_slice %arg2[%arg0, %dma_start3A_65, %dma_start3A_66] : memref<2x10240x64xf32, #tpu.memory_space<hbm>> -> memref<1x10240x64xf32, #tpu.memory_space<hbm>>
    %dma_start3A_68 = tpu.memref_squeeze %dma_start3A_67 : memref<1x10240x64xf32, #tpu.memory_space<hbm>> -> memref<10240x64xf32, #tpu.memory_space<hbm>>
    %dma_start3A_69 = arith.constant 0 : i32
    %dma_start3A_70 = arith.constant 0 : i32
    %dma_start3A_71 = tpu.memref_slice %dma_start3A_68[%dma_start3A_69, %dma_start3A_70] : memref<10240x64xf32, #tpu.memory_space<hbm>> -> memref<10240x64xf32, #tpu.memory_space<hbm>>
    tpu.enqueue_indirect_dma source(%dma_start3A_71 : memref<10240x64xf32, #tpu.memory_space<hbm>>) target(%arg13 : memref<128x64xf32, #tpu.memory_space<vmem>>) offsets(%dma_start3A_64 : memref<128xi32, #tpu.memory_space<vmem>>) semaphore(%arg19 : memref<!tpu.dma_semaphore, #tpu.memory_space<semaphore_mem>>)
    %scan3A = arith.constant 0 : i32
    %scan3A_72 = arith.constant 0 : i32
    %scan3A_73 = arith.constant 32 : i32
    %scan3A_74 = arith.addi %scan3A_72, %scan3A_73 : i32
    %scan3A_75 = arith.constant 1 : i32
    scf.for %scan3A_152 = %scan3A_72 to %scan3A_74 step %scan3A_75  : i32 {
      %mul3A_153 = arith.constant 5 : i32
      %mul3A_154 = arith.muli %mul3A_153, %scan3A_152 : i32
      %add3A_155 = arith.constant 0 : i32
      %add3A_156 = arith.addi %mul3A_154, %add3A_155 : i32
      %dma_wait3A_157 = arith.constant 0 : i32
      %dma_wait3A_158 = tpu.memref_slice %arg7[%add3A_156, %dma_wait3A_157] : memref<160x128xi32, #tpu.memory_space<vmem>> -> memref<1x128xi32, #tpu.memory_space<vmem>>
      %dma_wait3A_159 = tpu.memref_squeeze %dma_wait3A_158 : memref<1x128xi32, #tpu.memory_space<vmem>> -> memref<128xi32, #tpu.memory_space<vmem>>
      %dma_wait3A_160 = arith.constant 0 : i32
      %dma_wait3A_161 = arith.constant 0 : i32
      %dma_wait3A_162 = tpu.memref_slice %arg2[%arg0, %dma_wait3A_160, %dma_wait3A_161] : memref<2x10240x64xf32, #tpu.memory_space<hbm>> -> memref<1x10240x64xf32, #tpu.memory_space<hbm>>
      %dma_wait3A_163 = tpu.memref_squeeze %dma_wait3A_162 : memref<1x10240x64xf32, #tpu.memory_space<hbm>> -> memref<10240x64xf32, #tpu.memory_space<hbm>>
      %dma_wait3A_164 = arith.constant 0 : i32
      %dma_wait3A_165 = arith.constant 0 : i32
      %dma_wait3A_166 = tpu.memref_slice %dma_wait3A_163[%dma_wait3A_164, %dma_wait3A_165] : memref<10240x64xf32, #tpu.memory_space<hbm>> -> memref<10240x64xf32, #tpu.memory_space<hbm>>
      tpu.wait_indirect_dma semaphore(%arg15 : memref<!tpu.dma_semaphore, #tpu.memory_space<semaphore_mem>>) src(%dma_wait3A_166 : memref<10240x64xf32, #tpu.memory_space<hbm>>) dst(%arg9 : memref<128x64xf32, #tpu.memory_space<vmem>>)
      %add3A_167 = arith.constant 0 : i32
      %add3A_168 = arith.addi %mul3A_154, %add3A_167 : i32
      %dma_start3A_169 = arith.constant 0 : i32
      %dma_start3A_170 = tpu.memref_slice %arg8[%add3A_168, %dma_start3A_169] : memref<160x128xi32, #tpu.memory_space<vmem>> -> memref<1x128xi32, #tpu.memory_space<vmem>>
      %dma_start3A_171 = tpu.memref_squeeze %dma_start3A_170 : memref<1x128xi32, #tpu.memory_space<vmem>> -> memref<128xi32, #tpu.memory_space<vmem>>
      %dma_start3A_172 = arith.constant 0 : i32
      %dma_start3A_173 = arith.constant 0 : i32
      %dma_start3A_174 = tpu.memref_slice %arg14[%dma_start3A_172, %dma_start3A_173] : memref<10240x64xf32, #tpu.memory_space<vmem_shared>> -> memref<10240x64xf32, #tpu.memory_space<vmem_shared>>
      tpu.enqueue_indirect_dma source(%arg9 : memref<128x64xf32, #tpu.memory_space<vmem>>) target(%dma_start3A_174 : memref<10240x64xf32, #tpu.memory_space<vmem_shared>>) offsets(%dma_start3A_171 : memref<128xi32, #tpu.memory_space<vmem>>) semaphore(%arg20 : memref<!tpu.dma_semaphore, #tpu.memory_space<semaphore_mem>>) {add = true}
      %add3A_175 = arith.constant 1 : i32
      %add3A_176 = arith.addi %mul3A_154, %add3A_175 : i32
      %dma_wait3A_177 = arith.constant 0 : i32
      %dma_wait3A_178 = tpu.memref_slice %arg7[%add3A_176, %dma_wait3A_177] : memref<160x128xi32, #tpu.memory_space<vmem>> -> memref<1x128xi32, #tpu.memory_space<vmem>>
      %dma_wait3A_179 = tpu.memref_squeeze %dma_wait3A_178 : memref<1x128xi32, #tpu.memory_space<vmem>> -> memref<128xi32, #tpu.memory_space<vmem>>
      %dma_wait3A_180 = arith.constant 0 : i32
      %dma_wait3A_181 = arith.constant 0 : i32
      %dma_wait3A_182 = tpu.memref_slice %arg2[%arg0, %dma_wait3A_180, %dma_wait3A_181] : memref<2x10240x64xf32, #tpu.memory_space<hbm>> -> memref<1x10240x64xf32, #tpu.memory_space<hbm>>
      %dma_wait3A_183 = tpu.memref_squeeze %dma_wait3A_182 : memref<1x10240x64xf32, #tpu.memory_space<hbm>> -> memref<10240x64xf32, #tpu.memory_space<hbm>>
      %dma_wait3A_184 = arith.constant 0 : i32
      %dma_wait3A_185 = arith.constant 0 : i32
      %dma_wait3A_186 = tpu.memref_slice %dma_wait3A_183[%dma_wait3A_184, %dma_wait3A_185] : memref<10240x64xf32, #tpu.memory_space<hbm>> -> memref<10240x64xf32, #tpu.memory_space<hbm>>
      tpu.wait_indirect_dma semaphore(%arg16 : memref<!tpu.dma_semaphore, #tpu.memory_space<semaphore_mem>>) src(%dma_wait3A_186 : memref<10240x64xf32, #tpu.memory_space<hbm>>) dst(%arg10 : memref<128x64xf32, #tpu.memory_space<vmem>>)
      %add3A_187 = arith.constant 1 : i32
      %add3A_188 = arith.addi %mul3A_154, %add3A_187 : i32
      %dma_start3A_189 = arith.constant 0 : i32
      %dma_start3A_190 = tpu.memref_slice %arg8[%add3A_188, %dma_start3A_189] : memref<160x128xi32, #tpu.memory_space<vmem>> -> memref<1x128xi32, #tpu.memory_space<vmem>>
      %dma_start3A_191 = tpu.memref_squeeze %dma_start3A_190 : memref<1x128xi32, #tpu.memory_space<vmem>> -> memref<128xi32, #tpu.memory_space<vmem>>
      %dma_start3A_192 = arith.constant 0 : i32
      %dma_start3A_193 = arith.constant 0 : i32
      %dma_start3A_194 = tpu.memref_slice %arg14[%dma_start3A_192, %dma_start3A_193] : memref<10240x64xf32, #tpu.memory_space<vmem_shared>> -> memref<10240x64xf32, #tpu.memory_space<vmem_shared>>
      tpu.enqueue_indirect_dma source(%arg10 : memref<128x64xf32, #tpu.memory_space<vmem>>) target(%dma_start3A_194 : memref<10240x64xf32, #tpu.memory_space<vmem_shared>>) offsets(%dma_start3A_191 : memref<128xi32, #tpu.memory_space<vmem>>) semaphore(%arg21 : memref<!tpu.dma_semaphore, #tpu.memory_space<semaphore_mem>>) {add = true}
      %add3A_195 = arith.constant 2 : i32
      %add3A_196 = arith.addi %mul3A_154, %add3A_195 : i32
      %dma_wait3A_197 = arith.constant 0 : i32
      %dma_wait3A_198 = tpu.memref_slice %arg7[%add3A_196, %dma_wait3A_197] : memref<160x128xi32, #tpu.memory_space<vmem>> -> memref<1x128xi32, #tpu.memory_space<vmem>>
      %dma_wait3A_199 = tpu.memref_squeeze %dma_wait3A_198 : memref<1x128xi32, #tpu.memory_space<vmem>> -> memref<128xi32, #tpu.memory_space<vmem>>
      %dma_wait3A_200 = arith.constant 0 : i32
      %dma_wait3A_201 = arith.constant 0 : i32
      %dma_wait3A_202 = tpu.memref_slice %arg2[%arg0, %dma_wait3A_200, %dma_wait3A_201] : memref<2x10240x64xf32, #tpu.memory_space<hbm>> -> memref<1x10240x64xf32, #tpu.memory_space<hbm>>
      %dma_wait3A_203 = tpu.memref_squeeze %dma_wait3A_202 : memref<1x10240x64xf32, #tpu.memory_space<hbm>> -> memref<10240x64xf32, #tpu.memory_space<hbm>>
      %dma_wait3A_204 = arith.constant 0 : i32
      %dma_wait3A_205 = arith.constant 0 : i32
      %dma_wait3A_206 = tpu.memref_slice %dma_wait3A_203[%dma_wait3A_204, %dma_wait3A_205] : memref<10240x64xf32, #tpu.memory_space<hbm>> -> memref<10240x64xf32, #tpu.memory_space<hbm>>
      tpu.wait_indirect_dma semaphore(%arg17 : memref<!tpu.dma_semaphore, #tpu.memory_space<semaphore_mem>>) src(%dma_wait3A_206 : memref<10240x64xf32, #tpu.memory_space<hbm>>) dst(%arg11 : memref<128x64xf32, #tpu.memory_space<vmem>>)
      %add3A_207 = arith.constant 2 : i32
      %add3A_208 = arith.addi %mul3A_154, %add3A_207 : i32
      %dma_start3A_209 = arith.constant 0 : i32
      %dma_start3A_210 = tpu.memref_slice %arg8[%add3A_208, %dma_start3A_209] : memref<160x128xi32, #tpu.memory_space<vmem>> -> memref<1x128xi32, #tpu.memory_space<vmem>>
      %dma_start3A_211 = tpu.memref_squeeze %dma_start3A_210 : memref<1x128xi32, #tpu.memory_space<vmem>> -> memref<128xi32, #tpu.memory_space<vmem>>
      %dma_start3A_212 = arith.constant 0 : i32
      %dma_start3A_213 = arith.constant 0 : i32
      %dma_start3A_214 = tpu.memref_slice %arg14[%dma_start3A_212, %dma_start3A_213] : memref<10240x64xf32, #tpu.memory_space<vmem_shared>> -> memref<10240x64xf32, #tpu.memory_space<vmem_shared>>
      tpu.enqueue_indirect_dma source(%arg11 : memref<128x64xf32, #tpu.memory_space<vmem>>) target(%dma_start3A_214 : memref<10240x64xf32, #tpu.memory_space<vmem_shared>>) offsets(%dma_start3A_211 : memref<128xi32, #tpu.memory_space<vmem>>) semaphore(%arg22 : memref<!tpu.dma_semaphore, #tpu.memory_space<semaphore_mem>>) {add = true}
      %add3A_215 = arith.constant 3 : i32
      %add3A_216 = arith.addi %mul3A_154, %add3A_215 : i32
      %dma_wait3A_217 = arith.constant 0 : i32
      %dma_wait3A_218 = tpu.memref_slice %arg7[%add3A_216, %dma_wait3A_217] : memref<160x128xi32, #tpu.memory_space<vmem>> -> memref<1x128xi32, #tpu.memory_space<vmem>>
      %dma_wait3A_219 = tpu.memref_squeeze %dma_wait3A_218 : memref<1x128xi32, #tpu.memory_space<vmem>> -> memref<128xi32, #tpu.memory_space<vmem>>
      %dma_wait3A_220 = arith.constant 0 : i32
      %dma_wait3A_221 = arith.constant 0 : i32
      %dma_wait3A_222 = tpu.memref_slice %arg2[%arg0, %dma_wait3A_220, %dma_wait3A_221] : memref<2x10240x64xf32, #tpu.memory_space<hbm>> -> memref<1x10240x64xf32, #tpu.memory_space<hbm>>
      %dma_wait3A_223 = tpu.memref_squeeze %dma_wait3A_222 : memref<1x10240x64xf32, #tpu.memory_space<hbm>> -> memref<10240x64xf32, #tpu.memory_space<hbm>>
      %dma_wait3A_224 = arith.constant 0 : i32
      %dma_wait3A_225 = arith.constant 0 : i32
      %dma_wait3A_226 = tpu.memref_slice %dma_wait3A_223[%dma_wait3A_224, %dma_wait3A_225] : memref<10240x64xf32, #tpu.memory_space<hbm>> -> memref<10240x64xf32, #tpu.memory_space<hbm>>
      tpu.wait_indirect_dma semaphore(%arg18 : memref<!tpu.dma_semaphore, #tpu.memory_space<semaphore_mem>>) src(%dma_wait3A_226 : memref<10240x64xf32, #tpu.memory_space<hbm>>) dst(%arg12 : memref<128x64xf32, #tpu.memory_space<vmem>>)
      %add3A_227 = arith.constant 3 : i32
      %add3A_228 = arith.addi %mul3A_154, %add3A_227 : i32
      %dma_start3A_229 = arith.constant 0 : i32
      %dma_start3A_230 = tpu.memref_slice %arg8[%add3A_228, %dma_start3A_229] : memref<160x128xi32, #tpu.memory_space<vmem>> -> memref<1x128xi32, #tpu.memory_space<vmem>>
      %dma_start3A_231 = tpu.memref_squeeze %dma_start3A_230 : memref<1x128xi32, #tpu.memory_space<vmem>> -> memref<128xi32, #tpu.memory_space<vmem>>
      %dma_start3A_232 = arith.constant 0 : i32
      %dma_start3A_233 = arith.constant 0 : i32
      %dma_start3A_234 = tpu.memref_slice %arg14[%dma_start3A_232, %dma_start3A_233] : memref<10240x64xf32, #tpu.memory_space<vmem_shared>> -> memref<10240x64xf32, #tpu.memory_space<vmem_shared>>
      tpu.enqueue_indirect_dma source(%arg12 : memref<128x64xf32, #tpu.memory_space<vmem>>) target(%dma_start3A_234 : memref<10240x64xf32, #tpu.memory_space<vmem_shared>>) offsets(%dma_start3A_231 : memref<128xi32, #tpu.memory_space<vmem>>) semaphore(%arg23 : memref<!tpu.dma_semaphore, #tpu.memory_space<semaphore_mem>>) {add = true}
      %add3A_235 = arith.constant 4 : i32
      %add3A_236 = arith.addi %mul3A_154, %add3A_235 : i32
      %dma_wait3A_237 = arith.constant 0 : i32
      %dma_wait3A_238 = tpu.memref_slice %arg7[%add3A_236, %dma_wait3A_237] : memref<160x128xi32, #tpu.memory_space<vmem>> -> memref<1x128xi32, #tpu.memory_space<vmem>>
      %dma_wait3A_239 = tpu.memref_squeeze %dma_wait3A_238 : memref<1x128xi32, #tpu.memory_space<vmem>> -> memref<128xi32, #tpu.memory_space<vmem>>
      %dma_wait3A_240 = arith.constant 0 : i32
      %dma_wait3A_241 = arith.constant 0 : i32
      %dma_wait3A_242 = tpu.memref_slice %arg2[%arg0, %dma_wait3A_240, %dma_wait3A_241] : memref<2x10240x64xf32, #tpu.memory_space<hbm>> -> memref<1x10240x64xf32, #tpu.memory_space<hbm>>
      %dma_wait3A_243 = tpu.memref_squeeze %dma_wait3A_242 : memref<1x10240x64xf32, #tpu.memory_space<hbm>> -> memref<10240x64xf32, #tpu.memory_space<hbm>>
      %dma_wait3A_244 = arith.constant 0 : i32
      %dma_wait3A_245 = arith.constant 0 : i32
      %dma_wait3A_246 = tpu.memref_slice %dma_wait3A_243[%dma_wait3A_244, %dma_wait3A_245] : memref<10240x64xf32, #tpu.memory_space<hbm>> -> memref<10240x64xf32, #tpu.memory_space<hbm>>
      tpu.wait_indirect_dma semaphore(%arg19 : memref<!tpu.dma_semaphore, #tpu.memory_space<semaphore_mem>>) src(%dma_wait3A_246 : memref<10240x64xf32, #tpu.memory_space<hbm>>) dst(%arg13 : memref<128x64xf32, #tpu.memory_space<vmem>>)
      %add3A_247 = arith.constant 4 : i32
      %add3A_248 = arith.addi %mul3A_154, %add3A_247 : i32
      %dma_start3A_249 = arith.constant 0 : i32
      %dma_start3A_250 = tpu.memref_slice %arg8[%add3A_248, %dma_start3A_249] : memref<160x128xi32, #tpu.memory_space<vmem>> -> memref<1x128xi32, #tpu.memory_space<vmem>>
      %dma_start3A_251 = tpu.memref_squeeze %dma_start3A_250 : memref<1x128xi32, #tpu.memory_space<vmem>> -> memref<128xi32, #tpu.memory_space<vmem>>
      %dma_start3A_252 = arith.constant 0 : i32
      %dma_start3A_253 = arith.constant 0 : i32
      %dma_start3A_254 = tpu.memref_slice %arg14[%dma_start3A_252, %dma_start3A_253] : memref<10240x64xf32, #tpu.memory_space<vmem_shared>> -> memref<10240x64xf32, #tpu.memory_space<vmem_shared>>
      tpu.enqueue_indirect_dma source(%arg13 : memref<128x64xf32, #tpu.memory_space<vmem>>) target(%dma_start3A_254 : memref<10240x64xf32, #tpu.memory_space<vmem_shared>>) offsets(%dma_start3A_251 : memref<128xi32, #tpu.memory_space<vmem>>) semaphore(%arg24 : memref<!tpu.dma_semaphore, #tpu.memory_space<semaphore_mem>>) {add = true}
      %add3A_255 = arith.constant 0 : i32
      %add3A_256 = arith.addi %mul3A_154, %add3A_255 : i32
      %dma_wait3A_257 = arith.constant 0 : i32
      %dma_wait3A_258 = tpu.memref_slice %arg8[%add3A_256, %dma_wait3A_257] : memref<160x128xi32, #tpu.memory_space<vmem>> -> memref<1x128xi32, #tpu.memory_space<vmem>>
      %dma_wait3A_259 = tpu.memref_squeeze %dma_wait3A_258 : memref<1x128xi32, #tpu.memory_space<vmem>> -> memref<128xi32, #tpu.memory_space<vmem>>
      %dma_wait3A_260 = arith.constant 0 : i32
      %dma_wait3A_261 = arith.constant 0 : i32
      %dma_wait3A_262 = tpu.memref_slice %arg14[%dma_wait3A_260, %dma_wait3A_261] : memref<10240x64xf32, #tpu.memory_space<vmem_shared>> -> memref<10240x64xf32, #tpu.memory_space<vmem_shared>>
      tpu.wait_indirect_dma semaphore(%arg20 : memref<!tpu.dma_semaphore, #tpu.memory_space<semaphore_mem>>) src(%arg9 : memref<128x64xf32, #tpu.memory_space<vmem>>) dst(%dma_wait3A_262 : memref<10240x64xf32, #tpu.memory_space<vmem_shared>>)
      %add3A_263 = arith.constant 5 : i32
      %add3A_264 = arith.addi %mul3A_154, %add3A_263 : i32
      %add3A_265 = arith.constant 0 : i32
      %add3A_266 = arith.addi %add3A_264, %add3A_265 : i32
      %min3A = arith.constant 159 : i32
      %min3A_267 = arith.minsi %add3A_266, %min3A : i32
      %dma_start3A_268 = arith.constant 0 : i32
      %dma_start3A_269 = tpu.memref_slice %arg7[%min3A_267, %dma_start3A_268] : memref<160x128xi32, #tpu.memory_space<vmem>> -> memref<1x128xi32, #tpu.memory_space<vmem>>
      %dma_start3A_270 = tpu.memref_squeeze %dma_start3A_269 : memref<1x128xi32, #tpu.memory_space<vmem>> -> memref<128xi32, #tpu.memory_space<vmem>>
      %dma_start3A_271 = arith.constant 0 : i32
      %dma_start3A_272 = arith.constant 0 : i32
      %dma_start3A_273 = tpu.memref_slice %arg2[%arg0, %dma_start3A_271, %dma_start3A_272] : memref<2x10240x64xf32, #tpu.memory_space<hbm>> -> memref<1x10240x64xf32, #tpu.memory_space<hbm>>
      %dma_start3A_274 = tpu.memref_squeeze %dma_start3A_273 : memref<1x10240x64xf32, #tpu.memory_space<hbm>> -> memref<10240x64xf32, #tpu.memory_space<hbm>>
      %dma_start3A_275 = arith.constant 0 : i32
      %dma_start3A_276 = arith.constant 0 : i32
      %dma_start3A_277 = tpu.memref_slice %dma_start3A_274[%dma_start3A_275, %dma_start3A_276] : memref<10240x64xf32, #tpu.memory_space<hbm>> -> memref<10240x64xf32, #tpu.memory_space<hbm>>
      tpu.enqueue_indirect_dma source(%dma_start3A_277 : memref<10240x64xf32, #tpu.memory_space<hbm>>) target(%arg9 : memref<128x64xf32, #tpu.memory_space<vmem>>) offsets(%dma_start3A_270 : memref<128xi32, #tpu.memory_space<vmem>>) semaphore(%arg15 : memref<!tpu.dma_semaphore, #tpu.memory_space<semaphore_mem>>)
      %add3A_278 = arith.constant 1 : i32
      %add3A_279 = arith.addi %mul3A_154, %add3A_278 : i32
      %dma_wait3A_280 = arith.constant 0 : i32
      %dma_wait3A_281 = tpu.memref_slice %arg8[%add3A_279, %dma_wait3A_280] : memref<160x128xi32, #tpu.memory_space<vmem>> -> memref<1x128xi32, #tpu.memory_space<vmem>>
      %dma_wait3A_282 = tpu.memref_squeeze %dma_wait3A_281 : memref<1x128xi32, #tpu.memory_space<vmem>> -> memref<128xi32, #tpu.memory_space<vmem>>
      %dma_wait3A_283 = arith.constant 0 : i32
      %dma_wait3A_284 = arith.constant 0 : i32
      %dma_wait3A_285 = tpu.memref_slice %arg14[%dma_wait3A_283, %dma_wait3A_284] : memref<10240x64xf32, #tpu.memory_space<vmem_shared>> -> memref<10240x64xf32, #tpu.memory_space<vmem_shared>>
      tpu.wait_indirect_dma semaphore(%arg21 : memref<!tpu.dma_semaphore, #tpu.memory_space<semaphore_mem>>) src(%arg10 : memref<128x64xf32, #tpu.memory_space<vmem>>) dst(%dma_wait3A_285 : memref<10240x64xf32, #tpu.memory_space<vmem_shared>>)
      %add3A_286 = arith.constant 5 : i32
      %add3A_287 = arith.addi %mul3A_154, %add3A_286 : i32
      %add3A_288 = arith.constant 1 : i32
      %add3A_289 = arith.addi %add3A_287, %add3A_288 : i32
      %min3A_290 = arith.constant 159 : i32
      %min3A_291 = arith.minsi %add3A_289, %min3A_290 : i32
      %dma_start3A_292 = arith.constant 0 : i32
      %dma_start3A_293 = tpu.memref_slice %arg7[%min3A_291, %dma_start3A_292] : memref<160x128xi32, #tpu.memory_space<vmem>> -> memref<1x128xi32, #tpu.memory_space<vmem>>
      %dma_start3A_294 = tpu.memref_squeeze %dma_start3A_293 : memref<1x128xi32, #tpu.memory_space<vmem>> -> memref<128xi32, #tpu.memory_space<vmem>>
      %dma_start3A_295 = arith.constant 0 : i32
      %dma_start3A_296 = arith.constant 0 : i32
      %dma_start3A_297 = tpu.memref_slice %arg2[%arg0, %dma_start3A_295, %dma_start3A_296] : memref<2x10240x64xf32, #tpu.memory_space<hbm>> -> memref<1x10240x64xf32, #tpu.memory_space<hbm>>
      %dma_start3A_298 = tpu.memref_squeeze %dma_start3A_297 : memref<1x10240x64xf32, #tpu.memory_space<hbm>> -> memref<10240x64xf32, #tpu.memory_space<hbm>>
      %dma_start3A_299 = arith.constant 0 : i32
      %dma_start3A_300 = arith.constant 0 : i32
      %dma_start3A_301 = tpu.memref_slice %dma_start3A_298[%dma_start3A_299, %dma_start3A_300] : memref<10240x64xf32, #tpu.memory_space<hbm>> -> memref<10240x64xf32, #tpu.memory_space<hbm>>
      tpu.enqueue_indirect_dma source(%dma_start3A_301 : memref<10240x64xf32, #tpu.memory_space<hbm>>) target(%arg10 : memref<128x64xf32, #tpu.memory_space<vmem>>) offsets(%dma_start3A_294 : memref<128xi32, #tpu.memory_space<vmem>>) semaphore(%arg16 : memref<!tpu.dma_semaphore, #tpu.memory_space<semaphore_mem>>)
      %add3A_302 = arith.constant 2 : i32
      %add3A_303 = arith.addi %mul3A_154, %add3A_302 : i32
      %dma_wait3A_304 = arith.constant 0 : i32
      %dma_wait3A_305 = tpu.memref_slice %arg8[%add3A_303, %dma_wait3A_304] : memref<160x128xi32, #tpu.memory_space<vmem>> -> memref<1x128xi32, #tpu.memory_space<vmem>>
      %dma_wait3A_306 = tpu.memref_squeeze %dma_wait3A_305 : memref<1x128xi32, #tpu.memory_space<vmem>> -> memref<128xi32, #tpu.memory_space<vmem>>
      %dma_wait3A_307 = arith.constant 0 : i32
      %dma_wait3A_308 = arith.constant 0 : i32
      %dma_wait3A_309 = tpu.memref_slice %arg14[%dma_wait3A_307, %dma_wait3A_308] : memref<10240x64xf32, #tpu.memory_space<vmem_shared>> -> memref<10240x64xf32, #tpu.memory_space<vmem_shared>>
      tpu.wait_indirect_dma semaphore(%arg22 : memref<!tpu.dma_semaphore, #tpu.memory_space<semaphore_mem>>) src(%arg11 : memref<128x64xf32, #tpu.memory_space<vmem>>) dst(%dma_wait3A_309 : memref<10240x64xf32, #tpu.memory_space<vmem_shared>>)
      %add3A_310 = arith.constant 5 : i32
      %add3A_311 = arith.addi %mul3A_154, %add3A_310 : i32
      %add3A_312 = arith.constant 2 : i32
      %add3A_313 = arith.addi %add3A_311, %add3A_312 : i32
      %min3A_314 = arith.constant 159 : i32
      %min3A_315 = arith.minsi %add3A_313, %min3A_314 : i32
      %dma_start3A_316 = arith.constant 0 : i32
      %dma_start3A_317 = tpu.memref_slice %arg7[%min3A_315, %dma_start3A_316] : memref<160x128xi32, #tpu.memory_space<vmem>> -> memref<1x128xi32, #tpu.memory_space<vmem>>
      %dma_start3A_318 = tpu.memref_squeeze %dma_start3A_317 : memref<1x128xi32, #tpu.memory_space<vmem>> -> memref<128xi32, #tpu.memory_space<vmem>>
      %dma_start3A_319 = arith.constant 0 : i32
      %dma_start3A_320 = arith.constant 0 : i32
      %dma_start3A_321 = tpu.memref_slice %arg2[%arg0, %dma_start3A_319, %dma_start3A_320] : memref<2x10240x64xf32, #tpu.memory_space<hbm>> -> memref<1x10240x64xf32, #tpu.memory_space<hbm>>
      %dma_start3A_322 = tpu.memref_squeeze %dma_start3A_321 : memref<1x10240x64xf32, #tpu.memory_space<hbm>> -> memref<10240x64xf32, #tpu.memory_space<hbm>>
      %dma_start3A_323 = arith.constant 0 : i32
      %dma_start3A_324 = arith.constant 0 : i32
      %dma_start3A_325 = tpu.memref_slice %dma_start3A_322[%dma_start3A_323, %dma_start3A_324] : memref<10240x64xf32, #tpu.memory_space<hbm>> -> memref<10240x64xf32, #tpu.memory_space<hbm>>
      tpu.enqueue_indirect_dma source(%dma_start3A_325 : memref<10240x64xf32, #tpu.memory_space<hbm>>) target(%arg11 : memref<128x64xf32, #tpu.memory_space<vmem>>) offsets(%dma_start3A_318 : memref<128xi32, #tpu.memory_space<vmem>>) semaphore(%arg17 : memref<!tpu.dma_semaphore, #tpu.memory_space<semaphore_mem>>)
      %add3A_326 = arith.constant 3 : i32
      %add3A_327 = arith.addi %mul3A_154, %add3A_326 : i32
      %dma_wait3A_328 = arith.constant 0 : i32
      %dma_wait3A_329 = tpu.memref_slice %arg8[%add3A_327, %dma_wait3A_328] : memref<160x128xi32, #tpu.memory_space<vmem>> -> memref<1x128xi32, #tpu.memory_space<vmem>>
      %dma_wait3A_330 = tpu.memref_squeeze %dma_wait3A_329 : memref<1x128xi32, #tpu.memory_space<vmem>> -> memref<128xi32, #tpu.memory_space<vmem>>
      %dma_wait3A_331 = arith.constant 0 : i32
      %dma_wait3A_332 = arith.constant 0 : i32
      %dma_wait3A_333 = tpu.memref_slice %arg14[%dma_wait3A_331, %dma_wait3A_332] : memref<10240x64xf32, #tpu.memory_space<vmem_shared>> -> memref<10240x64xf32, #tpu.memory_space<vmem_shared>>
      tpu.wait_indirect_dma semaphore(%arg23 : memref<!tpu.dma_semaphore, #tpu.memory_space<semaphore_mem>>) src(%arg12 : memref<128x64xf32, #tpu.memory_space<vmem>>) dst(%dma_wait3A_333 : memref<10240x64xf32, #tpu.memory_space<vmem_shared>>)
      %add3A_334 = arith.constant 5 : i32
      %add3A_335 = arith.addi %mul3A_154, %add3A_334 : i32
      %add3A_336 = arith.constant 3 : i32
      %add3A_337 = arith.addi %add3A_335, %add3A_336 : i32
      %min3A_338 = arith.constant 159 : i32
      %min3A_339 = arith.minsi %add3A_337, %min3A_338 : i32
      %dma_start3A_340 = arith.constant 0 : i32
      %dma_start3A_341 = tpu.memref_slice %arg7[%min3A_339, %dma_start3A_340] : memref<160x128xi32, #tpu.memory_space<vmem>> -> memref<1x128xi32, #tpu.memory_space<vmem>>
      %dma_start3A_342 = tpu.memref_squeeze %dma_start3A_341 : memref<1x128xi32, #tpu.memory_space<vmem>> -> memref<128xi32, #tpu.memory_space<vmem>>
      %dma_start3A_343 = arith.constant 0 : i32
      %dma_start3A_344 = arith.constant 0 : i32
      %dma_start3A_345 = tpu.memref_slice %arg2[%arg0, %dma_start3A_343, %dma_start3A_344] : memref<2x10240x64xf32, #tpu.memory_space<hbm>> -> memref<1x10240x64xf32, #tpu.memory_space<hbm>>
      %dma_start3A_346 = tpu.memref_squeeze %dma_start3A_345 : memref<1x10240x64xf32, #tpu.memory_space<hbm>> -> memref<10240x64xf32, #tpu.memory_space<hbm>>
      %dma_start3A_347 = arith.constant 0 : i32
      %dma_start3A_348 = arith.constant 0 : i32
      %dma_start3A_349 = tpu.memref_slice %dma_start3A_346[%dma_start3A_347, %dma_start3A_348] : memref<10240x64xf32, #tpu.memory_space<hbm>> -> memref<10240x64xf32, #tpu.memory_space<hbm>>
      tpu.enqueue_indirect_dma source(%dma_start3A_349 : memref<10240x64xf32, #tpu.memory_space<hbm>>) target(%arg12 : memref<128x64xf32, #tpu.memory_space<vmem>>) offsets(%dma_start3A_342 : memref<128xi32, #tpu.memory_space<vmem>>) semaphore(%arg18 : memref<!tpu.dma_semaphore, #tpu.memory_space<semaphore_mem>>)
      %add3A_350 = arith.constant 4 : i32
      %add3A_351 = arith.addi %mul3A_154, %add3A_350 : i32
      %dma_wait3A_352 = arith.constant 0 : i32
      %dma_wait3A_353 = tpu.memref_slice %arg8[%add3A_351, %dma_wait3A_352] : memref<160x128xi32, #tpu.memory_space<vmem>> -> memref<1x128xi32, #tpu.memory_space<vmem>>
      %dma_wait3A_354 = tpu.memref_squeeze %dma_wait3A_353 : memref<1x128xi32, #tpu.memory_space<vmem>> -> memref<128xi32, #tpu.memory_space<vmem>>
      %dma_wait3A_355 = arith.constant 0 : i32
      %dma_wait3A_356 = arith.constant 0 : i32
      %dma_wait3A_357 = tpu.memref_slice %arg14[%dma_wait3A_355, %dma_wait3A_356] : memref<10240x64xf32, #tpu.memory_space<vmem_shared>> -> memref<10240x64xf32, #tpu.memory_space<vmem_shared>>
      tpu.wait_indirect_dma semaphore(%arg24 : memref<!tpu.dma_semaphore, #tpu.memory_space<semaphore_mem>>) src(%arg13 : memref<128x64xf32, #tpu.memory_space<vmem>>) dst(%dma_wait3A_357 : memref<10240x64xf32, #tpu.memory_space<vmem_shared>>)
      %add3A_358 = arith.constant 5 : i32
      %add3A_359 = arith.addi %mul3A_154, %add3A_358 : i32
      %add3A_360 = arith.constant 4 : i32
      %add3A_361 = arith.addi %add3A_359, %add3A_360 : i32
      %min3A_362 = arith.constant 159 : i32
      %min3A_363 = arith.minsi %add3A_361, %min3A_362 : i32
      %dma_start3A_364 = arith.constant 0 : i32
      %dma_start3A_365 = tpu.memref_slice %arg7[%min3A_363, %dma_start3A_364] : memref<160x128xi32, #tpu.memory_space<vmem>> -> memref<1x128xi32, #tpu.memory_space<vmem>>
      %dma_start3A_366 = tpu.memref_squeeze %dma_start3A_365 : memref<1x128xi32, #tpu.memory_space<vmem>> -> memref<128xi32, #tpu.memory_space<vmem>>
      %dma_start3A_367 = arith.constant 0 : i32
      %dma_start3A_368 = arith.constant 0 : i32
      %dma_start3A_369 = tpu.memref_slice %arg2[%arg0, %dma_start3A_367, %dma_start3A_368] : memref<2x10240x64xf32, #tpu.memory_space<hbm>> -> memref<1x10240x64xf32, #tpu.memory_space<hbm>>
      %dma_start3A_370 = tpu.memref_squeeze %dma_start3A_369 : memref<1x10240x64xf32, #tpu.memory_space<hbm>> -> memref<10240x64xf32, #tpu.memory_space<hbm>>
      %dma_start3A_371 = arith.constant 0 : i32
      %dma_start3A_372 = arith.constant 0 : i32
      %dma_start3A_373 = tpu.memref_slice %dma_start3A_370[%dma_start3A_371, %dma_start3A_372] : memref<10240x64xf32, #tpu.memory_space<hbm>> -> memref<10240x64xf32, #tpu.memory_space<hbm>>
      tpu.enqueue_indirect_dma source(%dma_start3A_373 : memref<10240x64xf32, #tpu.memory_space<hbm>>) target(%arg13 : memref<128x64xf32, #tpu.memory_space<vmem>>) offsets(%dma_start3A_366 : memref<128xi32, #tpu.memory_space<vmem>>) semaphore(%arg19 : memref<!tpu.dma_semaphore, #tpu.memory_space<semaphore_mem>>)
    }
    %scan3A_76 = arith.constant 32 : i32
    %dma_wait3A = arith.constant 159 : i32
    %dma_wait3A_77 = arith.constant 0 : i32
    %dma_wait3A_78 = tpu.memref_slice %arg7[%dma_wait3A, %dma_wait3A_77] : memref<160x128xi32, #tpu.memory_space<vmem>> -> memref<1x128xi32, #tpu.memory_space<vmem>>
    %dma_wait3A_79 = tpu.memref_squeeze %dma_wait3A_78 : memref<1x128xi32, #tpu.memory_space<vmem>> -> memref<128xi32, #tpu.memory_space<vmem>>
    %dma_wait3A_80 = arith.constant 0 : i32
    %dma_wait3A_81 = arith.constant 0 : i32
    %dma_wait3A_82 = tpu.memref_slice %arg2[%arg0, %dma_wait3A_80, %dma_wait3A_81] : memref<2x10240x64xf32, #tpu.memory_space<hbm>> -> memref<1x10240x64xf32, #tpu.memory_space<hbm>>
    %dma_wait3A_83 = tpu.memref_squeeze %dma_wait3A_82 : memref<1x10240x64xf32, #tpu.memory_space<hbm>> -> memref<10240x64xf32, #tpu.memory_space<hbm>>
    %dma_wait3A_84 = arith.constant 0 : i32
    %dma_wait3A_85 = arith.constant 0 : i32
    %dma_wait3A_86 = tpu.memref_slice %dma_wait3A_83[%dma_wait3A_84, %dma_wait3A_85] : memref<10240x64xf32, #tpu.memory_space<hbm>> -> memref<10240x64xf32, #tpu.memory_space<hbm>>
    tpu.wait_indirect_dma semaphore(%arg15 : memref<!tpu.dma_semaphore, #tpu.memory_space<semaphore_mem>>) src(%dma_wait3A_86 : memref<10240x64xf32, #tpu.memory_space<hbm>>) dst(%arg9 : memref<128x64xf32, #tpu.memory_space<vmem>>)
    %dma_wait3A_87 = arith.constant 159 : i32
    %dma_wait3A_88 = arith.constant 0 : i32
    %dma_wait3A_89 = tpu.memref_slice %arg7[%dma_wait3A_87, %dma_wait3A_88] : memref<160x128xi32, #tpu.memory_space<vmem>> -> memref<1x128xi32, #tpu.memory_space<vmem>>
    %dma_wait3A_90 = tpu.memref_squeeze %dma_wait3A_89 : memref<1x128xi32, #tpu.memory_space<vmem>> -> memref<128xi32, #tpu.memory_space<vmem>>
    %dma_wait3A_91 = arith.constant 0 : i32
    %dma_wait3A_92 = arith.constant 0 : i32
    %dma_wait3A_93 = tpu.memref_slice %arg2[%arg0, %dma_wait3A_91, %dma_wait3A_92] : memref<2x10240x64xf32, #tpu.memory_space<hbm>> -> memref<1x10240x64xf32, #tpu.memory_space<hbm>>
    %dma_wait3A_94 = tpu.memref_squeeze %dma_wait3A_93 : memref<1x10240x64xf32, #tpu.memory_space<hbm>> -> memref<10240x64xf32, #tpu.memory_space<hbm>>
    %dma_wait3A_95 = arith.constant 0 : i32
    %dma_wait3A_96 = arith.constant 0 : i32
    %dma_wait3A_97 = tpu.memref_slice %dma_wait3A_94[%dma_wait3A_95, %dma_wait3A_96] : memref<10240x64xf32, #tpu.memory_space<hbm>> -> memref<10240x64xf32, #tpu.memory_space<hbm>>
    tpu.wait_indirect_dma semaphore(%arg16 : memref<!tpu.dma_semaphore, #tpu.memory_space<semaphore_mem>>) src(%dma_wait3A_97 : memref<10240x64xf32, #tpu.memory_space<hbm>>) dst(%arg10 : memref<128x64xf32, #tpu.memory_space<vmem>>)
    %dma_wait3A_98 = arith.constant 159 : i32
    %dma_wait3A_99 = arith.constant 0 : i32
    %dma_wait3A_100 = tpu.memref_slice %arg7[%dma_wait3A_98, %dma_wait3A_99] : memref<160x128xi32, #tpu.memory_space<vmem>> -> memref<1x128xi32, #tpu.memory_space<vmem>>
    %dma_wait3A_101 = tpu.memref_squeeze %dma_wait3A_100 : memref<1x128xi32, #tpu.memory_space<vmem>> -> memref<128xi32, #tpu.memory_space<vmem>>
    %dma_wait3A_102 = arith.constant 0 : i32
    %dma_wait3A_103 = arith.constant 0 : i32
    %dma_wait3A_104 = tpu.memref_slice %arg2[%arg0, %dma_wait3A_102, %dma_wait3A_103] : memref<2x10240x64xf32, #tpu.memory_space<hbm>> -> memref<1x10240x64xf32, #tpu.memory_space<hbm>>
    %dma_wait3A_105 = tpu.memref_squeeze %dma_wait3A_104 : memref<1x10240x64xf32, #tpu.memory_space<hbm>> -> memref<10240x64xf32, #tpu.memory_space<hbm>>
    %dma_wait3A_106 = arith.constant 0 : i32
    %dma_wait3A_107 = arith.constant 0 : i32
    %dma_wait3A_108 = tpu.memref_slice %dma_wait3A_105[%dma_wait3A_106, %dma_wait3A_107] : memref<10240x64xf32, #tpu.memory_space<hbm>> -> memref<10240x64xf32, #tpu.memory_space<hbm>>
    tpu.wait_indirect_dma semaphore(%arg17 : memref<!tpu.dma_semaphore, #tpu.memory_space<semaphore_mem>>) src(%dma_wait3A_108 : memref<10240x64xf32, #tpu.memory_space<hbm>>) dst(%arg11 : memref<128x64xf32, #tpu.memory_space<vmem>>)
    %dma_wait3A_109 = arith.constant 159 : i32
    %dma_wait3A_110 = arith.constant 0 : i32
    %dma_wait3A_111 = tpu.memref_slice %arg7[%dma_wait3A_109, %dma_wait3A_110] : memref<160x128xi32, #tpu.memory_space<vmem>> -> memref<1x128xi32, #tpu.memory_space<vmem>>
    %dma_wait3A_112 = tpu.memref_squeeze %dma_wait3A_111 : memref<1x128xi32, #tpu.memory_space<vmem>> -> memref<128xi32, #tpu.memory_space<vmem>>
    %dma_wait3A_113 = arith.constant 0 : i32
    %dma_wait3A_114 = arith.constant 0 : i32
    %dma_wait3A_115 = tpu.memref_slice %arg2[%arg0, %dma_wait3A_113, %dma_wait3A_114] : memref<2x10240x64xf32, #tpu.memory_space<hbm>> -> memref<1x10240x64xf32, #tpu.memory_space<hbm>>
    %dma_wait3A_116 = tpu.memref_squeeze %dma_wait3A_115 : memref<1x10240x64xf32, #tpu.memory_space<hbm>> -> memref<10240x64xf32, #tpu.memory_space<hbm>>
    %dma_wait3A_117 = arith.constant 0 : i32
    %dma_wait3A_118 = arith.constant 0 : i32
    %dma_wait3A_119 = tpu.memref_slice %dma_wait3A_116[%dma_wait3A_117, %dma_wait3A_118] : memref<10240x64xf32, #tpu.memory_space<hbm>> -> memref<10240x64xf32, #tpu.memory_space<hbm>>
    tpu.wait_indirect_dma semaphore(%arg18 : memref<!tpu.dma_semaphore, #tpu.memory_space<semaphore_mem>>) src(%dma_wait3A_119 : memref<10240x64xf32, #tpu.memory_space<hbm>>) dst(%arg12 : memref<128x64xf32, #tpu.memory_space<vmem>>)
    %dma_wait3A_120 = arith.constant 159 : i32
    %dma_wait3A_121 = arith.constant 0 : i32
    %dma_wait3A_122 = tpu.memref_slice %arg7[%dma_wait3A_120, %dma_wait3A_121] : memref<160x128xi32, #tpu.memory_space<vmem>> -> memref<1x128xi32, #tpu.memory_space<vmem>>
    %dma_wait3A_123 = tpu.memref_squeeze %dma_wait3A_122 : memref<1x128xi32, #tpu.memory_space<vmem>> -> memref<128xi32, #tpu.memory_space<vmem>>
    %dma_wait3A_124 = arith.constant 0 : i32
    %dma_wait3A_125 = arith.constant 0 : i32
    %dma_wait3A_126 = tpu.memref_slice %arg2[%arg0, %dma_wait3A_124, %dma_wait3A_125] : memref<2x10240x64xf32, #tpu.memory_space<hbm>> -> memref<1x10240x64xf32, #tpu.memory_space<hbm>>
    %dma_wait3A_127 = tpu.memref_squeeze %dma_wait3A_126 : memref<1x10240x64xf32, #tpu.memory_space<hbm>> -> memref<10240x64xf32, #tpu.memory_space<hbm>>
    %dma_wait3A_128 = arith.constant 0 : i32
    %dma_wait3A_129 = arith.constant 0 : i32
    %dma_wait3A_130 = tpu.memref_slice %dma_wait3A_127[%dma_wait3A_128, %dma_wait3A_129] : memref<10240x64xf32, #tpu.memory_space<hbm>> -> memref<10240x64xf32, #tpu.memory_space<hbm>>
    tpu.wait_indirect_dma semaphore(%arg19 : memref<!tpu.dma_semaphore, #tpu.memory_space<semaphore_mem>>) src(%dma_wait3A_130 : memref<10240x64xf32, #tpu.memory_space<hbm>>) dst(%arg13 : memref<128x64xf32, #tpu.memory_space<vmem>>)
    %barrier3A_131 = arith.constant 0 : index
    tpu.barrier barrier_id(%barrier3A_131)
    %mul3A_132 = arith.constant 640 : i32
    %mul3A_133 = arith.muli %arg1, %mul3A_132 : i32
    %add3A_134 = arith.constant 0 : i32
    %add3A_135 = arith.addi %mul3A_133, %add3A_134 : i32
    "tpu.region"() ({
      %run_scoped3A = tpu.sem_alloc : memref<!tpu.dma_semaphore, #tpu.memory_space<semaphore_mem>>
      %dma_start3A_152 = arith.constant 0 : i32
      %dma_start3A_153 = tpu.memref_slice %arg14[%add3A_135, %dma_start3A_152] : memref<10240x64xf32, #tpu.memory_space<vmem_shared>> -> memref<128x64xf32, #tpu.memory_space<vmem_shared>>
      %dma_start3A_154 = arith.constant 0 : i32
      %dma_start3A_155 = tpu.memref_slice %arg14[%add3A_135, %dma_start3A_154] : memref<10240x64xf32, #tpu.memory_space<vmem_shared>> -> memref<128x64xf32, #tpu.memory_space<vmem_shared>>
      tpu.enqueue_dma source(%dma_start3A_155 : memref<128x64xf32, #tpu.memory_space<vmem_shared>>) target(%arg9 : memref<128x64xf32, #tpu.memory_space<vmem>>) target_semaphore(%run_scoped3A : memref<!tpu.dma_semaphore, #tpu.memory_space<semaphore_mem>>)
      %dma_wait3A_156 = arith.constant 0 : i32
      %dma_wait3A_157 = tpu.memref_slice %arg14[%add3A_135, %dma_wait3A_156] : memref<10240x64xf32, #tpu.memory_space<vmem_shared>> -> memref<128x64xf32, #tpu.memory_space<vmem_shared>>
      %dma_wait3A_158 = arith.constant 0 : i32
      %dma_wait3A_159 = tpu.memref_slice %arg14[%add3A_135, %dma_wait3A_158] : memref<10240x64xf32, #tpu.memory_space<vmem_shared>> -> memref<128x64xf32, #tpu.memory_space<vmem_shared>>
      tpu.wait_dma2 semaphore(%run_scoped3A : memref<!tpu.dma_semaphore, #tpu.memory_space<semaphore_mem>>) src(%dma_wait3A_159 : memref<128x64xf32, #tpu.memory_space<vmem_shared>>) dst(%arg9 : memref<128x64xf32, #tpu.memory_space<vmem>>)
      tpu.yield
    }) : () -> ()
    "tpu.region"() ({
      %run_scoped3A = tpu.sem_alloc : memref<!tpu.dma_semaphore, #tpu.memory_space<semaphore_mem>>
      %dma_start3A_152 = arith.constant 0 : i32
      %dma_start3A_153 = tpu.memref_slice %arg6[%arg0, %add3A_135, %dma_start3A_152] : memref<2x10240x64xf32, #tpu.memory_space<hbm>> -> memref<1x128x64xf32, #tpu.memory_space<hbm>>
      %dma_start3A_154 = tpu.memref_squeeze %dma_start3A_153 : memref<1x128x64xf32, #tpu.memory_space<hbm>> -> memref<128x64xf32, #tpu.memory_space<hbm>>
      %dma_start3A_155 = arith.constant 0 : i32
      %dma_start3A_156 = tpu.memref_slice %arg6[%arg0, %add3A_135, %dma_start3A_155] : memref<2x10240x64xf32, #tpu.memory_space<hbm>> -> memref<1x128x64xf32, #tpu.memory_space<hbm>>
      %dma_start3A_157 = tpu.memref_squeeze %dma_start3A_156 : memref<1x128x64xf32, #tpu.memory_space<hbm>> -> memref<128x64xf32, #tpu.memory_space<hbm>>
      tpu.enqueue_dma source(%arg9 : memref<128x64xf32, #tpu.memory_space<vmem>>) target(%dma_start3A_157 : memref<128x64xf32, #tpu.memory_space<hbm>>) target_semaphore(%run_scoped3A : memref<!tpu.dma_semaphore, #tpu.memory_space<semaphore_mem>>)
      %dma_wait3A_158 = arith.constant 0 : i32
      %dma_wait3A_159 = tpu.memref_slice %arg6[%arg0, %add3A_135, %dma_wait3A_158] : memref<2x10240x64xf32, #tpu.memory_space<hbm>> -> memref<1x128x64xf32, #tpu.memory_space<hbm>>
      %dma_wait3A_160 = tpu.memref_squeeze %dma_wait3A_159 : memref<1x128x64xf32, #tpu.memory_space<hbm>> -> memref<128x64xf32, #tpu.memory_space<hbm>>
      %dma_wait3A_161 = arith.constant 0 : i32
      %dma_wait3A_162 = tpu.memref_slice %arg6[%arg0, %add3A_135, %dma_wait3A_161] : memref<2x10240x64xf32, #tpu.memory_space<hbm>> -> memref<1x128x64xf32, #tpu.memory_space<hbm>>
      %dma_wait3A_163 = tpu.memref_squeeze %dma_wait3A_162 : memref<1x128x64xf32, #tpu.memory_space<hbm>> -> memref<128x64xf32, #tpu.memory_space<hbm>>
      tpu.wait_dma2 semaphore(%run_scoped3A : memref<!tpu.dma_semaphore, #tpu.memory_space<semaphore_mem>>) src(%arg9 : memref<128x64xf32, #tpu.memory_space<vmem>>) dst(%dma_wait3A_163 : memref<128x64xf32, #tpu.memory_space<hbm>>)
      tpu.yield
    }) : () -> ()
    %mul3A_136 = arith.constant 640 : i32
    %mul3A_137 = arith.muli %arg1, %mul3A_136 : i32
    %add3A_138 = arith.constant 128 : i32
    %add3A_139 = arith.addi %mul3A_137, %add3A_138 : i32
    "tpu.region"() ({
      %run_scoped3A = tpu.sem_alloc : memref<!tpu.dma_semaphore, #tpu.memory_space<semaphore_mem>>
      %dma_start3A_152 = arith.constant 0 : i32
      %dma_start3A_153 = tpu.memref_slice %arg14[%add3A_139, %dma_start3A_152] : memref<10240x64xf32, #tpu.memory_space<vmem_shared>> -> memref<128x64xf32, #tpu.memory_space<vmem_shared>>
      %dma_start3A_154 = arith.constant 0 : i32
      %dma_start3A_155 = tpu.memref_slice %arg14[%add3A_139, %dma_start3A_154] : memref<10240x64xf32, #tpu.memory_space<vmem_shared>> -> memref<128x64xf32, #tpu.memory_space<vmem_shared>>
      tpu.enqueue_dma source(%dma_start3A_155 : memref<128x64xf32, #tpu.memory_space<vmem_shared>>) target(%arg9 : memref<128x64xf32, #tpu.memory_space<vmem>>) target_semaphore(%run_scoped3A : memref<!tpu.dma_semaphore, #tpu.memory_space<semaphore_mem>>)
      %dma_wait3A_156 = arith.constant 0 : i32
      %dma_wait3A_157 = tpu.memref_slice %arg14[%add3A_139, %dma_wait3A_156] : memref<10240x64xf32, #tpu.memory_space<vmem_shared>> -> memref<128x64xf32, #tpu.memory_space<vmem_shared>>
      %dma_wait3A_158 = arith.constant 0 : i32
      %dma_wait3A_159 = tpu.memref_slice %arg14[%add3A_139, %dma_wait3A_158] : memref<10240x64xf32, #tpu.memory_space<vmem_shared>> -> memref<128x64xf32, #tpu.memory_space<vmem_shared>>
      tpu.wait_dma2 semaphore(%run_scoped3A : memref<!tpu.dma_semaphore, #tpu.memory_space<semaphore_mem>>) src(%dma_wait3A_159 : memref<128x64xf32, #tpu.memory_space<vmem_shared>>) dst(%arg9 : memref<128x64xf32, #tpu.memory_space<vmem>>)
      tpu.yield
    }) : () -> ()
    "tpu.region"() ({
      %run_scoped3A = tpu.sem_alloc : memref<!tpu.dma_semaphore, #tpu.memory_space<semaphore_mem>>
      %dma_start3A_152 = arith.constant 0 : i32
      %dma_start3A_153 = tpu.memref_slice %arg6[%arg0, %add3A_139, %dma_start3A_152] : memref<2x10240x64xf32, #tpu.memory_space<hbm>> -> memref<1x128x64xf32, #tpu.memory_space<hbm>>
      %dma_start3A_154 = tpu.memref_squeeze %dma_start3A_153 : memref<1x128x64xf32, #tpu.memory_space<hbm>> -> memref<128x64xf32, #tpu.memory_space<hbm>>
      %dma_start3A_155 = arith.constant 0 : i32
      %dma_start3A_156 = tpu.memref_slice %arg6[%arg0, %add3A_139, %dma_start3A_155] : memref<2x10240x64xf32, #tpu.memory_space<hbm>> -> memref<1x128x64xf32, #tpu.memory_space<hbm>>
      %dma_start3A_157 = tpu.memref_squeeze %dma_start3A_156 : memref<1x128x64xf32, #tpu.memory_space<hbm>> -> memref<128x64xf32, #tpu.memory_space<hbm>>
      tpu.enqueue_dma source(%arg9 : memref<128x64xf32, #tpu.memory_space<vmem>>) target(%dma_start3A_157 : memref<128x64xf32, #tpu.memory_space<hbm>>) target_semaphore(%run_scoped3A : memref<!tpu.dma_semaphore, #tpu.memory_space<semaphore_mem>>)
      %dma_wait3A_158 = arith.constant 0 : i32
      %dma_wait3A_159 = tpu.memref_slice %arg6[%arg0, %add3A_139, %dma_wait3A_158] : memref<2x10240x64xf32, #tpu.memory_space<hbm>> -> memref<1x128x64xf32, #tpu.memory_space<hbm>>
      %dma_wait3A_160 = tpu.memref_squeeze %dma_wait3A_159 : memref<1x128x64xf32, #tpu.memory_space<hbm>> -> memref<128x64xf32, #tpu.memory_space<hbm>>
      %dma_wait3A_161 = arith.constant 0 : i32
      %dma_wait3A_162 = tpu.memref_slice %arg6[%arg0, %add3A_139, %dma_wait3A_161] : memref<2x10240x64xf32, #tpu.memory_space<hbm>> -> memref<1x128x64xf32, #tpu.memory_space<hbm>>
      %dma_wait3A_163 = tpu.memref_squeeze %dma_wait3A_162 : memref<1x128x64xf32, #tpu.memory_space<hbm>> -> memref<128x64xf32, #tpu.memory_space<hbm>>
      tpu.wait_dma2 semaphore(%run_scoped3A : memref<!tpu.dma_semaphore, #tpu.memory_space<semaphore_mem>>) src(%arg9 : memref<128x64xf32, #tpu.memory_space<vmem>>) dst(%dma_wait3A_163 : memref<128x64xf32, #tpu.memory_space<hbm>>)
      tpu.yield
    }) : () -> ()
    %mul3A_140 = arith.constant 640 : i32
    %mul3A_141 = arith.muli %arg1, %mul3A_140 : i32
    %add3A_142 = arith.constant 256 : i32
    %add3A_143 = arith.addi %mul3A_141, %add3A_142 : i32
    "tpu.region"() ({
      %run_scoped3A = tpu.sem_alloc : memref<!tpu.dma_semaphore, #tpu.memory_space<semaphore_mem>>
      %dma_start3A_152 = arith.constant 0 : i32
      %dma_start3A_153 = tpu.memref_slice %arg14[%add3A_143, %dma_start3A_152] : memref<10240x64xf32, #tpu.memory_space<vmem_shared>> -> memref<128x64xf32, #tpu.memory_space<vmem_shared>>
      %dma_start3A_154 = arith.constant 0 : i32
      %dma_start3A_155 = tpu.memref_slice %arg14[%add3A_143, %dma_start3A_154] : memref<10240x64xf32, #tpu.memory_space<vmem_shared>> -> memref<128x64xf32, #tpu.memory_space<vmem_shared>>
      tpu.enqueue_dma source(%dma_start3A_155 : memref<128x64xf32, #tpu.memory_space<vmem_shared>>) target(%arg9 : memref<128x64xf32, #tpu.memory_space<vmem>>) target_semaphore(%run_scoped3A : memref<!tpu.dma_semaphore, #tpu.memory_space<semaphore_mem>>)
      %dma_wait3A_156 = arith.constant 0 : i32
      %dma_wait3A_157 = tpu.memref_slice %arg14[%add3A_143, %dma_wait3A_156] : memref<10240x64xf32, #tpu.memory_space<vmem_shared>> -> memref<128x64xf32, #tpu.memory_space<vmem_shared>>
      %dma_wait3A_158 = arith.constant 0 : i32
      %dma_wait3A_159 = tpu.memref_slice %arg14[%add3A_143, %dma_wait3A_158] : memref<10240x64xf32, #tpu.memory_space<vmem_shared>> -> memref<128x64xf32, #tpu.memory_space<vmem_shared>>
      tpu.wait_dma2 semaphore(%run_scoped3A : memref<!tpu.dma_semaphore, #tpu.memory_space<semaphore_mem>>) src(%dma_wait3A_159 : memref<128x64xf32, #tpu.memory_space<vmem_shared>>) dst(%arg9 : memref<128x64xf32, #tpu.memory_space<vmem>>)
      tpu.yield
    }) : () -> ()
    "tpu.region"() ({
      %run_scoped3A = tpu.sem_alloc : memref<!tpu.dma_semaphore, #tpu.memory_space<semaphore_mem>>
      %dma_start3A_152 = arith.constant 0 : i32
      %dma_start3A_153 = tpu.memref_slice %arg6[%arg0, %add3A_143, %dma_start3A_152] : memref<2x10240x64xf32, #tpu.memory_space<hbm>> -> memref<1x128x64xf32, #tpu.memory_space<hbm>>
      %dma_start3A_154 = tpu.memref_squeeze %dma_start3A_153 : memref<1x128x64xf32, #tpu.memory_space<hbm>> -> memref<128x64xf32, #tpu.memory_space<hbm>>
      %dma_start3A_155 = arith.constant 0 : i32
      %dma_start3A_156 = tpu.memref_slice %arg6[%arg0, %add3A_143, %dma_start3A_155] : memref<2x10240x64xf32, #tpu.memory_space<hbm>> -> memref<1x128x64xf32, #tpu.memory_space<hbm>>
      %dma_start3A_157 = tpu.memref_squeeze %dma_start3A_156 : memref<1x128x64xf32, #tpu.memory_space<hbm>> -> memref<128x64xf32, #tpu.memory_space<hbm>>
      tpu.enqueue_dma source(%arg9 : memref<128x64xf32, #tpu.memory_space<vmem>>) target(%dma_start3A_157 : memref<128x64xf32, #tpu.memory_space<hbm>>) target_semaphore(%run_scoped3A : memref<!tpu.dma_semaphore, #tpu.memory_space<semaphore_mem>>)
      %dma_wait3A_158 = arith.constant 0 : i32
      %dma_wait3A_159 = tpu.memref_slice %arg6[%arg0, %add3A_143, %dma_wait3A_158] : memref<2x10240x64xf32, #tpu.memory_space<hbm>> -> memref<1x128x64xf32, #tpu.memory_space<hbm>>
      %dma_wait3A_160 = tpu.memref_squeeze %dma_wait3A_159 : memref<1x128x64xf32, #tpu.memory_space<hbm>> -> memref<128x64xf32, #tpu.memory_space<hbm>>
      %dma_wait3A_161 = arith.constant 0 : i32
      %dma_wait3A_162 = tpu.memref_slice %arg6[%arg0, %add3A_143, %dma_wait3A_161] : memref<2x10240x64xf32, #tpu.memory_space<hbm>> -> memref<1x128x64xf32, #tpu.memory_space<hbm>>
      %dma_wait3A_163 = tpu.memref_squeeze %dma_wait3A_162 : memref<1x128x64xf32, #tpu.memory_space<hbm>> -> memref<128x64xf32, #tpu.memory_space<hbm>>
      tpu.wait_dma2 semaphore(%run_scoped3A : memref<!tpu.dma_semaphore, #tpu.memory_space<semaphore_mem>>) src(%arg9 : memref<128x64xf32, #tpu.memory_space<vmem>>) dst(%dma_wait3A_163 : memref<128x64xf32, #tpu.memory_space<hbm>>)
      tpu.yield
    }) : () -> ()
    %mul3A_144 = arith.constant 640 : i32
    %mul3A_145 = arith.muli %arg1, %mul3A_144 : i32
    %add3A_146 = arith.constant 384 : i32
    %add3A_147 = arith.addi %mul3A_145, %add3A_146 : i32
    "tpu.region"() ({
      %run_scoped3A = tpu.sem_alloc : memref<!tpu.dma_semaphore, #tpu.memory_space<semaphore_mem>>
      %dma_start3A_152 = arith.constant 0 : i32
      %dma_start3A_153 = tpu.memref_slice %arg14[%add3A_147, %dma_start3A_152] : memref<10240x64xf32, #tpu.memory_space<vmem_shared>> -> memref<128x64xf32, #tpu.memory_space<vmem_shared>>
      %dma_start3A_154 = arith.constant 0 : i32
      %dma_start3A_155 = tpu.memref_slice %arg14[%add3A_147, %dma_start3A_154] : memref<10240x64xf32, #tpu.memory_space<vmem_shared>> -> memref<128x64xf32, #tpu.memory_space<vmem_shared>>
      tpu.enqueue_dma source(%dma_start3A_155 : memref<128x64xf32, #tpu.memory_space<vmem_shared>>) target(%arg9 : memref<128x64xf32, #tpu.memory_space<vmem>>) target_semaphore(%run_scoped3A : memref<!tpu.dma_semaphore, #tpu.memory_space<semaphore_mem>>)
      %dma_wait3A_156 = arith.constant 0 : i32
      %dma_wait3A_157 = tpu.memref_slice %arg14[%add3A_147, %dma_wait3A_156] : memref<10240x64xf32, #tpu.memory_space<vmem_shared>> -> memref<128x64xf32, #tpu.memory_space<vmem_shared>>
      %dma_wait3A_158 = arith.constant 0 : i32
      %dma_wait3A_159 = tpu.memref_slice %arg14[%add3A_147, %dma_wait3A_158] : memref<10240x64xf32, #tpu.memory_space<vmem_shared>> -> memref<128x64xf32, #tpu.memory_space<vmem_shared>>
      tpu.wait_dma2 semaphore(%run_scoped3A : memref<!tpu.dma_semaphore, #tpu.memory_space<semaphore_mem>>) src(%dma_wait3A_159 : memref<128x64xf32, #tpu.memory_space<vmem_shared>>) dst(%arg9 : memref<128x64xf32, #tpu.memory_space<vmem>>)
      tpu.yield
    }) : () -> ()
    "tpu.region"() ({
      %run_scoped3A = tpu.sem_alloc : memref<!tpu.dma_semaphore, #tpu.memory_space<semaphore_mem>>
      %dma_start3A_152 = arith.constant 0 : i32
      %dma_start3A_153 = tpu.memref_slice %arg6[%arg0, %add3A_147, %dma_start3A_152] : memref<2x10240x64xf32, #tpu.memory_space<hbm>> -> memref<1x128x64xf32, #tpu.memory_space<hbm>>
      %dma_start3A_154 = tpu.memref_squeeze %dma_start3A_153 : memref<1x128x64xf32, #tpu.memory_space<hbm>> -> memref<128x64xf32, #tpu.memory_space<hbm>>
      %dma_start3A_155 = arith.constant 0 : i32
      %dma_start3A_156 = tpu.memref_slice %arg6[%arg0, %add3A_147, %dma_start3A_155] : memref<2x10240x64xf32, #tpu.memory_space<hbm>> -> memref<1x128x64xf32, #tpu.memory_space<hbm>>
      %dma_start3A_157 = tpu.memref_squeeze %dma_start3A_156 : memref<1x128x64xf32, #tpu.memory_space<hbm>> -> memref<128x64xf32, #tpu.memory_space<hbm>>
      tpu.enqueue_dma source(%arg9 : memref<128x64xf32, #tpu.memory_space<vmem>>) target(%dma_start3A_157 : memref<128x64xf32, #tpu.memory_space<hbm>>) target_semaphore(%run_scoped3A : memref<!tpu.dma_semaphore, #tpu.memory_space<semaphore_mem>>)
      %dma_wait3A_158 = arith.constant 0 : i32
      %dma_wait3A_159 = tpu.memref_slice %arg6[%arg0, %add3A_147, %dma_wait3A_158] : memref<2x10240x64xf32, #tpu.memory_space<hbm>> -> memref<1x128x64xf32, #tpu.memory_space<hbm>>
      %dma_wait3A_160 = tpu.memref_squeeze %dma_wait3A_159 : memref<1x128x64xf32, #tpu.memory_space<hbm>> -> memref<128x64xf32, #tpu.memory_space<hbm>>
      %dma_wait3A_161 = arith.constant 0 : i32
      %dma_wait3A_162 = tpu.memref_slice %arg6[%arg0, %add3A_147, %dma_wait3A_161] : memref<2x10240x64xf32, #tpu.memory_space<hbm>> -> memref<1x128x64xf32, #tpu.memory_space<hbm>>
      %dma_wait3A_163 = tpu.memref_squeeze %dma_wait3A_162 : memref<1x128x64xf32, #tpu.memory_space<hbm>> -> memref<128x64xf32, #tpu.memory_space<hbm>>
      tpu.wait_dma2 semaphore(%run_scoped3A : memref<!tpu.dma_semaphore, #tpu.memory_space<semaphore_mem>>) src(%arg9 : memref<128x64xf32, #tpu.memory_space<vmem>>) dst(%dma_wait3A_163 : memref<128x64xf32, #tpu.memory_space<hbm>>)
      tpu.yield
    }) : () -> ()
    %mul3A_148 = arith.constant 640 : i32
    %mul3A_149 = arith.muli %arg1, %mul3A_148 : i32
    %add3A_150 = arith.constant 512 : i32
    %add3A_151 = arith.addi %mul3A_149, %add3A_150 : i32
    "tpu.region"() ({
      %run_scoped3A = tpu.sem_alloc : memref<!tpu.dma_semaphore, #tpu.memory_space<semaphore_mem>>
      %dma_start3A_152 = arith.constant 0 : i32
      %dma_start3A_153 = tpu.memref_slice %arg14[%add3A_151, %dma_start3A_152] : memref<10240x64xf32, #tpu.memory_space<vmem_shared>> -> memref<128x64xf32, #tpu.memory_space<vmem_shared>>
      %dma_start3A_154 = arith.constant 0 : i32
      %dma_start3A_155 = tpu.memref_slice %arg14[%add3A_151, %dma_start3A_154] : memref<10240x64xf32, #tpu.memory_space<vmem_shared>> -> memref<128x64xf32, #tpu.memory_space<vmem_shared>>
      tpu.enqueue_dma source(%dma_start3A_155 : memref<128x64xf32, #tpu.memory_space<vmem_shared>>) target(%arg9 : memref<128x64xf32, #tpu.memory_space<vmem>>) target_semaphore(%run_scoped3A : memref<!tpu.dma_semaphore, #tpu.memory_space<semaphore_mem>>)
      %dma_wait3A_156 = arith.constant 0 : i32
      %dma_wait3A_157 = tpu.memref_slice %arg14[%add3A_151, %dma_wait3A_156] : memref<10240x64xf32, #tpu.memory_space<vmem_shared>> -> memref<128x64xf32, #tpu.memory_space<vmem_shared>>
      %dma_wait3A_158 = arith.constant 0 : i32
      %dma_wait3A_159 = tpu.memref_slice %arg14[%add3A_151, %dma_wait3A_158] : memref<10240x64xf32, #tpu.memory_space<vmem_shared>> -> memref<128x64xf32, #tpu.memory_space<vmem_shared>>
      tpu.wait_dma2 semaphore(%run_scoped3A : memref<!tpu.dma_semaphore, #tpu.memory_space<semaphore_mem>>) src(%dma_wait3A_159 : memref<128x64xf32, #tpu.memory_space<vmem_shared>>) dst(%arg9 : memref<128x64xf32, #tpu.memory_space<vmem>>)
      tpu.yield
    }) : () -> ()
    "tpu.region"() ({
      %run_scoped3A = tpu.sem_alloc : memref<!tpu.dma_semaphore, #tpu.memory_space<semaphore_mem>>
      %dma_start3A_152 = arith.constant 0 : i32
      %dma_start3A_153 = tpu.memref_slice %arg6[%arg0, %add3A_151, %dma_start3A_152] : memref<2x10240x64xf32, #tpu.memory_space<hbm>> -> memref<1x128x64xf32, #tpu.memory_space<hbm>>
      %dma_start3A_154 = tpu.memref_squeeze %dma_start3A_153 : memref<1x128x64xf32, #tpu.memory_space<hbm>> -> memref<128x64xf32, #tpu.memory_space<hbm>>
      %dma_start3A_155 = arith.constant 0 : i32
      %dma_start3A_156 = tpu.memref_slice %arg6[%arg0, %add3A_151, %dma_start3A_155] : memref<2x10240x64xf32, #tpu.memory_space<hbm>> -> memref<1x128x64xf32, #tpu.memory_space<hbm>>
      %dma_start3A_157 = tpu.memref_squeeze %dma_start3A_156 : memref<1x128x64xf32, #tpu.memory_space<hbm>> -> memref<128x64xf32, #tpu.memory_space<hbm>>
      tpu.enqueue_dma source(%arg9 : memref<128x64xf32, #tpu.memory_space<vmem>>) target(%dma_start3A_157 : memref<128x64xf32, #tpu.memory_space<hbm>>) target_semaphore(%run_scoped3A : memref<!tpu.dma_semaphore, #tpu.memory_space<semaphore_mem>>)
      %dma_wait3A_158 = arith.constant 0 : i32
      %dma_wait3A_159 = tpu.memref_slice %arg6[%arg0, %add3A_151, %dma_wait3A_158] : memref<2x10240x64xf32, #tpu.memory_space<hbm>> -> memref<1x128x64xf32, #tpu.memory_space<hbm>>
      %dma_wait3A_160 = tpu.memref_squeeze %dma_wait3A_159 : memref<1x128x64xf32, #tpu.memory_space<hbm>> -> memref<128x64xf32, #tpu.memory_space<hbm>>
      %dma_wait3A_161 = arith.constant 0 : i32
      %dma_wait3A_162 = tpu.memref_slice %arg6[%arg0, %add3A_151, %dma_wait3A_161] : memref<2x10240x64xf32, #tpu.memory_space<hbm>> -> memref<1x128x64xf32, #tpu.memory_space<hbm>>
      %dma_wait3A_163 = tpu.memref_squeeze %dma_wait3A_162 : memref<1x128x64xf32, #tpu.memory_space<hbm>> -> memref<128x64xf32, #tpu.memory_space<hbm>>
      tpu.wait_dma2 semaphore(%run_scoped3A : memref<!tpu.dma_semaphore, #tpu.memory_space<semaphore_mem>>) src(%arg9 : memref<128x64xf32, #tpu.memory_space<vmem>>) dst(%dma_wait3A_163 : memref<128x64xf32, #tpu.memory_space<hbm>>)
      tpu.yield
    }) : () -> ()
    return
  }
}

#map = affine_map<(d0, d1) -> (0, 0, 0)>
#map1 = affine_map<(d0, d1) -> (0)>
#map2 = affine_map<(d0, d1) -> (0, 0)>
module attributes {stable_mosaic.version = 14 : i64} {
  func.func @_deg_body(%arg0: i32, %arg1: i32, %arg2: memref<32x80x128xi32, #tpu.memory_space<hbm>>, %arg3: memref<640xf32, #tpu.memory_space<hbm>>, %arg4: memref<128xf32, #tpu.memory_space<hbm>>, %arg5: memref<2x10240xf32, #tpu.memory_space<hbm>>, %arg6: memref<80x128xi32, #tpu.memory_space<vmem>>, %arg7: memref<640xf32, #tpu.memory_space<vmem>>, %arg8: memref<128xf32, #tpu.memory_space<vmem>>, %arg9: memref<10240xf32, #tpu.memory_space<vmem_shared>>) attributes {dimension_semantics = [#tpu.dimension_semantics<core_parallel>, #tpu.dimension_semantics<subcore_parallel>], iteration_bounds = array<i64: 2, 16>, scalar_prefetch = 0 : i64, scratch_operands = 4 : i64, tpu.core_type = #tpu.core_type<sc_vector_subcore>, window_params = [{transform_indices = #map}, {transform_indices = #map1}, {transform_indices = #map1}, {transform_indices = #map2}]} {
    %mul3A = arith.constant 16 : i32
    %mul3A_0 = arith.muli %arg0, %mul3A : i32
    %add3A = arith.addi %mul3A_0, %arg1 : i32
    "tpu.region"() ({
      %run_scoped3A = tpu.sem_alloc : memref<!tpu.dma_semaphore, #tpu.memory_space<semaphore_mem>>
      tpu.enqueue_dma source(%arg3 : memref<640xf32, #tpu.memory_space<hbm>>) target(%arg7 : memref<640xf32, #tpu.memory_space<vmem>>) target_semaphore(%run_scoped3A : memref<!tpu.dma_semaphore, #tpu.memory_space<semaphore_mem>>)
      tpu.wait_dma2 semaphore(%run_scoped3A : memref<!tpu.dma_semaphore, #tpu.memory_space<semaphore_mem>>) src(%arg3 : memref<640xf32, #tpu.memory_space<hbm>>) dst(%arg7 : memref<640xf32, #tpu.memory_space<vmem>>)
      tpu.yield
    }) : () -> ()
    "tpu.region"() ({
      %run_scoped3A = tpu.sem_alloc : memref<!tpu.dma_semaphore, #tpu.memory_space<semaphore_mem>>
      tpu.enqueue_dma source(%arg4 : memref<128xf32, #tpu.memory_space<hbm>>) target(%arg8 : memref<128xf32, #tpu.memory_space<vmem>>) target_semaphore(%run_scoped3A : memref<!tpu.dma_semaphore, #tpu.memory_space<semaphore_mem>>)
      tpu.wait_dma2 semaphore(%run_scoped3A : memref<!tpu.dma_semaphore, #tpu.memory_space<semaphore_mem>>) src(%arg4 : memref<128xf32, #tpu.memory_space<hbm>>) dst(%arg8 : memref<128xf32, #tpu.memory_space<vmem>>)
      tpu.yield
    }) : () -> ()
    %mul3A_1 = arith.constant 640 : i32
    %mul3A_2 = arith.muli %arg1, %mul3A_1 : i32
    "tpu.region"() ({
      %run_scoped3A = tpu.sem_alloc : memref<!tpu.dma_semaphore, #tpu.memory_space<semaphore_mem>>
      %dma_start3A = tpu.memref_slice %arg9[%mul3A_2] : memref<10240xf32, #tpu.memory_space<vmem_shared>> -> memref<640xf32, #tpu.memory_space<vmem_shared>>
      %dma_start3A_13 = tpu.memref_slice %arg9[%mul3A_2] : memref<10240xf32, #tpu.memory_space<vmem_shared>> -> memref<640xf32, #tpu.memory_space<vmem_shared>>
      tpu.enqueue_dma source(%arg7 : memref<640xf32, #tpu.memory_space<vmem>>) target(%dma_start3A_13 : memref<640xf32, #tpu.memory_space<vmem_shared>>) target_semaphore(%run_scoped3A : memref<!tpu.dma_semaphore, #tpu.memory_space<semaphore_mem>>)
      %dma_wait3A = tpu.memref_slice %arg9[%mul3A_2] : memref<10240xf32, #tpu.memory_space<vmem_shared>> -> memref<640xf32, #tpu.memory_space<vmem_shared>>
      %dma_wait3A_14 = tpu.memref_slice %arg9[%mul3A_2] : memref<10240xf32, #tpu.memory_space<vmem_shared>> -> memref<640xf32, #tpu.memory_space<vmem_shared>>
      tpu.wait_dma2 semaphore(%run_scoped3A : memref<!tpu.dma_semaphore, #tpu.memory_space<semaphore_mem>>) src(%arg7 : memref<640xf32, #tpu.memory_space<vmem>>) dst(%dma_wait3A_14 : memref<640xf32, #tpu.memory_space<vmem_shared>>)
      tpu.yield
    }) : () -> ()
    %barrier3A = arith.constant 0 : index
    tpu.barrier barrier_id(%barrier3A)
    "tpu.region"() ({
      %run_scoped3A = tpu.sem_alloc : memref<!tpu.dma_semaphore, #tpu.memory_space<semaphore_mem>>
      %dma_start3A = arith.constant 0 : i32
      %dma_start3A_13 = arith.constant 0 : i32
      %dma_start3A_14 = tpu.memref_slice %arg2[%add3A, %dma_start3A, %dma_start3A_13] : memref<32x80x128xi32, #tpu.memory_space<hbm>> -> memref<1x80x128xi32, #tpu.memory_space<hbm>>
      %dma_start3A_15 = tpu.memref_squeeze %dma_start3A_14 : memref<1x80x128xi32, #tpu.memory_space<hbm>> -> memref<80x128xi32, #tpu.memory_space<hbm>>
      %dma_start3A_16 = arith.constant 0 : i32
      %dma_start3A_17 = arith.constant 0 : i32
      %dma_start3A_18 = tpu.memref_slice %arg2[%add3A, %dma_start3A_16, %dma_start3A_17] : memref<32x80x128xi32, #tpu.memory_space<hbm>> -> memref<1x80x128xi32, #tpu.memory_space<hbm>>
      %dma_start3A_19 = tpu.memref_squeeze %dma_start3A_18 : memref<1x80x128xi32, #tpu.memory_space<hbm>> -> memref<80x128xi32, #tpu.memory_space<hbm>>
      tpu.enqueue_dma source(%dma_start3A_19 : memref<80x128xi32, #tpu.memory_space<hbm>>) target(%arg6 : memref<80x128xi32, #tpu.memory_space<vmem>>) target_semaphore(%run_scoped3A : memref<!tpu.dma_semaphore, #tpu.memory_space<semaphore_mem>>)
      %dma_wait3A = arith.constant 0 : i32
      %dma_wait3A_20 = arith.constant 0 : i32
      %dma_wait3A_21 = tpu.memref_slice %arg2[%add3A, %dma_wait3A, %dma_wait3A_20] : memref<32x80x128xi32, #tpu.memory_space<hbm>> -> memref<1x80x128xi32, #tpu.memory_space<hbm>>
      %dma_wait3A_22 = tpu.memref_squeeze %dma_wait3A_21 : memref<1x80x128xi32, #tpu.memory_space<hbm>> -> memref<80x128xi32, #tpu.memory_space<hbm>>
      %dma_wait3A_23 = arith.constant 0 : i32
      %dma_wait3A_24 = arith.constant 0 : i32
      %dma_wait3A_25 = tpu.memref_slice %arg2[%add3A, %dma_wait3A_23, %dma_wait3A_24] : memref<32x80x128xi32, #tpu.memory_space<hbm>> -> memref<1x80x128xi32, #tpu.memory_space<hbm>>
      %dma_wait3A_26 = tpu.memref_squeeze %dma_wait3A_25 : memref<1x80x128xi32, #tpu.memory_space<hbm>> -> memref<80x128xi32, #tpu.memory_space<hbm>>
      tpu.wait_dma2 semaphore(%run_scoped3A : memref<!tpu.dma_semaphore, #tpu.memory_space<semaphore_mem>>) src(%dma_wait3A_26 : memref<80x128xi32, #tpu.memory_space<hbm>>) dst(%arg6 : memref<80x128xi32, #tpu.memory_space<vmem>>)
      tpu.yield
    }) : () -> ()
    %scan3A = arith.constant 0 : i32
    %scan3A_3 = arith.constant 0 : i32
    %scan3A_4 = arith.constant 80 : i32
    %scan3A_5 = arith.addi %scan3A_3, %scan3A_4 : i32
    %scan3A_6 = arith.constant 1 : i32
    scf.for %scan3A_13 = %scan3A_3 to %scan3A_5 step %scan3A_6  : i32 {
      "tpu.region"() ({
        %run_scoped3A = tpu.sem_alloc : memref<!tpu.dma_semaphore, #tpu.memory_space<semaphore_mem>>
        %dma_start3A = arith.constant 0 : i32
        %dma_start3A_14 = tpu.memref_slice %arg6[%scan3A_13, %dma_start3A] : memref<80x128xi32, #tpu.memory_space<vmem>> -> memref<1x128xi32, #tpu.memory_space<vmem>>
        %dma_start3A_15 = tpu.memref_squeeze %dma_start3A_14 : memref<1x128xi32, #tpu.memory_space<vmem>> -> memref<128xi32, #tpu.memory_space<vmem>>
        %dma_start3A_16 = arith.constant 0 : i32
        %dma_start3A_17 = tpu.memref_slice %arg9[%dma_start3A_16] : memref<10240xf32, #tpu.memory_space<vmem_shared>> -> memref<10240xf32, #tpu.memory_space<vmem_shared>>
        tpu.enqueue_indirect_dma source(%arg8 : memref<128xf32, #tpu.memory_space<vmem>>) target(%dma_start3A_17 : memref<10240xf32, #tpu.memory_space<vmem_shared>>) offsets(%dma_start3A_15 : memref<128xi32, #tpu.memory_space<vmem>>) semaphore(%run_scoped3A : memref<!tpu.dma_semaphore, #tpu.memory_space<semaphore_mem>>) {add = true}
        %dma_wait3A = arith.constant 0 : i32
        %dma_wait3A_18 = tpu.memref_slice %arg6[%scan3A_13, %dma_wait3A] : memref<80x128xi32, #tpu.memory_space<vmem>> -> memref<1x128xi32, #tpu.memory_space<vmem>>
        %dma_wait3A_19 = tpu.memref_squeeze %dma_wait3A_18 : memref<1x128xi32, #tpu.memory_space<vmem>> -> memref<128xi32, #tpu.memory_space<vmem>>
        %dma_wait3A_20 = arith.constant 0 : i32
        %dma_wait3A_21 = tpu.memref_slice %arg9[%dma_wait3A_20] : memref<10240xf32, #tpu.memory_space<vmem_shared>> -> memref<10240xf32, #tpu.memory_space<vmem_shared>>
        tpu.wait_indirect_dma semaphore(%run_scoped3A : memref<!tpu.dma_semaphore, #tpu.memory_space<semaphore_mem>>) src(%arg8 : memref<128xf32, #tpu.memory_space<vmem>>) dst(%dma_wait3A_21 : memref<10240xf32, #tpu.memory_space<vmem_shared>>)
        tpu.yield
      }) : () -> ()
    }
    %scan3A_7 = arith.constant 80 : i32
    %barrier3A_8 = arith.constant 0 : index
    tpu.barrier barrier_id(%barrier3A_8)
    %mul3A_9 = arith.constant 640 : i32
    %mul3A_10 = arith.muli %arg1, %mul3A_9 : i32
    "tpu.region"() ({
      %run_scoped3A = tpu.sem_alloc : memref<!tpu.dma_semaphore, #tpu.memory_space<semaphore_mem>>
      %dma_start3A = tpu.memref_slice %arg9[%mul3A_10] : memref<10240xf32, #tpu.memory_space<vmem_shared>> -> memref<640xf32, #tpu.memory_space<vmem_shared>>
      %dma_start3A_13 = tpu.memref_slice %arg9[%mul3A_10] : memref<10240xf32, #tpu.memory_space<vmem_shared>> -> memref<640xf32, #tpu.memory_space<vmem_shared>>
      tpu.enqueue_dma source(%dma_start3A_13 : memref<640xf32, #tpu.memory_space<vmem_shared>>) target(%arg7 : memref<640xf32, #tpu.memory_space<vmem>>) target_semaphore(%run_scoped3A : memref<!tpu.dma_semaphore, #tpu.memory_space<semaphore_mem>>)
      %dma_wait3A = tpu.memref_slice %arg9[%mul3A_10] : memref<10240xf32, #tpu.memory_space<vmem_shared>> -> memref<640xf32, #tpu.memory_space<vmem_shared>>
      %dma_wait3A_14 = tpu.memref_slice %arg9[%mul3A_10] : memref<10240xf32, #tpu.memory_space<vmem_shared>> -> memref<640xf32, #tpu.memory_space<vmem_shared>>
      tpu.wait_dma2 semaphore(%run_scoped3A : memref<!tpu.dma_semaphore, #tpu.memory_space<semaphore_mem>>) src(%dma_wait3A_14 : memref<640xf32, #tpu.memory_space<vmem_shared>>) dst(%arg7 : memref<640xf32, #tpu.memory_space<vmem>>)
      tpu.yield
    }) : () -> ()
    %mul3A_11 = arith.constant 640 : i32
    %mul3A_12 = arith.muli %arg1, %mul3A_11 : i32
    "tpu.region"() ({
      %run_scoped3A = tpu.sem_alloc : memref<!tpu.dma_semaphore, #tpu.memory_space<semaphore_mem>>
      %dma_start3A = tpu.memref_slice %arg5[%arg0, %mul3A_12] : memref<2x10240xf32, #tpu.memory_space<hbm>> -> memref<1x640xf32, #tpu.memory_space<hbm>>
      %dma_start3A_13 = tpu.memref_squeeze %dma_start3A : memref<1x640xf32, #tpu.memory_space<hbm>> -> memref<640xf32, #tpu.memory_space<hbm>>
      %dma_start3A_14 = tpu.memref_slice %arg5[%arg0, %mul3A_12] : memref<2x10240xf32, #tpu.memory_space<hbm>> -> memref<1x640xf32, #tpu.memory_space<hbm>>
      %dma_start3A_15 = tpu.memref_squeeze %dma_start3A_14 : memref<1x640xf32, #tpu.memory_space<hbm>> -> memref<640xf32, #tpu.memory_space<hbm>>
      tpu.enqueue_dma source(%arg7 : memref<640xf32, #tpu.memory_space<vmem>>) target(%dma_start3A_15 : memref<640xf32, #tpu.memory_space<hbm>>) target_semaphore(%run_scoped3A : memref<!tpu.dma_semaphore, #tpu.memory_space<semaphore_mem>>)
      %dma_wait3A = tpu.memref_slice %arg5[%arg0, %mul3A_12] : memref<2x10240xf32, #tpu.memory_space<hbm>> -> memref<1x640xf32, #tpu.memory_space<hbm>>
      %dma_wait3A_16 = tpu.memref_squeeze %dma_wait3A : memref<1x640xf32, #tpu.memory_space<hbm>> -> memref<640xf32, #tpu.memory_space<hbm>>
      %dma_wait3A_17 = tpu.memref_slice %arg5[%arg0, %mul3A_12] : memref<2x10240xf32, #tpu.memory_space<hbm>> -> memref<1x640xf32, #tpu.memory_space<hbm>>
      %dma_wait3A_18 = tpu.memref_squeeze %dma_wait3A_17 : memref<1x640xf32, #tpu.memory_space<hbm>> -> memref<640xf32, #tpu.memory_space<hbm>>
      tpu.wait_dma2 semaphore(%run_scoped3A : memref<!tpu.dma_semaphore, #tpu.memory_space<semaphore_mem>>) src(%arg7 : memref<640xf32, #tpu.memory_space<vmem>>) dst(%dma_wait3A_18 : memref<640xf32, #tpu.memory_space<hbm>>)
      tpu.yield
    }) : () -> ()
    return
  }
}

#map = affine_map<(d0, d1) -> (0, 0)>
#map1 = affine_map<(d0, d1) -> (0, 0, 0)>
module attributes {stable_mosaic.version = 14 : i64} {
  func.func @_agg_es_body(%arg0: i32, %arg1: i32, %arg2: memref<10240x64xf32, #tpu.memory_space<hbm>>, %arg3: memref<32x80x128xi32, #tpu.memory_space<hbm>>, %arg4: memref<32x80x128xi32, #tpu.memory_space<hbm>>, %arg5: memref<128x64xf32, #tpu.memory_space<hbm>>, %arg6: memref<2x10240x64xf32, #tpu.memory_space<hbm>>, %arg7: memref<80x128xi32, #tpu.memory_space<vmem>>, %arg8: memref<80x128xi32, #tpu.memory_space<vmem>>, %arg9: memref<128x64xf32, #tpu.memory_space<vmem>>, %arg10: memref<128x64xf32, #tpu.memory_space<vmem>>, %arg11: memref<128x64xf32, #tpu.memory_space<vmem>>, %arg12: memref<128x64xf32, #tpu.memory_space<vmem>>, %arg13: memref<128x64xf32, #tpu.memory_space<vmem>>, %arg14: memref<10240x64xf32, #tpu.memory_space<vmem_shared>>, %arg15: memref<!tpu.dma_semaphore, #tpu.memory_space<semaphore_mem>>, %arg16: memref<!tpu.dma_semaphore, #tpu.memory_space<semaphore_mem>>, %arg17: memref<!tpu.dma_semaphore, #tpu.memory_space<semaphore_mem>>, %arg18: memref<!tpu.dma_semaphore, #tpu.memory_space<semaphore_mem>>, %arg19: memref<!tpu.dma_semaphore, #tpu.memory_space<semaphore_mem>>, %arg20: memref<!tpu.dma_semaphore, #tpu.memory_space<semaphore_mem>>, %arg21: memref<!tpu.dma_semaphore, #tpu.memory_space<semaphore_mem>>, %arg22: memref<!tpu.dma_semaphore, #tpu.memory_space<semaphore_mem>>, %arg23: memref<!tpu.dma_semaphore, #tpu.memory_space<semaphore_mem>>, %arg24: memref<!tpu.dma_semaphore, #tpu.memory_space<semaphore_mem>>) attributes {dimension_semantics = [#tpu.dimension_semantics<core_parallel>, #tpu.dimension_semantics<subcore_parallel>], iteration_bounds = array<i64: 2, 16>, scalar_prefetch = 0 : i64, scratch_operands = 18 : i64, tpu.core_type = #tpu.core_type<sc_vector_subcore>, window_params = [{transform_indices = #map}, {transform_indices = #map1}, {transform_indices = #map1}, {transform_indices = #map}, {transform_indices = #map1}]} {
    %mul3A = arith.constant 16 : i32
    %mul3A_0 = arith.muli %arg0, %mul3A : i32
    %add3A = arith.addi %mul3A_0, %arg1 : i32
    "tpu.region"() ({
      %run_scoped3A = tpu.sem_alloc : memref<!tpu.dma_semaphore, #tpu.memory_space<semaphore_mem>>
      tpu.enqueue_dma source(%arg5 : memref<128x64xf32, #tpu.memory_space<hbm>>) target(%arg9 : memref<128x64xf32, #tpu.memory_space<vmem>>) target_semaphore(%run_scoped3A : memref<!tpu.dma_semaphore, #tpu.memory_space<semaphore_mem>>)
      tpu.wait_dma2 semaphore(%run_scoped3A : memref<!tpu.dma_semaphore, #tpu.memory_space<semaphore_mem>>) src(%arg5 : memref<128x64xf32, #tpu.memory_space<hbm>>) dst(%arg9 : memref<128x64xf32, #tpu.memory_space<vmem>>)
      tpu.yield
    }) : () -> ()
    %mul3A_1 = arith.constant 640 : i32
    %mul3A_2 = arith.muli %arg1, %mul3A_1 : i32
    %add3A_3 = arith.constant 0 : i32
    %add3A_4 = arith.addi %mul3A_2, %add3A_3 : i32
    "tpu.region"() ({
      %run_scoped3A = tpu.sem_alloc : memref<!tpu.dma_semaphore, #tpu.memory_space<semaphore_mem>>
      %dma_start3A_115 = arith.constant 0 : i32
      %dma_start3A_116 = tpu.memref_slice %arg14[%add3A_4, %dma_start3A_115] : memref<10240x64xf32, #tpu.memory_space<vmem_shared>> -> memref<128x64xf32, #tpu.memory_space<vmem_shared>>
      %dma_start3A_117 = arith.constant 0 : i32
      %dma_start3A_118 = tpu.memref_slice %arg14[%add3A_4, %dma_start3A_117] : memref<10240x64xf32, #tpu.memory_space<vmem_shared>> -> memref<128x64xf32, #tpu.memory_space<vmem_shared>>
      tpu.enqueue_dma source(%arg9 : memref<128x64xf32, #tpu.memory_space<vmem>>) target(%dma_start3A_118 : memref<128x64xf32, #tpu.memory_space<vmem_shared>>) target_semaphore(%run_scoped3A : memref<!tpu.dma_semaphore, #tpu.memory_space<semaphore_mem>>)
      %dma_wait3A_119 = arith.constant 0 : i32
      %dma_wait3A_120 = tpu.memref_slice %arg14[%add3A_4, %dma_wait3A_119] : memref<10240x64xf32, #tpu.memory_space<vmem_shared>> -> memref<128x64xf32, #tpu.memory_space<vmem_shared>>
      %dma_wait3A_121 = arith.constant 0 : i32
      %dma_wait3A_122 = tpu.memref_slice %arg14[%add3A_4, %dma_wait3A_121] : memref<10240x64xf32, #tpu.memory_space<vmem_shared>> -> memref<128x64xf32, #tpu.memory_space<vmem_shared>>
      tpu.wait_dma2 semaphore(%run_scoped3A : memref<!tpu.dma_semaphore, #tpu.memory_space<semaphore_mem>>) src(%arg9 : memref<128x64xf32, #tpu.memory_space<vmem>>) dst(%dma_wait3A_122 : memref<128x64xf32, #tpu.memory_space<vmem_shared>>)
      tpu.yield
    }) : () -> ()
    %mul3A_5 = arith.constant 640 : i32
    %mul3A_6 = arith.muli %arg1, %mul3A_5 : i32
    %add3A_7 = arith.constant 128 : i32
    %add3A_8 = arith.addi %mul3A_6, %add3A_7 : i32
    "tpu.region"() ({
      %run_scoped3A = tpu.sem_alloc : memref<!tpu.dma_semaphore, #tpu.memory_space<semaphore_mem>>
      %dma_start3A_115 = arith.constant 0 : i32
      %dma_start3A_116 = tpu.memref_slice %arg14[%add3A_8, %dma_start3A_115] : memref<10240x64xf32, #tpu.memory_space<vmem_shared>> -> memref<128x64xf32, #tpu.memory_space<vmem_shared>>
      %dma_start3A_117 = arith.constant 0 : i32
      %dma_start3A_118 = tpu.memref_slice %arg14[%add3A_8, %dma_start3A_117] : memref<10240x64xf32, #tpu.memory_space<vmem_shared>> -> memref<128x64xf32, #tpu.memory_space<vmem_shared>>
      tpu.enqueue_dma source(%arg9 : memref<128x64xf32, #tpu.memory_space<vmem>>) target(%dma_start3A_118 : memref<128x64xf32, #tpu.memory_space<vmem_shared>>) target_semaphore(%run_scoped3A : memref<!tpu.dma_semaphore, #tpu.memory_space<semaphore_mem>>)
      %dma_wait3A_119 = arith.constant 0 : i32
      %dma_wait3A_120 = tpu.memref_slice %arg14[%add3A_8, %dma_wait3A_119] : memref<10240x64xf32, #tpu.memory_space<vmem_shared>> -> memref<128x64xf32, #tpu.memory_space<vmem_shared>>
      %dma_wait3A_121 = arith.constant 0 : i32
      %dma_wait3A_122 = tpu.memref_slice %arg14[%add3A_8, %dma_wait3A_121] : memref<10240x64xf32, #tpu.memory_space<vmem_shared>> -> memref<128x64xf32, #tpu.memory_space<vmem_shared>>
      tpu.wait_dma2 semaphore(%run_scoped3A : memref<!tpu.dma_semaphore, #tpu.memory_space<semaphore_mem>>) src(%arg9 : memref<128x64xf32, #tpu.memory_space<vmem>>) dst(%dma_wait3A_122 : memref<128x64xf32, #tpu.memory_space<vmem_shared>>)
      tpu.yield
    }) : () -> ()
    %mul3A_9 = arith.constant 640 : i32
    %mul3A_10 = arith.muli %arg1, %mul3A_9 : i32
    %add3A_11 = arith.constant 256 : i32
    %add3A_12 = arith.addi %mul3A_10, %add3A_11 : i32
    "tpu.region"() ({
      %run_scoped3A = tpu.sem_alloc : memref<!tpu.dma_semaphore, #tpu.memory_space<semaphore_mem>>
      %dma_start3A_115 = arith.constant 0 : i32
      %dma_start3A_116 = tpu.memref_slice %arg14[%add3A_12, %dma_start3A_115] : memref<10240x64xf32, #tpu.memory_space<vmem_shared>> -> memref<128x64xf32, #tpu.memory_space<vmem_shared>>
      %dma_start3A_117 = arith.constant 0 : i32
      %dma_start3A_118 = tpu.memref_slice %arg14[%add3A_12, %dma_start3A_117] : memref<10240x64xf32, #tpu.memory_space<vmem_shared>> -> memref<128x64xf32, #tpu.memory_space<vmem_shared>>
      tpu.enqueue_dma source(%arg9 : memref<128x64xf32, #tpu.memory_space<vmem>>) target(%dma_start3A_118 : memref<128x64xf32, #tpu.memory_space<vmem_shared>>) target_semaphore(%run_scoped3A : memref<!tpu.dma_semaphore, #tpu.memory_space<semaphore_mem>>)
      %dma_wait3A_119 = arith.constant 0 : i32
      %dma_wait3A_120 = tpu.memref_slice %arg14[%add3A_12, %dma_wait3A_119] : memref<10240x64xf32, #tpu.memory_space<vmem_shared>> -> memref<128x64xf32, #tpu.memory_space<vmem_shared>>
      %dma_wait3A_121 = arith.constant 0 : i32
      %dma_wait3A_122 = tpu.memref_slice %arg14[%add3A_12, %dma_wait3A_121] : memref<10240x64xf32, #tpu.memory_space<vmem_shared>> -> memref<128x64xf32, #tpu.memory_space<vmem_shared>>
      tpu.wait_dma2 semaphore(%run_scoped3A : memref<!tpu.dma_semaphore, #tpu.memory_space<semaphore_mem>>) src(%arg9 : memref<128x64xf32, #tpu.memory_space<vmem>>) dst(%dma_wait3A_122 : memref<128x64xf32, #tpu.memory_space<vmem_shared>>)
      tpu.yield
    }) : () -> ()
    %mul3A_13 = arith.constant 640 : i32
    %mul3A_14 = arith.muli %arg1, %mul3A_13 : i32
    %add3A_15 = arith.constant 384 : i32
    %add3A_16 = arith.addi %mul3A_14, %add3A_15 : i32
    "tpu.region"() ({
      %run_scoped3A = tpu.sem_alloc : memref<!tpu.dma_semaphore, #tpu.memory_space<semaphore_mem>>
      %dma_start3A_115 = arith.constant 0 : i32
      %dma_start3A_116 = tpu.memref_slice %arg14[%add3A_16, %dma_start3A_115] : memref<10240x64xf32, #tpu.memory_space<vmem_shared>> -> memref<128x64xf32, #tpu.memory_space<vmem_shared>>
      %dma_start3A_117 = arith.constant 0 : i32
      %dma_start3A_118 = tpu.memref_slice %arg14[%add3A_16, %dma_start3A_117] : memref<10240x64xf32, #tpu.memory_space<vmem_shared>> -> memref<128x64xf32, #tpu.memory_space<vmem_shared>>
      tpu.enqueue_dma source(%arg9 : memref<128x64xf32, #tpu.memory_space<vmem>>) target(%dma_start3A_118 : memref<128x64xf32, #tpu.memory_space<vmem_shared>>) target_semaphore(%run_scoped3A : memref<!tpu.dma_semaphore, #tpu.memory_space<semaphore_mem>>)
      %dma_wait3A_119 = arith.constant 0 : i32
      %dma_wait3A_120 = tpu.memref_slice %arg14[%add3A_16, %dma_wait3A_119] : memref<10240x64xf32, #tpu.memory_space<vmem_shared>> -> memref<128x64xf32, #tpu.memory_space<vmem_shared>>
      %dma_wait3A_121 = arith.constant 0 : i32
      %dma_wait3A_122 = tpu.memref_slice %arg14[%add3A_16, %dma_wait3A_121] : memref<10240x64xf32, #tpu.memory_space<vmem_shared>> -> memref<128x64xf32, #tpu.memory_space<vmem_shared>>
      tpu.wait_dma2 semaphore(%run_scoped3A : memref<!tpu.dma_semaphore, #tpu.memory_space<semaphore_mem>>) src(%arg9 : memref<128x64xf32, #tpu.memory_space<vmem>>) dst(%dma_wait3A_122 : memref<128x64xf32, #tpu.memory_space<vmem_shared>>)
      tpu.yield
    }) : () -> ()
    %mul3A_17 = arith.constant 640 : i32
    %mul3A_18 = arith.muli %arg1, %mul3A_17 : i32
    %add3A_19 = arith.constant 512 : i32
    %add3A_20 = arith.addi %mul3A_18, %add3A_19 : i32
    "tpu.region"() ({
      %run_scoped3A = tpu.sem_alloc : memref<!tpu.dma_semaphore, #tpu.memory_space<semaphore_mem>>
      %dma_start3A_115 = arith.constant 0 : i32
      %dma_start3A_116 = tpu.memref_slice %arg14[%add3A_20, %dma_start3A_115] : memref<10240x64xf32, #tpu.memory_space<vmem_shared>> -> memref<128x64xf32, #tpu.memory_space<vmem_shared>>
      %dma_start3A_117 = arith.constant 0 : i32
      %dma_start3A_118 = tpu.memref_slice %arg14[%add3A_20, %dma_start3A_117] : memref<10240x64xf32, #tpu.memory_space<vmem_shared>> -> memref<128x64xf32, #tpu.memory_space<vmem_shared>>
      tpu.enqueue_dma source(%arg9 : memref<128x64xf32, #tpu.memory_space<vmem>>) target(%dma_start3A_118 : memref<128x64xf32, #tpu.memory_space<vmem_shared>>) target_semaphore(%run_scoped3A : memref<!tpu.dma_semaphore, #tpu.memory_space<semaphore_mem>>)
      %dma_wait3A_119 = arith.constant 0 : i32
      %dma_wait3A_120 = tpu.memref_slice %arg14[%add3A_20, %dma_wait3A_119] : memref<10240x64xf32, #tpu.memory_space<vmem_shared>> -> memref<128x64xf32, #tpu.memory_space<vmem_shared>>
      %dma_wait3A_121 = arith.constant 0 : i32
      %dma_wait3A_122 = tpu.memref_slice %arg14[%add3A_20, %dma_wait3A_121] : memref<10240x64xf32, #tpu.memory_space<vmem_shared>> -> memref<128x64xf32, #tpu.memory_space<vmem_shared>>
      tpu.wait_dma2 semaphore(%run_scoped3A : memref<!tpu.dma_semaphore, #tpu.memory_space<semaphore_mem>>) src(%arg9 : memref<128x64xf32, #tpu.memory_space<vmem>>) dst(%dma_wait3A_122 : memref<128x64xf32, #tpu.memory_space<vmem_shared>>)
      tpu.yield
    }) : () -> ()
    %barrier3A = arith.constant 0 : index
    tpu.barrier barrier_id(%barrier3A)
    "tpu.region"() ({
      %run_scoped3A = tpu.sem_alloc : memref<!tpu.dma_semaphore, #tpu.memory_space<semaphore_mem>>
      %dma_start3A_115 = arith.constant 0 : i32
      %dma_start3A_116 = arith.constant 0 : i32
      %dma_start3A_117 = tpu.memref_slice %arg3[%add3A, %dma_start3A_115, %dma_start3A_116] : memref<32x80x128xi32, #tpu.memory_space<hbm>> -> memref<1x80x128xi32, #tpu.memory_space<hbm>>
      %dma_start3A_118 = tpu.memref_squeeze %dma_start3A_117 : memref<1x80x128xi32, #tpu.memory_space<hbm>> -> memref<80x128xi32, #tpu.memory_space<hbm>>
      %dma_start3A_119 = arith.constant 0 : i32
      %dma_start3A_120 = arith.constant 0 : i32
      %dma_start3A_121 = tpu.memref_slice %arg3[%add3A, %dma_start3A_119, %dma_start3A_120] : memref<32x80x128xi32, #tpu.memory_space<hbm>> -> memref<1x80x128xi32, #tpu.memory_space<hbm>>
      %dma_start3A_122 = tpu.memref_squeeze %dma_start3A_121 : memref<1x80x128xi32, #tpu.memory_space<hbm>> -> memref<80x128xi32, #tpu.memory_space<hbm>>
      tpu.enqueue_dma source(%dma_start3A_122 : memref<80x128xi32, #tpu.memory_space<hbm>>) target(%arg7 : memref<80x128xi32, #tpu.memory_space<vmem>>) target_semaphore(%run_scoped3A : memref<!tpu.dma_semaphore, #tpu.memory_space<semaphore_mem>>)
      %dma_wait3A_123 = arith.constant 0 : i32
      %dma_wait3A_124 = arith.constant 0 : i32
      %dma_wait3A_125 = tpu.memref_slice %arg3[%add3A, %dma_wait3A_123, %dma_wait3A_124] : memref<32x80x128xi32, #tpu.memory_space<hbm>> -> memref<1x80x128xi32, #tpu.memory_space<hbm>>
      %dma_wait3A_126 = tpu.memref_squeeze %dma_wait3A_125 : memref<1x80x128xi32, #tpu.memory_space<hbm>> -> memref<80x128xi32, #tpu.memory_space<hbm>>
      %dma_wait3A_127 = arith.constant 0 : i32
      %dma_wait3A_128 = arith.constant 0 : i32
      %dma_wait3A_129 = tpu.memref_slice %arg3[%add3A, %dma_wait3A_127, %dma_wait3A_128] : memref<32x80x128xi32, #tpu.memory_space<hbm>> -> memref<1x80x128xi32, #tpu.memory_space<hbm>>
      %dma_wait3A_130 = tpu.memref_squeeze %dma_wait3A_129 : memref<1x80x128xi32, #tpu.memory_space<hbm>> -> memref<80x128xi32, #tpu.memory_space<hbm>>
      tpu.wait_dma2 semaphore(%run_scoped3A : memref<!tpu.dma_semaphore, #tpu.memory_space<semaphore_mem>>) src(%dma_wait3A_130 : memref<80x128xi32, #tpu.memory_space<hbm>>) dst(%arg7 : memref<80x128xi32, #tpu.memory_space<vmem>>)
      tpu.yield
    }) : () -> ()
    "tpu.region"() ({
      %run_scoped3A = tpu.sem_alloc : memref<!tpu.dma_semaphore, #tpu.memory_space<semaphore_mem>>
      %dma_start3A_115 = arith.constant 0 : i32
      %dma_start3A_116 = arith.constant 0 : i32
      %dma_start3A_117 = tpu.memref_slice %arg4[%add3A, %dma_start3A_115, %dma_start3A_116] : memref<32x80x128xi32, #tpu.memory_space<hbm>> -> memref<1x80x128xi32, #tpu.memory_space<hbm>>
      %dma_start3A_118 = tpu.memref_squeeze %dma_start3A_117 : memref<1x80x128xi32, #tpu.memory_space<hbm>> -> memref<80x128xi32, #tpu.memory_space<hbm>>
      %dma_start3A_119 = arith.constant 0 : i32
      %dma_start3A_120 = arith.constant 0 : i32
      %dma_start3A_121 = tpu.memref_slice %arg4[%add3A, %dma_start3A_119, %dma_start3A_120] : memref<32x80x128xi32, #tpu.memory_space<hbm>> -> memref<1x80x128xi32, #tpu.memory_space<hbm>>
      %dma_start3A_122 = tpu.memref_squeeze %dma_start3A_121 : memref<1x80x128xi32, #tpu.memory_space<hbm>> -> memref<80x128xi32, #tpu.memory_space<hbm>>
      tpu.enqueue_dma source(%dma_start3A_122 : memref<80x128xi32, #tpu.memory_space<hbm>>) target(%arg8 : memref<80x128xi32, #tpu.memory_space<vmem>>) target_semaphore(%run_scoped3A : memref<!tpu.dma_semaphore, #tpu.memory_space<semaphore_mem>>)
      %dma_wait3A_123 = arith.constant 0 : i32
      %dma_wait3A_124 = arith.constant 0 : i32
      %dma_wait3A_125 = tpu.memref_slice %arg4[%add3A, %dma_wait3A_123, %dma_wait3A_124] : memref<32x80x128xi32, #tpu.memory_space<hbm>> -> memref<1x80x128xi32, #tpu.memory_space<hbm>>
      %dma_wait3A_126 = tpu.memref_squeeze %dma_wait3A_125 : memref<1x80x128xi32, #tpu.memory_space<hbm>> -> memref<80x128xi32, #tpu.memory_space<hbm>>
      %dma_wait3A_127 = arith.constant 0 : i32
      %dma_wait3A_128 = arith.constant 0 : i32
      %dma_wait3A_129 = tpu.memref_slice %arg4[%add3A, %dma_wait3A_127, %dma_wait3A_128] : memref<32x80x128xi32, #tpu.memory_space<hbm>> -> memref<1x80x128xi32, #tpu.memory_space<hbm>>
      %dma_wait3A_130 = tpu.memref_squeeze %dma_wait3A_129 : memref<1x80x128xi32, #tpu.memory_space<hbm>> -> memref<80x128xi32, #tpu.memory_space<hbm>>
      tpu.wait_dma2 semaphore(%run_scoped3A : memref<!tpu.dma_semaphore, #tpu.memory_space<semaphore_mem>>) src(%dma_wait3A_130 : memref<80x128xi32, #tpu.memory_space<hbm>>) dst(%arg8 : memref<80x128xi32, #tpu.memory_space<vmem>>)
      tpu.yield
    }) : () -> ()
    %dma_start3A = arith.constant 0 : i32
    %dma_start3A_21 = arith.constant 0 : i32
    %dma_start3A_22 = tpu.memref_slice %arg7[%dma_start3A, %dma_start3A_21] : memref<80x128xi32, #tpu.memory_space<vmem>> -> memref<1x128xi32, #tpu.memory_space<vmem>>
    %dma_start3A_23 = tpu.memref_squeeze %dma_start3A_22 : memref<1x128xi32, #tpu.memory_space<vmem>> -> memref<128xi32, #tpu.memory_space<vmem>>
    %dma_start3A_24 = arith.constant 0 : i32
    %dma_start3A_25 = arith.constant 0 : i32
    %dma_start3A_26 = tpu.memref_slice %arg2[%dma_start3A_24, %dma_start3A_25] : memref<10240x64xf32, #tpu.memory_space<hbm>> -> memref<10240x64xf32, #tpu.memory_space<hbm>>
    tpu.enqueue_indirect_dma source(%dma_start3A_26 : memref<10240x64xf32, #tpu.memory_space<hbm>>) target(%arg9 : memref<128x64xf32, #tpu.memory_space<vmem>>) offsets(%dma_start3A_23 : memref<128xi32, #tpu.memory_space<vmem>>) semaphore(%arg15 : memref<!tpu.dma_semaphore, #tpu.memory_space<semaphore_mem>>)
    %dma_start3A_27 = arith.constant 1 : i32
    %dma_start3A_28 = arith.constant 0 : i32
    %dma_start3A_29 = tpu.memref_slice %arg7[%dma_start3A_27, %dma_start3A_28] : memref<80x128xi32, #tpu.memory_space<vmem>> -> memref<1x128xi32, #tpu.memory_space<vmem>>
    %dma_start3A_30 = tpu.memref_squeeze %dma_start3A_29 : memref<1x128xi32, #tpu.memory_space<vmem>> -> memref<128xi32, #tpu.memory_space<vmem>>
    %dma_start3A_31 = arith.constant 0 : i32
    %dma_start3A_32 = arith.constant 0 : i32
    %dma_start3A_33 = tpu.memref_slice %arg2[%dma_start3A_31, %dma_start3A_32] : memref<10240x64xf32, #tpu.memory_space<hbm>> -> memref<10240x64xf32, #tpu.memory_space<hbm>>
    tpu.enqueue_indirect_dma source(%dma_start3A_33 : memref<10240x64xf32, #tpu.memory_space<hbm>>) target(%arg10 : memref<128x64xf32, #tpu.memory_space<vmem>>) offsets(%dma_start3A_30 : memref<128xi32, #tpu.memory_space<vmem>>) semaphore(%arg16 : memref<!tpu.dma_semaphore, #tpu.memory_space<semaphore_mem>>)
    %dma_start3A_34 = arith.constant 2 : i32
    %dma_start3A_35 = arith.constant 0 : i32
    %dma_start3A_36 = tpu.memref_slice %arg7[%dma_start3A_34, %dma_start3A_35] : memref<80x128xi32, #tpu.memory_space<vmem>> -> memref<1x128xi32, #tpu.memory_space<vmem>>
    %dma_start3A_37 = tpu.memref_squeeze %dma_start3A_36 : memref<1x128xi32, #tpu.memory_space<vmem>> -> memref<128xi32, #tpu.memory_space<vmem>>
    %dma_start3A_38 = arith.constant 0 : i32
    %dma_start3A_39 = arith.constant 0 : i32
    %dma_start3A_40 = tpu.memref_slice %arg2[%dma_start3A_38, %dma_start3A_39] : memref<10240x64xf32, #tpu.memory_space<hbm>> -> memref<10240x64xf32, #tpu.memory_space<hbm>>
    tpu.enqueue_indirect_dma source(%dma_start3A_40 : memref<10240x64xf32, #tpu.memory_space<hbm>>) target(%arg11 : memref<128x64xf32, #tpu.memory_space<vmem>>) offsets(%dma_start3A_37 : memref<128xi32, #tpu.memory_space<vmem>>) semaphore(%arg17 : memref<!tpu.dma_semaphore, #tpu.memory_space<semaphore_mem>>)
    %dma_start3A_41 = arith.constant 3 : i32
    %dma_start3A_42 = arith.constant 0 : i32
    %dma_start3A_43 = tpu.memref_slice %arg7[%dma_start3A_41, %dma_start3A_42] : memref<80x128xi32, #tpu.memory_space<vmem>> -> memref<1x128xi32, #tpu.memory_space<vmem>>
    %dma_start3A_44 = tpu.memref_squeeze %dma_start3A_43 : memref<1x128xi32, #tpu.memory_space<vmem>> -> memref<128xi32, #tpu.memory_space<vmem>>
    %dma_start3A_45 = arith.constant 0 : i32
    %dma_start3A_46 = arith.constant 0 : i32
    %dma_start3A_47 = tpu.memref_slice %arg2[%dma_start3A_45, %dma_start3A_46] : memref<10240x64xf32, #tpu.memory_space<hbm>> -> memref<10240x64xf32, #tpu.memory_space<hbm>>
    tpu.enqueue_indirect_dma source(%dma_start3A_47 : memref<10240x64xf32, #tpu.memory_space<hbm>>) target(%arg12 : memref<128x64xf32, #tpu.memory_space<vmem>>) offsets(%dma_start3A_44 : memref<128xi32, #tpu.memory_space<vmem>>) semaphore(%arg18 : memref<!tpu.dma_semaphore, #tpu.memory_space<semaphore_mem>>)
    %dma_start3A_48 = arith.constant 4 : i32
    %dma_start3A_49 = arith.constant 0 : i32
    %dma_start3A_50 = tpu.memref_slice %arg7[%dma_start3A_48, %dma_start3A_49] : memref<80x128xi32, #tpu.memory_space<vmem>> -> memref<1x128xi32, #tpu.memory_space<vmem>>
    %dma_start3A_51 = tpu.memref_squeeze %dma_start3A_50 : memref<1x128xi32, #tpu.memory_space<vmem>> -> memref<128xi32, #tpu.memory_space<vmem>>
    %dma_start3A_52 = arith.constant 0 : i32
    %dma_start3A_53 = arith.constant 0 : i32
    %dma_start3A_54 = tpu.memref_slice %arg2[%dma_start3A_52, %dma_start3A_53] : memref<10240x64xf32, #tpu.memory_space<hbm>> -> memref<10240x64xf32, #tpu.memory_space<hbm>>
    tpu.enqueue_indirect_dma source(%dma_start3A_54 : memref<10240x64xf32, #tpu.memory_space<hbm>>) target(%arg13 : memref<128x64xf32, #tpu.memory_space<vmem>>) offsets(%dma_start3A_51 : memref<128xi32, #tpu.memory_space<vmem>>) semaphore(%arg19 : memref<!tpu.dma_semaphore, #tpu.memory_space<semaphore_mem>>)
    %scan3A = arith.constant 0 : i32
    %scan3A_55 = arith.constant 0 : i32
    %scan3A_56 = arith.constant 16 : i32
    %scan3A_57 = arith.addi %scan3A_55, %scan3A_56 : i32
    %scan3A_58 = arith.constant 1 : i32
    scf.for %scan3A_115 = %scan3A_55 to %scan3A_57 step %scan3A_58  : i32 {
      %mul3A_116 = arith.constant 5 : i32
      %mul3A_117 = arith.muli %mul3A_116, %scan3A_115 : i32
      %add3A_118 = arith.constant 0 : i32
      %add3A_119 = arith.addi %mul3A_117, %add3A_118 : i32
      %dma_wait3A_120 = arith.constant 0 : i32
      %dma_wait3A_121 = tpu.memref_slice %arg7[%add3A_119, %dma_wait3A_120] : memref<80x128xi32, #tpu.memory_space<vmem>> -> memref<1x128xi32, #tpu.memory_space<vmem>>
      %dma_wait3A_122 = tpu.memref_squeeze %dma_wait3A_121 : memref<1x128xi32, #tpu.memory_space<vmem>> -> memref<128xi32, #tpu.memory_space<vmem>>
      %dma_wait3A_123 = arith.constant 0 : i32
      %dma_wait3A_124 = arith.constant 0 : i32
      %dma_wait3A_125 = tpu.memref_slice %arg2[%dma_wait3A_123, %dma_wait3A_124] : memref<10240x64xf32, #tpu.memory_space<hbm>> -> memref<10240x64xf32, #tpu.memory_space<hbm>>
      tpu.wait_indirect_dma semaphore(%arg15 : memref<!tpu.dma_semaphore, #tpu.memory_space<semaphore_mem>>) src(%dma_wait3A_125 : memref<10240x64xf32, #tpu.memory_space<hbm>>) dst(%arg9 : memref<128x64xf32, #tpu.memory_space<vmem>>)
      %add3A_126 = arith.constant 0 : i32
      %add3A_127 = arith.addi %mul3A_117, %add3A_126 : i32
      %dma_start3A_128 = arith.constant 0 : i32
      %dma_start3A_129 = tpu.memref_slice %arg8[%add3A_127, %dma_start3A_128] : memref<80x128xi32, #tpu.memory_space<vmem>> -> memref<1x128xi32, #tpu.memory_space<vmem>>
      %dma_start3A_130 = tpu.memref_squeeze %dma_start3A_129 : memref<1x128xi32, #tpu.memory_space<vmem>> -> memref<128xi32, #tpu.memory_space<vmem>>
      %dma_start3A_131 = arith.constant 0 : i32
      %dma_start3A_132 = arith.constant 0 : i32
      %dma_start3A_133 = tpu.memref_slice %arg14[%dma_start3A_131, %dma_start3A_132] : memref<10240x64xf32, #tpu.memory_space<vmem_shared>> -> memref<10240x64xf32, #tpu.memory_space<vmem_shared>>
      tpu.enqueue_indirect_dma source(%arg9 : memref<128x64xf32, #tpu.memory_space<vmem>>) target(%dma_start3A_133 : memref<10240x64xf32, #tpu.memory_space<vmem_shared>>) offsets(%dma_start3A_130 : memref<128xi32, #tpu.memory_space<vmem>>) semaphore(%arg20 : memref<!tpu.dma_semaphore, #tpu.memory_space<semaphore_mem>>) {add = true}
      %add3A_134 = arith.constant 1 : i32
      %add3A_135 = arith.addi %mul3A_117, %add3A_134 : i32
      %dma_wait3A_136 = arith.constant 0 : i32
      %dma_wait3A_137 = tpu.memref_slice %arg7[%add3A_135, %dma_wait3A_136] : memref<80x128xi32, #tpu.memory_space<vmem>> -> memref<1x128xi32, #tpu.memory_space<vmem>>
      %dma_wait3A_138 = tpu.memref_squeeze %dma_wait3A_137 : memref<1x128xi32, #tpu.memory_space<vmem>> -> memref<128xi32, #tpu.memory_space<vmem>>
      %dma_wait3A_139 = arith.constant 0 : i32
      %dma_wait3A_140 = arith.constant 0 : i32
      %dma_wait3A_141 = tpu.memref_slice %arg2[%dma_wait3A_139, %dma_wait3A_140] : memref<10240x64xf32, #tpu.memory_space<hbm>> -> memref<10240x64xf32, #tpu.memory_space<hbm>>
      tpu.wait_indirect_dma semaphore(%arg16 : memref<!tpu.dma_semaphore, #tpu.memory_space<semaphore_mem>>) src(%dma_wait3A_141 : memref<10240x64xf32, #tpu.memory_space<hbm>>) dst(%arg10 : memref<128x64xf32, #tpu.memory_space<vmem>>)
      %add3A_142 = arith.constant 1 : i32
      %add3A_143 = arith.addi %mul3A_117, %add3A_142 : i32
      %dma_start3A_144 = arith.constant 0 : i32
      %dma_start3A_145 = tpu.memref_slice %arg8[%add3A_143, %dma_start3A_144] : memref<80x128xi32, #tpu.memory_space<vmem>> -> memref<1x128xi32, #tpu.memory_space<vmem>>
      %dma_start3A_146 = tpu.memref_squeeze %dma_start3A_145 : memref<1x128xi32, #tpu.memory_space<vmem>> -> memref<128xi32, #tpu.memory_space<vmem>>
      %dma_start3A_147 = arith.constant 0 : i32
      %dma_start3A_148 = arith.constant 0 : i32
      %dma_start3A_149 = tpu.memref_slice %arg14[%dma_start3A_147, %dma_start3A_148] : memref<10240x64xf32, #tpu.memory_space<vmem_shared>> -> memref<10240x64xf32, #tpu.memory_space<vmem_shared>>
      tpu.enqueue_indirect_dma source(%arg10 : memref<128x64xf32, #tpu.memory_space<vmem>>) target(%dma_start3A_149 : memref<10240x64xf32, #tpu.memory_space<vmem_shared>>) offsets(%dma_start3A_146 : memref<128xi32, #tpu.memory_space<vmem>>) semaphore(%arg21 : memref<!tpu.dma_semaphore, #tpu.memory_space<semaphore_mem>>) {add = true}
      %add3A_150 = arith.constant 2 : i32
      %add3A_151 = arith.addi %mul3A_117, %add3A_150 : i32
      %dma_wait3A_152 = arith.constant 0 : i32
      %dma_wait3A_153 = tpu.memref_slice %arg7[%add3A_151, %dma_wait3A_152] : memref<80x128xi32, #tpu.memory_space<vmem>> -> memref<1x128xi32, #tpu.memory_space<vmem>>
      %dma_wait3A_154 = tpu.memref_squeeze %dma_wait3A_153 : memref<1x128xi32, #tpu.memory_space<vmem>> -> memref<128xi32, #tpu.memory_space<vmem>>
      %dma_wait3A_155 = arith.constant 0 : i32
      %dma_wait3A_156 = arith.constant 0 : i32
      %dma_wait3A_157 = tpu.memref_slice %arg2[%dma_wait3A_155, %dma_wait3A_156] : memref<10240x64xf32, #tpu.memory_space<hbm>> -> memref<10240x64xf32, #tpu.memory_space<hbm>>
      tpu.wait_indirect_dma semaphore(%arg17 : memref<!tpu.dma_semaphore, #tpu.memory_space<semaphore_mem>>) src(%dma_wait3A_157 : memref<10240x64xf32, #tpu.memory_space<hbm>>) dst(%arg11 : memref<128x64xf32, #tpu.memory_space<vmem>>)
      %add3A_158 = arith.constant 2 : i32
      %add3A_159 = arith.addi %mul3A_117, %add3A_158 : i32
      %dma_start3A_160 = arith.constant 0 : i32
      %dma_start3A_161 = tpu.memref_slice %arg8[%add3A_159, %dma_start3A_160] : memref<80x128xi32, #tpu.memory_space<vmem>> -> memref<1x128xi32, #tpu.memory_space<vmem>>
      %dma_start3A_162 = tpu.memref_squeeze %dma_start3A_161 : memref<1x128xi32, #tpu.memory_space<vmem>> -> memref<128xi32, #tpu.memory_space<vmem>>
      %dma_start3A_163 = arith.constant 0 : i32
      %dma_start3A_164 = arith.constant 0 : i32
      %dma_start3A_165 = tpu.memref_slice %arg14[%dma_start3A_163, %dma_start3A_164] : memref<10240x64xf32, #tpu.memory_space<vmem_shared>> -> memref<10240x64xf32, #tpu.memory_space<vmem_shared>>
      tpu.enqueue_indirect_dma source(%arg11 : memref<128x64xf32, #tpu.memory_space<vmem>>) target(%dma_start3A_165 : memref<10240x64xf32, #tpu.memory_space<vmem_shared>>) offsets(%dma_start3A_162 : memref<128xi32, #tpu.memory_space<vmem>>) semaphore(%arg22 : memref<!tpu.dma_semaphore, #tpu.memory_space<semaphore_mem>>) {add = true}
      %add3A_166 = arith.constant 3 : i32
      %add3A_167 = arith.addi %mul3A_117, %add3A_166 : i32
      %dma_wait3A_168 = arith.constant 0 : i32
      %dma_wait3A_169 = tpu.memref_slice %arg7[%add3A_167, %dma_wait3A_168] : memref<80x128xi32, #tpu.memory_space<vmem>> -> memref<1x128xi32, #tpu.memory_space<vmem>>
      %dma_wait3A_170 = tpu.memref_squeeze %dma_wait3A_169 : memref<1x128xi32, #tpu.memory_space<vmem>> -> memref<128xi32, #tpu.memory_space<vmem>>
      %dma_wait3A_171 = arith.constant 0 : i32
      %dma_wait3A_172 = arith.constant 0 : i32
      %dma_wait3A_173 = tpu.memref_slice %arg2[%dma_wait3A_171, %dma_wait3A_172] : memref<10240x64xf32, #tpu.memory_space<hbm>> -> memref<10240x64xf32, #tpu.memory_space<hbm>>
      tpu.wait_indirect_dma semaphore(%arg18 : memref<!tpu.dma_semaphore, #tpu.memory_space<semaphore_mem>>) src(%dma_wait3A_173 : memref<10240x64xf32, #tpu.memory_space<hbm>>) dst(%arg12 : memref<128x64xf32, #tpu.memory_space<vmem>>)
      %add3A_174 = arith.constant 3 : i32
      %add3A_175 = arith.addi %mul3A_117, %add3A_174 : i32
      %dma_start3A_176 = arith.constant 0 : i32
      %dma_start3A_177 = tpu.memref_slice %arg8[%add3A_175, %dma_start3A_176] : memref<80x128xi32, #tpu.memory_space<vmem>> -> memref<1x128xi32, #tpu.memory_space<vmem>>
      %dma_start3A_178 = tpu.memref_squeeze %dma_start3A_177 : memref<1x128xi32, #tpu.memory_space<vmem>> -> memref<128xi32, #tpu.memory_space<vmem>>
      %dma_start3A_179 = arith.constant 0 : i32
      %dma_start3A_180 = arith.constant 0 : i32
      %dma_start3A_181 = tpu.memref_slice %arg14[%dma_start3A_179, %dma_start3A_180] : memref<10240x64xf32, #tpu.memory_space<vmem_shared>> -> memref<10240x64xf32, #tpu.memory_space<vmem_shared>>
      tpu.enqueue_indirect_dma source(%arg12 : memref<128x64xf32, #tpu.memory_space<vmem>>) target(%dma_start3A_181 : memref<10240x64xf32, #tpu.memory_space<vmem_shared>>) offsets(%dma_start3A_178 : memref<128xi32, #tpu.memory_space<vmem>>) semaphore(%arg23 : memref<!tpu.dma_semaphore, #tpu.memory_space<semaphore_mem>>) {add = true}
      %add3A_182 = arith.constant 4 : i32
      %add3A_183 = arith.addi %mul3A_117, %add3A_182 : i32
      %dma_wait3A_184 = arith.constant 0 : i32
      %dma_wait3A_185 = tpu.memref_slice %arg7[%add3A_183, %dma_wait3A_184] : memref<80x128xi32, #tpu.memory_space<vmem>> -> memref<1x128xi32, #tpu.memory_space<vmem>>
      %dma_wait3A_186 = tpu.memref_squeeze %dma_wait3A_185 : memref<1x128xi32, #tpu.memory_space<vmem>> -> memref<128xi32, #tpu.memory_space<vmem>>
      %dma_wait3A_187 = arith.constant 0 : i32
      %dma_wait3A_188 = arith.constant 0 : i32
      %dma_wait3A_189 = tpu.memref_slice %arg2[%dma_wait3A_187, %dma_wait3A_188] : memref<10240x64xf32, #tpu.memory_space<hbm>> -> memref<10240x64xf32, #tpu.memory_space<hbm>>
      tpu.wait_indirect_dma semaphore(%arg19 : memref<!tpu.dma_semaphore, #tpu.memory_space<semaphore_mem>>) src(%dma_wait3A_189 : memref<10240x64xf32, #tpu.memory_space<hbm>>) dst(%arg13 : memref<128x64xf32, #tpu.memory_space<vmem>>)
      %add3A_190 = arith.constant 4 : i32
      %add3A_191 = arith.addi %mul3A_117, %add3A_190 : i32
      %dma_start3A_192 = arith.constant 0 : i32
      %dma_start3A_193 = tpu.memref_slice %arg8[%add3A_191, %dma_start3A_192] : memref<80x128xi32, #tpu.memory_space<vmem>> -> memref<1x128xi32, #tpu.memory_space<vmem>>
      %dma_start3A_194 = tpu.memref_squeeze %dma_start3A_193 : memref<1x128xi32, #tpu.memory_space<vmem>> -> memref<128xi32, #tpu.memory_space<vmem>>
      %dma_start3A_195 = arith.constant 0 : i32
      %dma_start3A_196 = arith.constant 0 : i32
      %dma_start3A_197 = tpu.memref_slice %arg14[%dma_start3A_195, %dma_start3A_196] : memref<10240x64xf32, #tpu.memory_space<vmem_shared>> -> memref<10240x64xf32, #tpu.memory_space<vmem_shared>>
      tpu.enqueue_indirect_dma source(%arg13 : memref<128x64xf32, #tpu.memory_space<vmem>>) target(%dma_start3A_197 : memref<10240x64xf32, #tpu.memory_space<vmem_shared>>) offsets(%dma_start3A_194 : memref<128xi32, #tpu.memory_space<vmem>>) semaphore(%arg24 : memref<!tpu.dma_semaphore, #tpu.memory_space<semaphore_mem>>) {add = true}
      %add3A_198 = arith.constant 0 : i32
      %add3A_199 = arith.addi %mul3A_117, %add3A_198 : i32
      %dma_wait3A_200 = arith.constant 0 : i32
      %dma_wait3A_201 = tpu.memref_slice %arg8[%add3A_199, %dma_wait3A_200] : memref<80x128xi32, #tpu.memory_space<vmem>> -> memref<1x128xi32, #tpu.memory_space<vmem>>
      %dma_wait3A_202 = tpu.memref_squeeze %dma_wait3A_201 : memref<1x128xi32, #tpu.memory_space<vmem>> -> memref<128xi32, #tpu.memory_space<vmem>>
      %dma_wait3A_203 = arith.constant 0 : i32
      %dma_wait3A_204 = arith.constant 0 : i32
      %dma_wait3A_205 = tpu.memref_slice %arg14[%dma_wait3A_203, %dma_wait3A_204] : memref<10240x64xf32, #tpu.memory_space<vmem_shared>> -> memref<10240x64xf32, #tpu.memory_space<vmem_shared>>
      tpu.wait_indirect_dma semaphore(%arg20 : memref<!tpu.dma_semaphore, #tpu.memory_space<semaphore_mem>>) src(%arg9 : memref<128x64xf32, #tpu.memory_space<vmem>>) dst(%dma_wait3A_205 : memref<10240x64xf32, #tpu.memory_space<vmem_shared>>)
      %add3A_206 = arith.constant 5 : i32
      %add3A_207 = arith.addi %mul3A_117, %add3A_206 : i32
      %add3A_208 = arith.constant 0 : i32
      %add3A_209 = arith.addi %add3A_207, %add3A_208 : i32
      %min3A = arith.constant 79 : i32
      %min3A_210 = arith.minsi %add3A_209, %min3A : i32
      %dma_start3A_211 = arith.constant 0 : i32
      %dma_start3A_212 = tpu.memref_slice %arg7[%min3A_210, %dma_start3A_211] : memref<80x128xi32, #tpu.memory_space<vmem>> -> memref<1x128xi32, #tpu.memory_space<vmem>>
      %dma_start3A_213 = tpu.memref_squeeze %dma_start3A_212 : memref<1x128xi32, #tpu.memory_space<vmem>> -> memref<128xi32, #tpu.memory_space<vmem>>
      %dma_start3A_214 = arith.constant 0 : i32
      %dma_start3A_215 = arith.constant 0 : i32
      %dma_start3A_216 = tpu.memref_slice %arg2[%dma_start3A_214, %dma_start3A_215] : memref<10240x64xf32, #tpu.memory_space<hbm>> -> memref<10240x64xf32, #tpu.memory_space<hbm>>
      tpu.enqueue_indirect_dma source(%dma_start3A_216 : memref<10240x64xf32, #tpu.memory_space<hbm>>) target(%arg9 : memref<128x64xf32, #tpu.memory_space<vmem>>) offsets(%dma_start3A_213 : memref<128xi32, #tpu.memory_space<vmem>>) semaphore(%arg15 : memref<!tpu.dma_semaphore, #tpu.memory_space<semaphore_mem>>)
      %add3A_217 = arith.constant 1 : i32
      %add3A_218 = arith.addi %mul3A_117, %add3A_217 : i32
      %dma_wait3A_219 = arith.constant 0 : i32
      %dma_wait3A_220 = tpu.memref_slice %arg8[%add3A_218, %dma_wait3A_219] : memref<80x128xi32, #tpu.memory_space<vmem>> -> memref<1x128xi32, #tpu.memory_space<vmem>>
      %dma_wait3A_221 = tpu.memref_squeeze %dma_wait3A_220 : memref<1x128xi32, #tpu.memory_space<vmem>> -> memref<128xi32, #tpu.memory_space<vmem>>
      %dma_wait3A_222 = arith.constant 0 : i32
      %dma_wait3A_223 = arith.constant 0 : i32
      %dma_wait3A_224 = tpu.memref_slice %arg14[%dma_wait3A_222, %dma_wait3A_223] : memref<10240x64xf32, #tpu.memory_space<vmem_shared>> -> memref<10240x64xf32, #tpu.memory_space<vmem_shared>>
      tpu.wait_indirect_dma semaphore(%arg21 : memref<!tpu.dma_semaphore, #tpu.memory_space<semaphore_mem>>) src(%arg10 : memref<128x64xf32, #tpu.memory_space<vmem>>) dst(%dma_wait3A_224 : memref<10240x64xf32, #tpu.memory_space<vmem_shared>>)
      %add3A_225 = arith.constant 5 : i32
      %add3A_226 = arith.addi %mul3A_117, %add3A_225 : i32
      %add3A_227 = arith.constant 1 : i32
      %add3A_228 = arith.addi %add3A_226, %add3A_227 : i32
      %min3A_229 = arith.constant 79 : i32
      %min3A_230 = arith.minsi %add3A_228, %min3A_229 : i32
      %dma_start3A_231 = arith.constant 0 : i32
      %dma_start3A_232 = tpu.memref_slice %arg7[%min3A_230, %dma_start3A_231] : memref<80x128xi32, #tpu.memory_space<vmem>> -> memref<1x128xi32, #tpu.memory_space<vmem>>
      %dma_start3A_233 = tpu.memref_squeeze %dma_start3A_232 : memref<1x128xi32, #tpu.memory_space<vmem>> -> memref<128xi32, #tpu.memory_space<vmem>>
      %dma_start3A_234 = arith.constant 0 : i32
      %dma_start3A_235 = arith.constant 0 : i32
      %dma_start3A_236 = tpu.memref_slice %arg2[%dma_start3A_234, %dma_start3A_235] : memref<10240x64xf32, #tpu.memory_space<hbm>> -> memref<10240x64xf32, #tpu.memory_space<hbm>>
      tpu.enqueue_indirect_dma source(%dma_start3A_236 : memref<10240x64xf32, #tpu.memory_space<hbm>>) target(%arg10 : memref<128x64xf32, #tpu.memory_space<vmem>>) offsets(%dma_start3A_233 : memref<128xi32, #tpu.memory_space<vmem>>) semaphore(%arg16 : memref<!tpu.dma_semaphore, #tpu.memory_space<semaphore_mem>>)
      %add3A_237 = arith.constant 2 : i32
      %add3A_238 = arith.addi %mul3A_117, %add3A_237 : i32
      %dma_wait3A_239 = arith.constant 0 : i32
      %dma_wait3A_240 = tpu.memref_slice %arg8[%add3A_238, %dma_wait3A_239] : memref<80x128xi32, #tpu.memory_space<vmem>> -> memref<1x128xi32, #tpu.memory_space<vmem>>
      %dma_wait3A_241 = tpu.memref_squeeze %dma_wait3A_240 : memref<1x128xi32, #tpu.memory_space<vmem>> -> memref<128xi32, #tpu.memory_space<vmem>>
      %dma_wait3A_242 = arith.constant 0 : i32
      %dma_wait3A_243 = arith.constant 0 : i32
      %dma_wait3A_244 = tpu.memref_slice %arg14[%dma_wait3A_242, %dma_wait3A_243] : memref<10240x64xf32, #tpu.memory_space<vmem_shared>> -> memref<10240x64xf32, #tpu.memory_space<vmem_shared>>
      tpu.wait_indirect_dma semaphore(%arg22 : memref<!tpu.dma_semaphore, #tpu.memory_space<semaphore_mem>>) src(%arg11 : memref<128x64xf32, #tpu.memory_space<vmem>>) dst(%dma_wait3A_244 : memref<10240x64xf32, #tpu.memory_space<vmem_shared>>)
      %add3A_245 = arith.constant 5 : i32
      %add3A_246 = arith.addi %mul3A_117, %add3A_245 : i32
      %add3A_247 = arith.constant 2 : i32
      %add3A_248 = arith.addi %add3A_246, %add3A_247 : i32
      %min3A_249 = arith.constant 79 : i32
      %min3A_250 = arith.minsi %add3A_248, %min3A_249 : i32
      %dma_start3A_251 = arith.constant 0 : i32
      %dma_start3A_252 = tpu.memref_slice %arg7[%min3A_250, %dma_start3A_251] : memref<80x128xi32, #tpu.memory_space<vmem>> -> memref<1x128xi32, #tpu.memory_space<vmem>>
      %dma_start3A_253 = tpu.memref_squeeze %dma_start3A_252 : memref<1x128xi32, #tpu.memory_space<vmem>> -> memref<128xi32, #tpu.memory_space<vmem>>
      %dma_start3A_254 = arith.constant 0 : i32
      %dma_start3A_255 = arith.constant 0 : i32
      %dma_start3A_256 = tpu.memref_slice %arg2[%dma_start3A_254, %dma_start3A_255] : memref<10240x64xf32, #tpu.memory_space<hbm>> -> memref<10240x64xf32, #tpu.memory_space<hbm>>
      tpu.enqueue_indirect_dma source(%dma_start3A_256 : memref<10240x64xf32, #tpu.memory_space<hbm>>) target(%arg11 : memref<128x64xf32, #tpu.memory_space<vmem>>) offsets(%dma_start3A_253 : memref<128xi32, #tpu.memory_space<vmem>>) semaphore(%arg17 : memref<!tpu.dma_semaphore, #tpu.memory_space<semaphore_mem>>)
      %add3A_257 = arith.constant 3 : i32
      %add3A_258 = arith.addi %mul3A_117, %add3A_257 : i32
      %dma_wait3A_259 = arith.constant 0 : i32
      %dma_wait3A_260 = tpu.memref_slice %arg8[%add3A_258, %dma_wait3A_259] : memref<80x128xi32, #tpu.memory_space<vmem>> -> memref<1x128xi32, #tpu.memory_space<vmem>>
      %dma_wait3A_261 = tpu.memref_squeeze %dma_wait3A_260 : memref<1x128xi32, #tpu.memory_space<vmem>> -> memref<128xi32, #tpu.memory_space<vmem>>
      %dma_wait3A_262 = arith.constant 0 : i32
      %dma_wait3A_263 = arith.constant 0 : i32
      %dma_wait3A_264 = tpu.memref_slice %arg14[%dma_wait3A_262, %dma_wait3A_263] : memref<10240x64xf32, #tpu.memory_space<vmem_shared>> -> memref<10240x64xf32, #tpu.memory_space<vmem_shared>>
      tpu.wait_indirect_dma semaphore(%arg23 : memref<!tpu.dma_semaphore, #tpu.memory_space<semaphore_mem>>) src(%arg12 : memref<128x64xf32, #tpu.memory_space<vmem>>) dst(%dma_wait3A_264 : memref<10240x64xf32, #tpu.memory_space<vmem_shared>>)
      %add3A_265 = arith.constant 5 : i32
      %add3A_266 = arith.addi %mul3A_117, %add3A_265 : i32
      %add3A_267 = arith.constant 3 : i32
      %add3A_268 = arith.addi %add3A_266, %add3A_267 : i32
      %min3A_269 = arith.constant 79 : i32
      %min3A_270 = arith.minsi %add3A_268, %min3A_269 : i32
      %dma_start3A_271 = arith.constant 0 : i32
      %dma_start3A_272 = tpu.memref_slice %arg7[%min3A_270, %dma_start3A_271] : memref<80x128xi32, #tpu.memory_space<vmem>> -> memref<1x128xi32, #tpu.memory_space<vmem>>
      %dma_start3A_273 = tpu.memref_squeeze %dma_start3A_272 : memref<1x128xi32, #tpu.memory_space<vmem>> -> memref<128xi32, #tpu.memory_space<vmem>>
      %dma_start3A_274 = arith.constant 0 : i32
      %dma_start3A_275 = arith.constant 0 : i32
      %dma_start3A_276 = tpu.memref_slice %arg2[%dma_start3A_274, %dma_start3A_275] : memref<10240x64xf32, #tpu.memory_space<hbm>> -> memref<10240x64xf32, #tpu.memory_space<hbm>>
      tpu.enqueue_indirect_dma source(%dma_start3A_276 : memref<10240x64xf32, #tpu.memory_space<hbm>>) target(%arg12 : memref<128x64xf32, #tpu.memory_space<vmem>>) offsets(%dma_start3A_273 : memref<128xi32, #tpu.memory_space<vmem>>) semaphore(%arg18 : memref<!tpu.dma_semaphore, #tpu.memory_space<semaphore_mem>>)
      %add3A_277 = arith.constant 4 : i32
      %add3A_278 = arith.addi %mul3A_117, %add3A_277 : i32
      %dma_wait3A_279 = arith.constant 0 : i32
      %dma_wait3A_280 = tpu.memref_slice %arg8[%add3A_278, %dma_wait3A_279] : memref<80x128xi32, #tpu.memory_space<vmem>> -> memref<1x128xi32, #tpu.memory_space<vmem>>
      %dma_wait3A_281 = tpu.memref_squeeze %dma_wait3A_280 : memref<1x128xi32, #tpu.memory_space<vmem>> -> memref<128xi32, #tpu.memory_space<vmem>>
      %dma_wait3A_282 = arith.constant 0 : i32
      %dma_wait3A_283 = arith.constant 0 : i32
      %dma_wait3A_284 = tpu.memref_slice %arg14[%dma_wait3A_282, %dma_wait3A_283] : memref<10240x64xf32, #tpu.memory_space<vmem_shared>> -> memref<10240x64xf32, #tpu.memory_space<vmem_shared>>
      tpu.wait_indirect_dma semaphore(%arg24 : memref<!tpu.dma_semaphore, #tpu.memory_space<semaphore_mem>>) src(%arg13 : memref<128x64xf32, #tpu.memory_space<vmem>>) dst(%dma_wait3A_284 : memref<10240x64xf32, #tpu.memory_space<vmem_shared>>)
      %add3A_285 = arith.constant 5 : i32
      %add3A_286 = arith.addi %mul3A_117, %add3A_285 : i32
      %add3A_287 = arith.constant 4 : i32
      %add3A_288 = arith.addi %add3A_286, %add3A_287 : i32
      %min3A_289 = arith.constant 79 : i32
      %min3A_290 = arith.minsi %add3A_288, %min3A_289 : i32
      %dma_start3A_291 = arith.constant 0 : i32
      %dma_start3A_292 = tpu.memref_slice %arg7[%min3A_290, %dma_start3A_291] : memref<80x128xi32, #tpu.memory_space<vmem>> -> memref<1x128xi32, #tpu.memory_space<vmem>>
      %dma_start3A_293 = tpu.memref_squeeze %dma_start3A_292 : memref<1x128xi32, #tpu.memory_space<vmem>> -> memref<128xi32, #tpu.memory_space<vmem>>
      %dma_start3A_294 = arith.constant 0 : i32
      %dma_start3A_295 = arith.constant 0 : i32
      %dma_start3A_296 = tpu.memref_slice %arg2[%dma_start3A_294, %dma_start3A_295] : memref<10240x64xf32, #tpu.memory_space<hbm>> -> memref<10240x64xf32, #tpu.memory_space<hbm>>
      tpu.enqueue_indirect_dma source(%dma_start3A_296 : memref<10240x64xf32, #tpu.memory_space<hbm>>) target(%arg13 : memref<128x64xf32, #tpu.memory_space<vmem>>) offsets(%dma_start3A_293 : memref<128xi32, #tpu.memory_space<vmem>>) semaphore(%arg19 : memref<!tpu.dma_semaphore, #tpu.memory_space<semaphore_mem>>)
    }
    %scan3A_59 = arith.constant 16 : i32
    %dma_wait3A = arith.constant 79 : i32
    %dma_wait3A_60 = arith.constant 0 : i32
    %dma_wait3A_61 = tpu.memref_slice %arg7[%dma_wait3A, %dma_wait3A_60] : memref<80x128xi32, #tpu.memory_space<vmem>> -> memref<1x128xi32, #tpu.memory_space<vmem>>
    %dma_wait3A_62 = tpu.memref_squeeze %dma_wait3A_61 : memref<1x128xi32, #tpu.memory_space<vmem>> -> memref<128xi32, #tpu.memory_space<vmem>>
    %dma_wait3A_63 = arith.constant 0 : i32
    %dma_wait3A_64 = arith.constant 0 : i32
    %dma_wait3A_65 = tpu.memref_slice %arg2[%dma_wait3A_63, %dma_wait3A_64] : memref<10240x64xf32, #tpu.memory_space<hbm>> -> memref<10240x64xf32, #tpu.memory_space<hbm>>
    tpu.wait_indirect_dma semaphore(%arg15 : memref<!tpu.dma_semaphore, #tpu.memory_space<semaphore_mem>>) src(%dma_wait3A_65 : memref<10240x64xf32, #tpu.memory_space<hbm>>) dst(%arg9 : memref<128x64xf32, #tpu.memory_space<vmem>>)
    %dma_wait3A_66 = arith.constant 79 : i32
    %dma_wait3A_67 = arith.constant 0 : i32
    %dma_wait3A_68 = tpu.memref_slice %arg7[%dma_wait3A_66, %dma_wait3A_67] : memref<80x128xi32, #tpu.memory_space<vmem>> -> memref<1x128xi32, #tpu.memory_space<vmem>>
    %dma_wait3A_69 = tpu.memref_squeeze %dma_wait3A_68 : memref<1x128xi32, #tpu.memory_space<vmem>> -> memref<128xi32, #tpu.memory_space<vmem>>
    %dma_wait3A_70 = arith.constant 0 : i32
    %dma_wait3A_71 = arith.constant 0 : i32
    %dma_wait3A_72 = tpu.memref_slice %arg2[%dma_wait3A_70, %dma_wait3A_71] : memref<10240x64xf32, #tpu.memory_space<hbm>> -> memref<10240x64xf32, #tpu.memory_space<hbm>>
    tpu.wait_indirect_dma semaphore(%arg16 : memref<!tpu.dma_semaphore, #tpu.memory_space<semaphore_mem>>) src(%dma_wait3A_72 : memref<10240x64xf32, #tpu.memory_space<hbm>>) dst(%arg10 : memref<128x64xf32, #tpu.memory_space<vmem>>)
    %dma_wait3A_73 = arith.constant 79 : i32
    %dma_wait3A_74 = arith.constant 0 : i32
    %dma_wait3A_75 = tpu.memref_slice %arg7[%dma_wait3A_73, %dma_wait3A_74] : memref<80x128xi32, #tpu.memory_space<vmem>> -> memref<1x128xi32, #tpu.memory_space<vmem>>
    %dma_wait3A_76 = tpu.memref_squeeze %dma_wait3A_75 : memref<1x128xi32, #tpu.memory_space<vmem>> -> memref<128xi32, #tpu.memory_space<vmem>>
    %dma_wait3A_77 = arith.constant 0 : i32
    %dma_wait3A_78 = arith.constant 0 : i32
    %dma_wait3A_79 = tpu.memref_slice %arg2[%dma_wait3A_77, %dma_wait3A_78] : memref<10240x64xf32, #tpu.memory_space<hbm>> -> memref<10240x64xf32, #tpu.memory_space<hbm>>
    tpu.wait_indirect_dma semaphore(%arg17 : memref<!tpu.dma_semaphore, #tpu.memory_space<semaphore_mem>>) src(%dma_wait3A_79 : memref<10240x64xf32, #tpu.memory_space<hbm>>) dst(%arg11 : memref<128x64xf32, #tpu.memory_space<vmem>>)
    %dma_wait3A_80 = arith.constant 79 : i32
    %dma_wait3A_81 = arith.constant 0 : i32
    %dma_wait3A_82 = tpu.memref_slice %arg7[%dma_wait3A_80, %dma_wait3A_81] : memref<80x128xi32, #tpu.memory_space<vmem>> -> memref<1x128xi32, #tpu.memory_space<vmem>>
    %dma_wait3A_83 = tpu.memref_squeeze %dma_wait3A_82 : memref<1x128xi32, #tpu.memory_space<vmem>> -> memref<128xi32, #tpu.memory_space<vmem>>
    %dma_wait3A_84 = arith.constant 0 : i32
    %dma_wait3A_85 = arith.constant 0 : i32
    %dma_wait3A_86 = tpu.memref_slice %arg2[%dma_wait3A_84, %dma_wait3A_85] : memref<10240x64xf32, #tpu.memory_space<hbm>> -> memref<10240x64xf32, #tpu.memory_space<hbm>>
    tpu.wait_indirect_dma semaphore(%arg18 : memref<!tpu.dma_semaphore, #tpu.memory_space<semaphore_mem>>) src(%dma_wait3A_86 : memref<10240x64xf32, #tpu.memory_space<hbm>>) dst(%arg12 : memref<128x64xf32, #tpu.memory_space<vmem>>)
    %dma_wait3A_87 = arith.constant 79 : i32
    %dma_wait3A_88 = arith.constant 0 : i32
    %dma_wait3A_89 = tpu.memref_slice %arg7[%dma_wait3A_87, %dma_wait3A_88] : memref<80x128xi32, #tpu.memory_space<vmem>> -> memref<1x128xi32, #tpu.memory_space<vmem>>
    %dma_wait3A_90 = tpu.memref_squeeze %dma_wait3A_89 : memref<1x128xi32, #tpu.memory_space<vmem>> -> memref<128xi32, #tpu.memory_space<vmem>>
    %dma_wait3A_91 = arith.constant 0 : i32
    %dma_wait3A_92 = arith.constant 0 : i32
    %dma_wait3A_93 = tpu.memref_slice %arg2[%dma_wait3A_91, %dma_wait3A_92] : memref<10240x64xf32, #tpu.memory_space<hbm>> -> memref<10240x64xf32, #tpu.memory_space<hbm>>
    tpu.wait_indirect_dma semaphore(%arg19 : memref<!tpu.dma_semaphore, #tpu.memory_space<semaphore_mem>>) src(%dma_wait3A_93 : memref<10240x64xf32, #tpu.memory_space<hbm>>) dst(%arg13 : memref<128x64xf32, #tpu.memory_space<vmem>>)
    %barrier3A_94 = arith.constant 0 : index
    tpu.barrier barrier_id(%barrier3A_94)
    %mul3A_95 = arith.constant 640 : i32
    %mul3A_96 = arith.muli %arg1, %mul3A_95 : i32
    %add3A_97 = arith.constant 0 : i32
    %add3A_98 = arith.addi %mul3A_96, %add3A_97 : i32
    "tpu.region"() ({
      %run_scoped3A = tpu.sem_alloc : memref<!tpu.dma_semaphore, #tpu.memory_space<semaphore_mem>>
      %dma_start3A_115 = arith.constant 0 : i32
      %dma_start3A_116 = tpu.memref_slice %arg14[%add3A_98, %dma_start3A_115] : memref<10240x64xf32, #tpu.memory_space<vmem_shared>> -> memref<128x64xf32, #tpu.memory_space<vmem_shared>>
      %dma_start3A_117 = arith.constant 0 : i32
      %dma_start3A_118 = tpu.memref_slice %arg14[%add3A_98, %dma_start3A_117] : memref<10240x64xf32, #tpu.memory_space<vmem_shared>> -> memref<128x64xf32, #tpu.memory_space<vmem_shared>>
      tpu.enqueue_dma source(%dma_start3A_118 : memref<128x64xf32, #tpu.memory_space<vmem_shared>>) target(%arg9 : memref<128x64xf32, #tpu.memory_space<vmem>>) target_semaphore(%run_scoped3A : memref<!tpu.dma_semaphore, #tpu.memory_space<semaphore_mem>>)
      %dma_wait3A_119 = arith.constant 0 : i32
      %dma_wait3A_120 = tpu.memref_slice %arg14[%add3A_98, %dma_wait3A_119] : memref<10240x64xf32, #tpu.memory_space<vmem_shared>> -> memref<128x64xf32, #tpu.memory_space<vmem_shared>>
      %dma_wait3A_121 = arith.constant 0 : i32
      %dma_wait3A_122 = tpu.memref_slice %arg14[%add3A_98, %dma_wait3A_121] : memref<10240x64xf32, #tpu.memory_space<vmem_shared>> -> memref<128x64xf32, #tpu.memory_space<vmem_shared>>
      tpu.wait_dma2 semaphore(%run_scoped3A : memref<!tpu.dma_semaphore, #tpu.memory_space<semaphore_mem>>) src(%dma_wait3A_122 : memref<128x64xf32, #tpu.memory_space<vmem_shared>>) dst(%arg9 : memref<128x64xf32, #tpu.memory_space<vmem>>)
      tpu.yield
    }) : () -> ()
    "tpu.region"() ({
      %run_scoped3A = tpu.sem_alloc : memref<!tpu.dma_semaphore, #tpu.memory_space<semaphore_mem>>
      %dma_start3A_115 = arith.constant 0 : i32
      %dma_start3A_116 = tpu.memref_slice %arg6[%arg0, %add3A_98, %dma_start3A_115] : memref<2x10240x64xf32, #tpu.memory_space<hbm>> -> memref<1x128x64xf32, #tpu.memory_space<hbm>>
      %dma_start3A_117 = tpu.memref_squeeze %dma_start3A_116 : memref<1x128x64xf32, #tpu.memory_space<hbm>> -> memref<128x64xf32, #tpu.memory_space<hbm>>
      %dma_start3A_118 = arith.constant 0 : i32
      %dma_start3A_119 = tpu.memref_slice %arg6[%arg0, %add3A_98, %dma_start3A_118] : memref<2x10240x64xf32, #tpu.memory_space<hbm>> -> memref<1x128x64xf32, #tpu.memory_space<hbm>>
      %dma_start3A_120 = tpu.memref_squeeze %dma_start3A_119 : memref<1x128x64xf32, #tpu.memory_space<hbm>> -> memref<128x64xf32, #tpu.memory_space<hbm>>
      tpu.enqueue_dma source(%arg9 : memref<128x64xf32, #tpu.memory_space<vmem>>) target(%dma_start3A_120 : memref<128x64xf32, #tpu.memory_space<hbm>>) target_semaphore(%run_scoped3A : memref<!tpu.dma_semaphore, #tpu.memory_space<semaphore_mem>>)
      %dma_wait3A_121 = arith.constant 0 : i32
      %dma_wait3A_122 = tpu.memref_slice %arg6[%arg0, %add3A_98, %dma_wait3A_121] : memref<2x10240x64xf32, #tpu.memory_space<hbm>> -> memref<1x128x64xf32, #tpu.memory_space<hbm>>
      %dma_wait3A_123 = tpu.memref_squeeze %dma_wait3A_122 : memref<1x128x64xf32, #tpu.memory_space<hbm>> -> memref<128x64xf32, #tpu.memory_space<hbm>>
      %dma_wait3A_124 = arith.constant 0 : i32
      %dma_wait3A_125 = tpu.memref_slice %arg6[%arg0, %add3A_98, %dma_wait3A_124] : memref<2x10240x64xf32, #tpu.memory_space<hbm>> -> memref<1x128x64xf32, #tpu.memory_space<hbm>>
      %dma_wait3A_126 = tpu.memref_squeeze %dma_wait3A_125 : memref<1x128x64xf32, #tpu.memory_space<hbm>> -> memref<128x64xf32, #tpu.memory_space<hbm>>
      tpu.wait_dma2 semaphore(%run_scoped3A : memref<!tpu.dma_semaphore, #tpu.memory_space<semaphore_mem>>) src(%arg9 : memref<128x64xf32, #tpu.memory_space<vmem>>) dst(%dma_wait3A_126 : memref<128x64xf32, #tpu.memory_space<hbm>>)
      tpu.yield
    }) : () -> ()
    %mul3A_99 = arith.constant 640 : i32
    %mul3A_100 = arith.muli %arg1, %mul3A_99 : i32
    %add3A_101 = arith.constant 128 : i32
    %add3A_102 = arith.addi %mul3A_100, %add3A_101 : i32
    "tpu.region"() ({
      %run_scoped3A = tpu.sem_alloc : memref<!tpu.dma_semaphore, #tpu.memory_space<semaphore_mem>>
      %dma_start3A_115 = arith.constant 0 : i32
      %dma_start3A_116 = tpu.memref_slice %arg14[%add3A_102, %dma_start3A_115] : memref<10240x64xf32, #tpu.memory_space<vmem_shared>> -> memref<128x64xf32, #tpu.memory_space<vmem_shared>>
      %dma_start3A_117 = arith.constant 0 : i32
      %dma_start3A_118 = tpu.memref_slice %arg14[%add3A_102, %dma_start3A_117] : memref<10240x64xf32, #tpu.memory_space<vmem_shared>> -> memref<128x64xf32, #tpu.memory_space<vmem_shared>>
      tpu.enqueue_dma source(%dma_start3A_118 : memref<128x64xf32, #tpu.memory_space<vmem_shared>>) target(%arg9 : memref<128x64xf32, #tpu.memory_space<vmem>>) target_semaphore(%run_scoped3A : memref<!tpu.dma_semaphore, #tpu.memory_space<semaphore_mem>>)
      %dma_wait3A_119 = arith.constant 0 : i32
      %dma_wait3A_120 = tpu.memref_slice %arg14[%add3A_102, %dma_wait3A_119] : memref<10240x64xf32, #tpu.memory_space<vmem_shared>> -> memref<128x64xf32, #tpu.memory_space<vmem_shared>>
      %dma_wait3A_121 = arith.constant 0 : i32
      %dma_wait3A_122 = tpu.memref_slice %arg14[%add3A_102, %dma_wait3A_121] : memref<10240x64xf32, #tpu.memory_space<vmem_shared>> -> memref<128x64xf32, #tpu.memory_space<vmem_shared>>
      tpu.wait_dma2 semaphore(%run_scoped3A : memref<!tpu.dma_semaphore, #tpu.memory_space<semaphore_mem>>) src(%dma_wait3A_122 : memref<128x64xf32, #tpu.memory_space<vmem_shared>>) dst(%arg9 : memref<128x64xf32, #tpu.memory_space<vmem>>)
      tpu.yield
    }) : () -> ()
    "tpu.region"() ({
      %run_scoped3A = tpu.sem_alloc : memref<!tpu.dma_semaphore, #tpu.memory_space<semaphore_mem>>
      %dma_start3A_115 = arith.constant 0 : i32
      %dma_start3A_116 = tpu.memref_slice %arg6[%arg0, %add3A_102, %dma_start3A_115] : memref<2x10240x64xf32, #tpu.memory_space<hbm>> -> memref<1x128x64xf32, #tpu.memory_space<hbm>>
      %dma_start3A_117 = tpu.memref_squeeze %dma_start3A_116 : memref<1x128x64xf32, #tpu.memory_space<hbm>> -> memref<128x64xf32, #tpu.memory_space<hbm>>
      %dma_start3A_118 = arith.constant 0 : i32
      %dma_start3A_119 = tpu.memref_slice %arg6[%arg0, %add3A_102, %dma_start3A_118] : memref<2x10240x64xf32, #tpu.memory_space<hbm>> -> memref<1x128x64xf32, #tpu.memory_space<hbm>>
      %dma_start3A_120 = tpu.memref_squeeze %dma_start3A_119 : memref<1x128x64xf32, #tpu.memory_space<hbm>> -> memref<128x64xf32, #tpu.memory_space<hbm>>
      tpu.enqueue_dma source(%arg9 : memref<128x64xf32, #tpu.memory_space<vmem>>) target(%dma_start3A_120 : memref<128x64xf32, #tpu.memory_space<hbm>>) target_semaphore(%run_scoped3A : memref<!tpu.dma_semaphore, #tpu.memory_space<semaphore_mem>>)
      %dma_wait3A_121 = arith.constant 0 : i32
      %dma_wait3A_122 = tpu.memref_slice %arg6[%arg0, %add3A_102, %dma_wait3A_121] : memref<2x10240x64xf32, #tpu.memory_space<hbm>> -> memref<1x128x64xf32, #tpu.memory_space<hbm>>
      %dma_wait3A_123 = tpu.memref_squeeze %dma_wait3A_122 : memref<1x128x64xf32, #tpu.memory_space<hbm>> -> memref<128x64xf32, #tpu.memory_space<hbm>>
      %dma_wait3A_124 = arith.constant 0 : i32
      %dma_wait3A_125 = tpu.memref_slice %arg6[%arg0, %add3A_102, %dma_wait3A_124] : memref<2x10240x64xf32, #tpu.memory_space<hbm>> -> memref<1x128x64xf32, #tpu.memory_space<hbm>>
      %dma_wait3A_126 = tpu.memref_squeeze %dma_wait3A_125 : memref<1x128x64xf32, #tpu.memory_space<hbm>> -> memref<128x64xf32, #tpu.memory_space<hbm>>
      tpu.wait_dma2 semaphore(%run_scoped3A : memref<!tpu.dma_semaphore, #tpu.memory_space<semaphore_mem>>) src(%arg9 : memref<128x64xf32, #tpu.memory_space<vmem>>) dst(%dma_wait3A_126 : memref<128x64xf32, #tpu.memory_space<hbm>>)
      tpu.yield
    }) : () -> ()
    %mul3A_103 = arith.constant 640 : i32
    %mul3A_104 = arith.muli %arg1, %mul3A_103 : i32
    %add3A_105 = arith.constant 256 : i32
    %add3A_106 = arith.addi %mul3A_104, %add3A_105 : i32
    "tpu.region"() ({
      %run_scoped3A = tpu.sem_alloc : memref<!tpu.dma_semaphore, #tpu.memory_space<semaphore_mem>>
      %dma_start3A_115 = arith.constant 0 : i32
      %dma_start3A_116 = tpu.memref_slice %arg14[%add3A_106, %dma_start3A_115] : memref<10240x64xf32, #tpu.memory_space<vmem_shared>> -> memref<128x64xf32, #tpu.memory_space<vmem_shared>>
      %dma_start3A_117 = arith.constant 0 : i32
      %dma_start3A_118 = tpu.memref_slice %arg14[%add3A_106, %dma_start3A_117] : memref<10240x64xf32, #tpu.memory_space<vmem_shared>> -> memref<128x64xf32, #tpu.memory_space<vmem_shared>>
      tpu.enqueue_dma source(%dma_start3A_118 : memref<128x64xf32, #tpu.memory_space<vmem_shared>>) target(%arg9 : memref<128x64xf32, #tpu.memory_space<vmem>>) target_semaphore(%run_scoped3A : memref<!tpu.dma_semaphore, #tpu.memory_space<semaphore_mem>>)
      %dma_wait3A_119 = arith.constant 0 : i32
      %dma_wait3A_120 = tpu.memref_slice %arg14[%add3A_106, %dma_wait3A_119] : memref<10240x64xf32, #tpu.memory_space<vmem_shared>> -> memref<128x64xf32, #tpu.memory_space<vmem_shared>>
      %dma_wait3A_121 = arith.constant 0 : i32
      %dma_wait3A_122 = tpu.memref_slice %arg14[%add3A_106, %dma_wait3A_121] : memref<10240x64xf32, #tpu.memory_space<vmem_shared>> -> memref<128x64xf32, #tpu.memory_space<vmem_shared>>
      tpu.wait_dma2 semaphore(%run_scoped3A : memref<!tpu.dma_semaphore, #tpu.memory_space<semaphore_mem>>) src(%dma_wait3A_122 : memref<128x64xf32, #tpu.memory_space<vmem_shared>>) dst(%arg9 : memref<128x64xf32, #tpu.memory_space<vmem>>)
      tpu.yield
    }) : () -> ()
    "tpu.region"() ({
      %run_scoped3A = tpu.sem_alloc : memref<!tpu.dma_semaphore, #tpu.memory_space<semaphore_mem>>
      %dma_start3A_115 = arith.constant 0 : i32
      %dma_start3A_116 = tpu.memref_slice %arg6[%arg0, %add3A_106, %dma_start3A_115] : memref<2x10240x64xf32, #tpu.memory_space<hbm>> -> memref<1x128x64xf32, #tpu.memory_space<hbm>>
      %dma_start3A_117 = tpu.memref_squeeze %dma_start3A_116 : memref<1x128x64xf32, #tpu.memory_space<hbm>> -> memref<128x64xf32, #tpu.memory_space<hbm>>
      %dma_start3A_118 = arith.constant 0 : i32
      %dma_start3A_119 = tpu.memref_slice %arg6[%arg0, %add3A_106, %dma_start3A_118] : memref<2x10240x64xf32, #tpu.memory_space<hbm>> -> memref<1x128x64xf32, #tpu.memory_space<hbm>>
      %dma_start3A_120 = tpu.memref_squeeze %dma_start3A_119 : memref<1x128x64xf32, #tpu.memory_space<hbm>> -> memref<128x64xf32, #tpu.memory_space<hbm>>
      tpu.enqueue_dma source(%arg9 : memref<128x64xf32, #tpu.memory_space<vmem>>) target(%dma_start3A_120 : memref<128x64xf32, #tpu.memory_space<hbm>>) target_semaphore(%run_scoped3A : memref<!tpu.dma_semaphore, #tpu.memory_space<semaphore_mem>>)
      %dma_wait3A_121 = arith.constant 0 : i32
      %dma_wait3A_122 = tpu.memref_slice %arg6[%arg0, %add3A_106, %dma_wait3A_121] : memref<2x10240x64xf32, #tpu.memory_space<hbm>> -> memref<1x128x64xf32, #tpu.memory_space<hbm>>
      %dma_wait3A_123 = tpu.memref_squeeze %dma_wait3A_122 : memref<1x128x64xf32, #tpu.memory_space<hbm>> -> memref<128x64xf32, #tpu.memory_space<hbm>>
      %dma_wait3A_124 = arith.constant 0 : i32
      %dma_wait3A_125 = tpu.memref_slice %arg6[%arg0, %add3A_106, %dma_wait3A_124] : memref<2x10240x64xf32, #tpu.memory_space<hbm>> -> memref<1x128x64xf32, #tpu.memory_space<hbm>>
      %dma_wait3A_126 = tpu.memref_squeeze %dma_wait3A_125 : memref<1x128x64xf32, #tpu.memory_space<hbm>> -> memref<128x64xf32, #tpu.memory_space<hbm>>
      tpu.wait_dma2 semaphore(%run_scoped3A : memref<!tpu.dma_semaphore, #tpu.memory_space<semaphore_mem>>) src(%arg9 : memref<128x64xf32, #tpu.memory_space<vmem>>) dst(%dma_wait3A_126 : memref<128x64xf32, #tpu.memory_space<hbm>>)
      tpu.yield
    }) : () -> ()
    %mul3A_107 = arith.constant 640 : i32
    %mul3A_108 = arith.muli %arg1, %mul3A_107 : i32
    %add3A_109 = arith.constant 384 : i32
    %add3A_110 = arith.addi %mul3A_108, %add3A_109 : i32
    "tpu.region"() ({
      %run_scoped3A = tpu.sem_alloc : memref<!tpu.dma_semaphore, #tpu.memory_space<semaphore_mem>>
      %dma_start3A_115 = arith.constant 0 : i32
      %dma_start3A_116 = tpu.memref_slice %arg14[%add3A_110, %dma_start3A_115] : memref<10240x64xf32, #tpu.memory_space<vmem_shared>> -> memref<128x64xf32, #tpu.memory_space<vmem_shared>>
      %dma_start3A_117 = arith.constant 0 : i32
      %dma_start3A_118 = tpu.memref_slice %arg14[%add3A_110, %dma_start3A_117] : memref<10240x64xf32, #tpu.memory_space<vmem_shared>> -> memref<128x64xf32, #tpu.memory_space<vmem_shared>>
      tpu.enqueue_dma source(%dma_start3A_118 : memref<128x64xf32, #tpu.memory_space<vmem_shared>>) target(%arg9 : memref<128x64xf32, #tpu.memory_space<vmem>>) target_semaphore(%run_scoped3A : memref<!tpu.dma_semaphore, #tpu.memory_space<semaphore_mem>>)
      %dma_wait3A_119 = arith.constant 0 : i32
      %dma_wait3A_120 = tpu.memref_slice %arg14[%add3A_110, %dma_wait3A_119] : memref<10240x64xf32, #tpu.memory_space<vmem_shared>> -> memref<128x64xf32, #tpu.memory_space<vmem_shared>>
      %dma_wait3A_121 = arith.constant 0 : i32
      %dma_wait3A_122 = tpu.memref_slice %arg14[%add3A_110, %dma_wait3A_121] : memref<10240x64xf32, #tpu.memory_space<vmem_shared>> -> memref<128x64xf32, #tpu.memory_space<vmem_shared>>
      tpu.wait_dma2 semaphore(%run_scoped3A : memref<!tpu.dma_semaphore, #tpu.memory_space<semaphore_mem>>) src(%dma_wait3A_122 : memref<128x64xf32, #tpu.memory_space<vmem_shared>>) dst(%arg9 : memref<128x64xf32, #tpu.memory_space<vmem>>)
      tpu.yield
    }) : () -> ()
    "tpu.region"() ({
      %run_scoped3A = tpu.sem_alloc : memref<!tpu.dma_semaphore, #tpu.memory_space<semaphore_mem>>
      %dma_start3A_115 = arith.constant 0 : i32
      %dma_start3A_116 = tpu.memref_slice %arg6[%arg0, %add3A_110, %dma_start3A_115] : memref<2x10240x64xf32, #tpu.memory_space<hbm>> -> memref<1x128x64xf32, #tpu.memory_space<hbm>>
      %dma_start3A_117 = tpu.memref_squeeze %dma_start3A_116 : memref<1x128x64xf32, #tpu.memory_space<hbm>> -> memref<128x64xf32, #tpu.memory_space<hbm>>
      %dma_start3A_118 = arith.constant 0 : i32
      %dma_start3A_119 = tpu.memref_slice %arg6[%arg0, %add3A_110, %dma_start3A_118] : memref<2x10240x64xf32, #tpu.memory_space<hbm>> -> memref<1x128x64xf32, #tpu.memory_space<hbm>>
      %dma_start3A_120 = tpu.memref_squeeze %dma_start3A_119 : memref<1x128x64xf32, #tpu.memory_space<hbm>> -> memref<128x64xf32, #tpu.memory_space<hbm>>
      tpu.enqueue_dma source(%arg9 : memref<128x64xf32, #tpu.memory_space<vmem>>) target(%dma_start3A_120 : memref<128x64xf32, #tpu.memory_space<hbm>>) target_semaphore(%run_scoped3A : memref<!tpu.dma_semaphore, #tpu.memory_space<semaphore_mem>>)
      %dma_wait3A_121 = arith.constant 0 : i32
      %dma_wait3A_122 = tpu.memref_slice %arg6[%arg0, %add3A_110, %dma_wait3A_121] : memref<2x10240x64xf32, #tpu.memory_space<hbm>> -> memref<1x128x64xf32, #tpu.memory_space<hbm>>
      %dma_wait3A_123 = tpu.memref_squeeze %dma_wait3A_122 : memref<1x128x64xf32, #tpu.memory_space<hbm>> -> memref<128x64xf32, #tpu.memory_space<hbm>>
      %dma_wait3A_124 = arith.constant 0 : i32
      %dma_wait3A_125 = tpu.memref_slice %arg6[%arg0, %add3A_110, %dma_wait3A_124] : memref<2x10240x64xf32, #tpu.memory_space<hbm>> -> memref<1x128x64xf32, #tpu.memory_space<hbm>>
      %dma_wait3A_126 = tpu.memref_squeeze %dma_wait3A_125 : memref<1x128x64xf32, #tpu.memory_space<hbm>> -> memref<128x64xf32, #tpu.memory_space<hbm>>
      tpu.wait_dma2 semaphore(%run_scoped3A : memref<!tpu.dma_semaphore, #tpu.memory_space<semaphore_mem>>) src(%arg9 : memref<128x64xf32, #tpu.memory_space<vmem>>) dst(%dma_wait3A_126 : memref<128x64xf32, #tpu.memory_space<hbm>>)
      tpu.yield
    }) : () -> ()
    %mul3A_111 = arith.constant 640 : i32
    %mul3A_112 = arith.muli %arg1, %mul3A_111 : i32
    %add3A_113 = arith.constant 512 : i32
    %add3A_114 = arith.addi %mul3A_112, %add3A_113 : i32
    "tpu.region"() ({
      %run_scoped3A = tpu.sem_alloc : memref<!tpu.dma_semaphore, #tpu.memory_space<semaphore_mem>>
      %dma_start3A_115 = arith.constant 0 : i32
      %dma_start3A_116 = tpu.memref_slice %arg14[%add3A_114, %dma_start3A_115] : memref<10240x64xf32, #tpu.memory_space<vmem_shared>> -> memref<128x64xf32, #tpu.memory_space<vmem_shared>>
      %dma_start3A_117 = arith.constant 0 : i32
      %dma_start3A_118 = tpu.memref_slice %arg14[%add3A_114, %dma_start3A_117] : memref<10240x64xf32, #tpu.memory_space<vmem_shared>> -> memref<128x64xf32, #tpu.memory_space<vmem_shared>>
      tpu.enqueue_dma source(%dma_start3A_118 : memref<128x64xf32, #tpu.memory_space<vmem_shared>>) target(%arg9 : memref<128x64xf32, #tpu.memory_space<vmem>>) target_semaphore(%run_scoped3A : memref<!tpu.dma_semaphore, #tpu.memory_space<semaphore_mem>>)
      %dma_wait3A_119 = arith.constant 0 : i32
      %dma_wait3A_120 = tpu.memref_slice %arg14[%add3A_114, %dma_wait3A_119] : memref<10240x64xf32, #tpu.memory_space<vmem_shared>> -> memref<128x64xf32, #tpu.memory_space<vmem_shared>>
      %dma_wait3A_121 = arith.constant 0 : i32
      %dma_wait3A_122 = tpu.memref_slice %arg14[%add3A_114, %dma_wait3A_121] : memref<10240x64xf32, #tpu.memory_space<vmem_shared>> -> memref<128x64xf32, #tpu.memory_space<vmem_shared>>
      tpu.wait_dma2 semaphore(%run_scoped3A : memref<!tpu.dma_semaphore, #tpu.memory_space<semaphore_mem>>) src(%dma_wait3A_122 : memref<128x64xf32, #tpu.memory_space<vmem_shared>>) dst(%arg9 : memref<128x64xf32, #tpu.memory_space<vmem>>)
      tpu.yield
    }) : () -> ()
    "tpu.region"() ({
      %run_scoped3A = tpu.sem_alloc : memref<!tpu.dma_semaphore, #tpu.memory_space<semaphore_mem>>
      %dma_start3A_115 = arith.constant 0 : i32
      %dma_start3A_116 = tpu.memref_slice %arg6[%arg0, %add3A_114, %dma_start3A_115] : memref<2x10240x64xf32, #tpu.memory_space<hbm>> -> memref<1x128x64xf32, #tpu.memory_space<hbm>>
      %dma_start3A_117 = tpu.memref_squeeze %dma_start3A_116 : memref<1x128x64xf32, #tpu.memory_space<hbm>> -> memref<128x64xf32, #tpu.memory_space<hbm>>
      %dma_start3A_118 = arith.constant 0 : i32
      %dma_start3A_119 = tpu.memref_slice %arg6[%arg0, %add3A_114, %dma_start3A_118] : memref<2x10240x64xf32, #tpu.memory_space<hbm>> -> memref<1x128x64xf32, #tpu.memory_space<hbm>>
      %dma_start3A_120 = tpu.memref_squeeze %dma_start3A_119 : memref<1x128x64xf32, #tpu.memory_space<hbm>> -> memref<128x64xf32, #tpu.memory_space<hbm>>
      tpu.enqueue_dma source(%arg9 : memref<128x64xf32, #tpu.memory_space<vmem>>) target(%dma_start3A_120 : memref<128x64xf32, #tpu.memory_space<hbm>>) target_semaphore(%run_scoped3A : memref<!tpu.dma_semaphore, #tpu.memory_space<semaphore_mem>>)
      %dma_wait3A_121 = arith.constant 0 : i32
      %dma_wait3A_122 = tpu.memref_slice %arg6[%arg0, %add3A_114, %dma_wait3A_121] : memref<2x10240x64xf32, #tpu.memory_space<hbm>> -> memref<1x128x64xf32, #tpu.memory_space<hbm>>
      %dma_wait3A_123 = tpu.memref_squeeze %dma_wait3A_122 : memref<1x128x64xf32, #tpu.memory_space<hbm>> -> memref<128x64xf32, #tpu.memory_space<hbm>>
      %dma_wait3A_124 = arith.constant 0 : i32
      %dma_wait3A_125 = tpu.memref_slice %arg6[%arg0, %add3A_114, %dma_wait3A_124] : memref<2x10240x64xf32, #tpu.memory_space<hbm>> -> memref<1x128x64xf32, #tpu.memory_space<hbm>>
      %dma_wait3A_126 = tpu.memref_squeeze %dma_wait3A_125 : memref<1x128x64xf32, #tpu.memory_space<hbm>> -> memref<128x64xf32, #tpu.memory_space<hbm>>
      tpu.wait_dma2 semaphore(%run_scoped3A : memref<!tpu.dma_semaphore, #tpu.memory_space<semaphore_mem>>) src(%arg9 : memref<128x64xf32, #tpu.memory_space<vmem>>) dst(%dma_wait3A_126 : memref<128x64xf32, #tpu.memory_space<hbm>>)
      tpu.yield
    }) : () -> ()
    return
  }
}

module attributes {stable_mosaic.version = 14 : i64} {
  func.func @_mm_scale_body(%arg0: i32, %arg1: memref<1000x128xf32, #tpu.memory_space<vmem>>, %arg2: memref<128x128xf32, #tpu.memory_space<vmem>>, %arg3: memref<1000x2xf32, #tpu.memory_space<vmem>>, %arg4: memref<2x1000x64xf32, #tpu.memory_space<vmem>>) attributes {dimension_semantics = [#tpu.dimension_semantics<arbitrary>], iteration_bounds = array<i64: 10>, scalar_prefetch = 0 : i64, scratch_operands = 0 : i64, tpu.core_type = #tpu.core_type<tc>, window_params = [{transform_indices = @transform_0, window_bounds = array<i64: 1000, 128>}, {pipeline_mode = #tpu.pipeline_mode<synchronous>, transform_indices = @transform_1, window_bounds = array<i64: 128, 128>}, {transform_indices = @transform_2, window_bounds = array<i64: 1000, 2>}, {transform_indices = @transform_3, window_bounds = array<i64: 2, 1000, 64>}]} {
    %get3A = arith.constant 0 : index
    %get3A_0 = arith.constant 0 : index
    %get3A_1 = vector.load %arg3[%get3A, %get3A_0] : memref<1000x2xf32, #tpu.memory_space<vmem>>, vector<1000x1xf32>
    %get3A_2 = vector.shape_cast %get3A_1 : vector<1000x1xf32> to vector<1000xf32>
    %get3A_3 = arith.constant 0 : index
    %get3A_4 = arith.constant 1 : index
    %get3A_5 = vector.load %arg3[%get3A_3, %get3A_4] : memref<1000x2xf32, #tpu.memory_space<vmem>>, vector<1000x1xf32>
    %get3A_6 = vector.shape_cast %get3A_5 : vector<1000x1xf32> to vector<1000xf32>
    %add3A = arith.addf %get3A_2, %get3A_6 : vector<1000xf32>
    %add3A_7 = arith.constant 1.000000e+00 : f32
    %add3A_8 = vector.broadcast %add3A_7 : f32 to vector<1000xf32>
    %add3A_9 = arith.addf %add3A, %add3A_8 : vector<1000xf32>
    %rsqrt3A = math.rsqrt %add3A_9 : vector<1000xf32>
    %get3A_10 = arith.constant 0 : index
    %get3A_11 = arith.constant 0 : index
    %get3A_12 = vector.load %arg1[%get3A_10, %get3A_11] : memref<1000x128xf32, #tpu.memory_space<vmem>>, vector<1000x128xf32>
    %get3A_13 = arith.constant 0 : index
    %get3A_14 = arith.constant 0 : index
    %get3A_15 = vector.load %arg2[%get3A_13, %get3A_14] : memref<128x128xf32, #tpu.memory_space<vmem>>, vector<128x128xf32>
    %dot_general3A = arith.constant dense<0.000000e+00> : vector<1000x128xf32>
    %dot_general3A_16 = tpu.matmul %get3A_12, %get3A_15, %dot_general3A {dimension_numbers = #tpu.dot_dimension_numbers<[1], [0], [0], [1], [0, 0, 1, 1], [], []>, transpose_lhs_hint = false} : vector<1000x128xf32>, vector<128x128xf32>, vector<1000x128xf32> -> vector<1000x128xf32>
    %broadcast_in_dim3A = vector.shape_cast %rsqrt3A : vector<1000xf32> to vector<1000x1xf32>
    %mul3A = vector.broadcast %broadcast_in_dim3A : vector<1000x1xf32> to vector<1000x128xf32>
    %mul3A_17 = arith.mulf %dot_general3A_16, %mul3A : vector<1000x128xf32>
    %slice3A = vector.extract_strided_slice %mul3A_17 {offsets = [0, 0], sizes = [1000, 64], strides = [1, 1]} : vector<1000x128xf32> to vector<1000x64xf32>
    %swap3A = arith.constant 0 : index
    %swap3A_18 = arith.constant 0 : index
    %swap3A_19 = arith.constant 0 : index
    %swap3A_20 = vector.load %arg4[%swap3A, %swap3A_18, %swap3A_19] : memref<2x1000x64xf32, #tpu.memory_space<vmem>>, vector<1x1000x64xf32>
    %swap3A_21 = vector.shape_cast %swap3A_20 : vector<1x1000x64xf32> to vector<1000x64xf32>
    %swap3A_22 = vector.shape_cast %slice3A : vector<1000x64xf32> to vector<1x1000x64xf32>
    tpu.vector_store %arg4[%swap3A, %swap3A_18, %swap3A_19], %swap3A_22 {strides = array<i32>} : memref<2x1000x64xf32, #tpu.memory_space<vmem>>, vector<1x1000x64xf32>,
    %slice3A_23 = vector.extract_strided_slice %mul3A_17 {offsets = [0, 64], sizes = [1000, 64], strides = [1, 1]} : vector<1000x128xf32> to vector<1000x64xf32>
    %swap3A_24 = arith.constant 1 : index
    %swap3A_25 = arith.constant 0 : index
    %swap3A_26 = arith.constant 0 : index
    %swap3A_27 = vector.load %arg4[%swap3A_24, %swap3A_25, %swap3A_26] : memref<2x1000x64xf32, #tpu.memory_space<vmem>>, vector<1x1000x64xf32>
    %swap3A_28 = vector.shape_cast %swap3A_27 : vector<1x1000x64xf32> to vector<1000x64xf32>
    %swap3A_29 = vector.shape_cast %slice3A_23 : vector<1000x64xf32> to vector<1x1000x64xf32>
    tpu.vector_store %arg4[%swap3A_24, %swap3A_25, %swap3A_26], %swap3A_29 {strides = array<i32>} : memref<2x1000x64xf32, #tpu.memory_space<vmem>>, vector<1x1000x64xf32>,
    return
  }
  func.func @transform_0(%arg0: i32) -> (i32, i32) {
    %c0_i32 = arith.constant 0 : i32
    %c0_i32_0 = arith.constant 0 : i32
    return %arg0, %c0_i32 : i32, i32
  }
  func.func @transform_1(%arg0: i32) -> (i32, i32) {
    %c0_i32 = arith.constant 0 : i32
    %c0_i32_0 = arith.constant 0 : i32
    %c0_i32_1 = arith.constant 0 : i32
    return %c0_i32, %c0_i32_0 : i32, i32
  }
  func.func @transform_2(%arg0: i32) -> (i32, i32) {
    %c0_i32 = arith.constant 0 : i32
    %c0_i32_0 = arith.constant 0 : i32
    return %arg0, %c0_i32 : i32, i32
  }
  func.func @transform_3(%arg0: i32) -> (i32, i32, i32) {
    %c0_i32 = arith.constant 0 : i32
    %c0_i32_0 = arith.constant 0 : i32
    %c0_i32_1 = arith.constant 0 : i32
    return %c0_i32, %arg0, %c0_i32_0 : i32, i32, i32
  }
}

module attributes {stable_mosaic.version = 14 : i64} {
  func.func @_fuse1_body(%arg0: i32, %arg1: memref<2x1000x64xf32, #tpu.memory_space<vmem>>, %arg2: memref<2x1000x64xf32, #tpu.memory_space<vmem>>, %arg3: memref<1000x2xf32, #tpu.memory_space<vmem>>, %arg4: memref<128xf32, #tpu.memory_space<vmem>>, %arg5: memref<128x64xf32, #tpu.memory_space<vmem>>, %arg6: memref<1000x64xf32, #tpu.memory_space<vmem>>) attributes {dimension_semantics = [#tpu.dimension_semantics<arbitrary>], iteration_bounds = array<i64: 10>, scalar_prefetch = 0 : i64, scratch_operands = 0 : i64, tpu.core_type = #tpu.core_type<tc>, window_params = [{transform_indices = @transform_0, window_bounds = array<i64: 2, 1000, 64>}, {transform_indices = @transform_1, window_bounds = array<i64: 2, 1000, 64>}, {transform_indices = @transform_2, window_bounds = array<i64: 1000, 2>}, {pipeline_mode = #tpu.pipeline_mode<synchronous>, transform_indices = @transform_3, window_bounds = array<i64: 128>}, {pipeline_mode = #tpu.pipeline_mode<synchronous>, transform_indices = @transform_4, window_bounds = array<i64: 128, 64>}, {transform_indices = @transform_5, window_bounds = array<i64: 1000, 64>}]} {
    %get3A = arith.constant 0 : index
    %get3A_0 = arith.constant 0 : index
    %get3A_1 = vector.load %arg3[%get3A, %get3A_0] : memref<1000x2xf32, #tpu.memory_space<vmem>>, vector<1000x1xf32>
    %get3A_2 = vector.shape_cast %get3A_1 : vector<1000x1xf32> to vector<1000xf32>
    %get3A_3 = arith.constant 0 : index
    %get3A_4 = arith.constant 1 : index
    %get3A_5 = vector.load %arg3[%get3A_3, %get3A_4] : memref<1000x2xf32, #tpu.memory_space<vmem>>, vector<1000x1xf32>
    %get3A_6 = vector.shape_cast %get3A_5 : vector<1000x1xf32> to vector<1000xf32>
    %add3A = arith.addf %get3A_2, %get3A_6 : vector<1000xf32>
    %add3A_7 = arith.constant 1.000000e+00 : f32
    %add3A_8 = vector.broadcast %add3A_7 : f32 to vector<1000xf32>
    %add3A_9 = arith.addf %add3A, %add3A_8 : vector<1000xf32>
    %rsqrt3A = math.rsqrt %add3A_9 : vector<1000xf32>
    %get3A_10 = arith.constant 0 : index
    %get3A_11 = arith.constant 0 : index
    %get3A_12 = arith.constant 0 : index
    %get3A_13 = vector.load %arg1[%get3A_10, %get3A_11, %get3A_12] : memref<2x1000x64xf32, #tpu.memory_space<vmem>>, vector<1x1000x64xf32>
    %get3A_14 = vector.shape_cast %get3A_13 : vector<1x1000x64xf32> to vector<1000x64xf32>
    %get3A_15 = arith.constant 0 : index
    %get3A_16 = arith.constant 0 : index
    %get3A_17 = arith.constant 0 : index
    %get3A_18 = vector.load %arg2[%get3A_15, %get3A_16, %get3A_17] : memref<2x1000x64xf32, #tpu.memory_space<vmem>>, vector<1x1000x64xf32>
    %get3A_19 = vector.shape_cast %get3A_18 : vector<1x1000x64xf32> to vector<1000x64xf32>
    %add3A_20 = arith.addf %get3A_14, %get3A_19 : vector<1000x64xf32>
    %get3A_21 = arith.constant 1 : index
    %get3A_22 = arith.constant 0 : index
    %get3A_23 = arith.constant 0 : index
    %get3A_24 = vector.load %arg1[%get3A_21, %get3A_22, %get3A_23] : memref<2x1000x64xf32, #tpu.memory_space<vmem>>, vector<1x1000x64xf32>
    %get3A_25 = vector.shape_cast %get3A_24 : vector<1x1000x64xf32> to vector<1000x64xf32>
    %get3A_26 = arith.constant 1 : index
    %get3A_27 = arith.constant 0 : index
    %get3A_28 = arith.constant 0 : index
    %get3A_29 = vector.load %arg2[%get3A_26, %get3A_27, %get3A_28] : memref<2x1000x64xf32, #tpu.memory_space<vmem>>, vector<1x1000x64xf32>
    %get3A_30 = vector.shape_cast %get3A_29 : vector<1x1000x64xf32> to vector<1000x64xf32>
    %add3A_31 = arith.addf %get3A_25, %get3A_30 : vector<1000x64xf32>
    %concatenate3A = tpu.concatenate %add3A_20, %add3A_31 in 1 : vector<1000x64xf32>, vector<1000x64xf32> -> vector<1000x128xf32>
    %broadcast_in_dim3A = vector.shape_cast %rsqrt3A : vector<1000xf32> to vector<1000x1xf32>
    %mul3A = vector.broadcast %broadcast_in_dim3A : vector<1000x1xf32> to vector<1000x128xf32>
    %mul3A_32 = arith.mulf %concatenate3A, %mul3A : vector<1000x128xf32>
    %get3A_33 = arith.constant 0 : index
    %get3A_34 = vector.load %arg4[%get3A_33] : memref<128xf32, #tpu.memory_space<vmem>>, vector<128xf32>
    %broadcast_in_dim3A_35 = vector.shape_cast %get3A_34 : vector<128xf32> to vector<1x128xf32>
    %add3A_36 = vector.broadcast %broadcast_in_dim3A_35 : vector<1x128xf32> to vector<1000x128xf32>
    %add3A_37 = arith.addf %mul3A_32, %add3A_36 : vector<1000x128xf32>
    %max3A = arith.constant 0.000000e+00 : f32
    %max3A_38 = vector.broadcast %max3A : f32 to vector<1000x128xf32>
    %max3A_39 = arith.maximumf %add3A_37, %max3A_38 : vector<1000x128xf32>
    %get3A_40 = arith.constant 0 : index
    %get3A_41 = arith.constant 0 : index
    %get3A_42 = vector.load %arg5[%get3A_40, %get3A_41] : memref<128x64xf32, #tpu.memory_space<vmem>>, vector<128x64xf32>
    %dot_general3A = arith.constant dense<0.000000e+00> : vector<1000x64xf32>
    %dot_general3A_43 = tpu.matmul %max3A_39, %get3A_42, %dot_general3A {dimension_numbers = #tpu.dot_dimension_numbers<[1], [0], [0], [1], [0, 0, 1, 1], [], []>, transpose_lhs_hint = false} : vector<1000x128xf32>, vector<128x64xf32>, vector<1000x64xf32> -> vector<1000x64xf32>
    %broadcast_in_dim3A_44 = vector.shape_cast %rsqrt3A : vector<1000xf32> to vector<1000x1xf32>
    %mul3A_45 = vector.broadcast %broadcast_in_dim3A_44 : vector<1000x1xf32> to vector<1000x64xf32>
    %mul3A_46 = arith.mulf %dot_general3A_43, %mul3A_45 : vector<1000x64xf32>
    %swap3A = arith.constant 0 : index
    %swap3A_47 = arith.constant 0 : index
    %swap3A_48 = vector.load %arg6[%swap3A, %swap3A_47] : memref<1000x64xf32, #tpu.memory_space<vmem>>, vector<1000x64xf32>
    tpu.vector_store %arg6[%swap3A, %swap3A_47], %mul3A_46 {strides = array<i32>} : memref<1000x64xf32, #tpu.memory_space<vmem>>, vector<1000x64xf32>,
    return
  }
  func.func @transform_0(%arg0: i32) -> (i32, i32, i32) {
    %c0_i32 = arith.constant 0 : i32
    %c0_i32_0 = arith.constant 0 : i32
    %c0_i32_1 = arith.constant 0 : i32
    return %c0_i32, %arg0, %c0_i32_0 : i32, i32, i32
  }
  func.func @transform_1(%arg0: i32) -> (i32, i32, i32) {
    %c0_i32 = arith.constant 0 : i32
    %c0_i32_0 = arith.constant 0 : i32
    %c0_i32_1 = arith.constant 0 : i32
    return %c0_i32, %arg0, %c0_i32_0 : i32, i32, i32
  }
  func.func @transform_2(%arg0: i32) -> (i32, i32) {
    %c0_i32 = arith.constant 0 : i32
    %c0_i32_0 = arith.constant 0 : i32
    return %arg0, %c0_i32 : i32, i32
  }
  func.func @transform_3(%arg0: i32) -> i32 {
    %c0_i32 = arith.constant 0 : i32
    %c0_i32_0 = arith.constant 0 : i32
    return %c0_i32 : i32
  }
  func.func @transform_4(%arg0: i32) -> (i32, i32) {
    %c0_i32 = arith.constant 0 : i32
    %c0_i32_0 = arith.constant 0 : i32
    %c0_i32_1 = arith.constant 0 : i32
    return %c0_i32, %c0_i32_0 : i32, i32
  }
  func.func @transform_5(%arg0: i32) -> (i32, i32) {
    %c0_i32 = arith.constant 0 : i32
    %c0_i32_0 = arith.constant 0 : i32
    return %arg0, %c0_i32 : i32, i32
  }
}

module attributes {stable_mosaic.version = 14 : i64} {
  func.func @_fuse2_body(%arg0: i32, %arg1: memref<2x1000x64xf32, #tpu.memory_space<vmem>>, %arg2: memref<1000x64xf32, #tpu.memory_space<vmem>>, %arg3: memref<1000x2xf32, #tpu.memory_space<vmem>>, %arg4: memref<64xf32, #tpu.memory_space<vmem>>, %arg5: memref<64x64xf32, #tpu.memory_space<vmem>>, %arg6: memref<64xf32, #tpu.memory_space<vmem>>, %arg7: memref<64x64xf32, #tpu.memory_space<vmem>>, %arg8: memref<64xf32, #tpu.memory_space<vmem>>, %arg9: memref<1000x64xf32, #tpu.memory_space<vmem>>, %arg10: memref<1000x64xf32, #tpu.memory_space<vmem>>) attributes {dimension_semantics = [#tpu.dimension_semantics<arbitrary>], iteration_bounds = array<i64: 10>, scalar_prefetch = 0 : i64, scratch_operands = 0 : i64, tpu.core_type = #tpu.core_type<tc>, window_params = [{transform_indices = @transform_0, window_bounds = array<i64: 2, 1000, 64>}, {transform_indices = @transform_1, window_bounds = array<i64: 1000, 64>}, {transform_indices = @transform_2, window_bounds = array<i64: 1000, 2>}, {pipeline_mode = #tpu.pipeline_mode<synchronous>, transform_indices = @transform_3, window_bounds = array<i64: 64>}, {pipeline_mode = #tpu.pipeline_mode<synchronous>, transform_indices = @transform_4, window_bounds = array<i64: 64, 64>}, {pipeline_mode = #tpu.pipeline_mode<synchronous>, transform_indices = @transform_5, window_bounds = array<i64: 64>}, {pipeline_mode = #tpu.pipeline_mode<synchronous>, transform_indices = @transform_6, window_bounds = array<i64: 64, 64>}, {pipeline_mode = #tpu.pipeline_mode<synchronous>, transform_indices = @transform_7, window_bounds = array<i64: 64>}, {transform_indices = @transform_8, window_bounds = array<i64: 1000, 64>}, {transform_indices = @transform_9, window_bounds = array<i64: 1000, 64>}]} {
    %get3A = arith.constant 0 : index
    %get3A_0 = arith.constant 0 : index
    %get3A_1 = vector.load %arg3[%get3A, %get3A_0] : memref<1000x2xf32, #tpu.memory_space<vmem>>, vector<1000x1xf32>
    %get3A_2 = vector.shape_cast %get3A_1 : vector<1000x1xf32> to vector<1000xf32>
    %get3A_3 = arith.constant 0 : index
    %get3A_4 = arith.constant 1 : index
    %get3A_5 = vector.load %arg3[%get3A_3, %get3A_4] : memref<1000x2xf32, #tpu.memory_space<vmem>>, vector<1000x1xf32>
    %get3A_6 = vector.shape_cast %get3A_5 : vector<1000x1xf32> to vector<1000xf32>
    %add3A = arith.addf %get3A_2, %get3A_6 : vector<1000xf32>
    %add3A_7 = arith.constant 1.000000e+00 : f32
    %add3A_8 = vector.broadcast %add3A_7 : f32 to vector<1000xf32>
    %add3A_9 = arith.addf %add3A, %add3A_8 : vector<1000xf32>
    %rsqrt3A = math.rsqrt %add3A_9 : vector<1000xf32>
    %get3A_10 = arith.constant 0 : index
    %get3A_11 = arith.constant 0 : index
    %get3A_12 = arith.constant 0 : index
    %get3A_13 = vector.load %arg1[%get3A_10, %get3A_11, %get3A_12] : memref<2x1000x64xf32, #tpu.memory_space<vmem>>, vector<1x1000x64xf32>
    %get3A_14 = vector.shape_cast %get3A_13 : vector<1x1000x64xf32> to vector<1000x64xf32>
    %get3A_15 = arith.constant 1 : index
    %get3A_16 = arith.constant 0 : index
    %get3A_17 = arith.constant 0 : index
    %get3A_18 = vector.load %arg1[%get3A_15, %get3A_16, %get3A_17] : memref<2x1000x64xf32, #tpu.memory_space<vmem>>, vector<1x1000x64xf32>
    %get3A_19 = vector.shape_cast %get3A_18 : vector<1x1000x64xf32> to vector<1000x64xf32>
    %add3A_20 = arith.addf %get3A_14, %get3A_19 : vector<1000x64xf32>
    %get3A_21 = arith.constant 0 : index
    %get3A_22 = arith.constant 0 : index
    %get3A_23 = vector.load %arg2[%get3A_21, %get3A_22] : memref<1000x64xf32, #tpu.memory_space<vmem>>, vector<1000x64xf32>
    %add3A_24 = arith.addf %add3A_20, %get3A_23 : vector<1000x64xf32>
    %broadcast_in_dim3A = vector.shape_cast %rsqrt3A : vector<1000xf32> to vector<1000x1xf32>
    %mul3A = vector.broadcast %broadcast_in_dim3A : vector<1000x1xf32> to vector<1000x64xf32>
    %mul3A_25 = arith.mulf %add3A_24, %mul3A : vector<1000x64xf32>
    %get3A_26 = arith.constant 0 : index
    %get3A_27 = vector.load %arg4[%get3A_26] : memref<64xf32, #tpu.memory_space<vmem>>, vector<64xf32>
    %broadcast_in_dim3A_28 = vector.shape_cast %get3A_27 : vector<64xf32> to vector<1x64xf32>
    %add3A_29 = vector.broadcast %broadcast_in_dim3A_28 : vector<1x64xf32> to vector<1000x64xf32>
    %add3A_30 = arith.addf %mul3A_25, %add3A_29 : vector<1000x64xf32>
    %get3A_31 = arith.constant 0 : index
    %get3A_32 = arith.constant 0 : index
    %get3A_33 = vector.load %arg5[%get3A_31, %get3A_32] : memref<64x64xf32, #tpu.memory_space<vmem>>, vector<64x64xf32>
    %dot_general3A = arith.constant dense<0.000000e+00> : vector<1000x64xf32>
    %dot_general3A_34 = tpu.matmul %add3A_30, %get3A_33, %dot_general3A {dimension_numbers = #tpu.dot_dimension_numbers<[1], [0], [0], [1], [0, 0, 1, 1], [], []>, transpose_lhs_hint = false} : vector<1000x64xf32>, vector<64x64xf32>, vector<1000x64xf32> -> vector<1000x64xf32>
    %get3A_35 = arith.constant 0 : index
    %get3A_36 = vector.load %arg6[%get3A_35] : memref<64xf32, #tpu.memory_space<vmem>>, vector<64xf32>
    %broadcast_in_dim3A_37 = vector.shape_cast %get3A_36 : vector<64xf32> to vector<1x64xf32>
    %add3A_38 = vector.broadcast %broadcast_in_dim3A_37 : vector<1x64xf32> to vector<1000x64xf32>
    %add3A_39 = arith.addf %dot_general3A_34, %add3A_38 : vector<1000x64xf32>
    %swap3A = arith.constant 0 : index
    %swap3A_40 = arith.constant 0 : index
    %swap3A_41 = vector.load %arg9[%swap3A, %swap3A_40] : memref<1000x64xf32, #tpu.memory_space<vmem>>, vector<1000x64xf32>
    tpu.vector_store %arg9[%swap3A, %swap3A_40], %add3A_39 {strides = array<i32>} : memref<1000x64xf32, #tpu.memory_space<vmem>>, vector<1000x64xf32>,
    %get3A_42 = arith.constant 0 : index
    %get3A_43 = arith.constant 0 : index
    %get3A_44 = vector.load %arg7[%get3A_42, %get3A_43] : memref<64x64xf32, #tpu.memory_space<vmem>>, vector<64x64xf32>
    %dot_general3A_45 = arith.constant dense<0.000000e+00> : vector<1000x64xf32>
    %dot_general3A_46 = tpu.matmul %add3A_30, %get3A_44, %dot_general3A_45 {dimension_numbers = #tpu.dot_dimension_numbers<[1], [0], [0], [1], [0, 0, 1, 1], [], []>, transpose_lhs_hint = false} : vector<1000x64xf32>, vector<64x64xf32>, vector<1000x64xf32> -> vector<1000x64xf32>
    %get3A_47 = arith.constant 0 : index
    %get3A_48 = vector.load %arg8[%get3A_47] : memref<64xf32, #tpu.memory_space<vmem>>, vector<64xf32>
    %broadcast_in_dim3A_49 = vector.shape_cast %get3A_48 : vector<64xf32> to vector<1x64xf32>
    %add3A_50 = vector.broadcast %broadcast_in_dim3A_49 : vector<1x64xf32> to vector<1000x64xf32>
    %add3A_51 = arith.addf %dot_general3A_46, %add3A_50 : vector<1000x64xf32>
    %swap3A_52 = arith.constant 0 : index
    %swap3A_53 = arith.constant 0 : index
    %swap3A_54 = vector.load %arg10[%swap3A_52, %swap3A_53] : memref<1000x64xf32, #tpu.memory_space<vmem>>, vector<1000x64xf32>
    tpu.vector_store %arg10[%swap3A_52, %swap3A_53], %add3A_51 {strides = array<i32>} : memref<1000x64xf32, #tpu.memory_space<vmem>>, vector<1000x64xf32>,
    return
  }
  func.func @transform_0(%arg0: i32) -> (i32, i32, i32) {
    %c0_i32 = arith.constant 0 : i32
    %c0_i32_0 = arith.constant 0 : i32
    %c0_i32_1 = arith.constant 0 : i32
    return %c0_i32, %arg0, %c0_i32_0 : i32, i32, i32
  }
  func.func @transform_1(%arg0: i32) -> (i32, i32) {
    %c0_i32 = arith.constant 0 : i32
    %c0_i32_0 = arith.constant 0 : i32
    return %arg0, %c0_i32 : i32, i32
  }
  func.func @transform_2(%arg0: i32) -> (i32, i32) {
    %c0_i32 = arith.constant 0 : i32
    %c0_i32_0 = arith.constant 0 : i32
    return %arg0, %c0_i32 : i32, i32
  }
  func.func @transform_3(%arg0: i32) -> i32 {
    %c0_i32 = arith.constant 0 : i32
    %c0_i32_0 = arith.constant 0 : i32
    return %c0_i32 : i32
  }
  func.func @transform_4(%arg0: i32) -> (i32, i32) {
    %c0_i32 = arith.constant 0 : i32
    %c0_i32_0 = arith.constant 0 : i32
    %c0_i32_1 = arith.constant 0 : i32
    return %c0_i32, %c0_i32_0 : i32, i32
  }
  func.func @transform_5(%arg0: i32) -> i32 {
    %c0_i32 = arith.constant 0 : i32
    %c0_i32_0 = arith.constant 0 : i32
    return %c0_i32 : i32
  }
  func.func @transform_6(%arg0: i32) -> (i32, i32) {
    %c0_i32 = arith.constant 0 : i32
    %c0_i32_0 = arith.constant 0 : i32
    %c0_i32_1 = arith.constant 0 : i32
    return %c0_i32, %c0_i32_0 : i32, i32
  }
  func.func @transform_7(%arg0: i32) -> i32 {
    %c0_i32 = arith.constant 0 : i32
    %c0_i32_0 = arith.constant 0 : i32
    return %c0_i32 : i32
  }
  func.func @transform_8(%arg0: i32) -> (i32, i32) {
    %c0_i32 = arith.constant 0 : i32
    %c0_i32_0 = arith.constant 0 : i32
    return %arg0, %c0_i32 : i32, i32
  }
  func.func @transform_9(%arg0: i32) -> (i32, i32) {
    %c0_i32 = arith.constant 0 : i32
    %c0_i32_0 = arith.constant 0 : i32
    return %arg0, %c0_i32 : i32, i32
  }
}

</mosaic_0001>

<sc_bundles>
// kernel: kernel.11.cloned.1.call-start
scs
__scs_entry_jumppad:
0x0: {  	(pc) =	sbr.rel $0x88, $3  }
0x1: {  	(tag) =	ssettag $0x0;
	lr =	simm.s32 $0x1  }
0x2: {  	[smem:$0x3F97] =	sst lr;
	_ =	strace $0xD0000000  }
0x3: {  	_ = 	snop  }
0x4: {  	_ = 	snop  }
0x5: {  	_ = 	snop  }
0x6: {  	_ = 	snop  }
0x7: {  	_ = 	snop  }
__scs_overlays_trampoline_lowered:
0x8: {  	[smem:$0x3FA6] =	sst s0  }
0x9: {  	[smem:$0x3FA7] =	sst s1  }
0xa: {  	[smem:$0x3FA8] =	sst s2  }
0xb: {  	[smem:$0x3FA9] =	sst s3  }
0xc: {  	[smem:$0x3FAA] =	sst s4  }
0xd: {  	[smem:$0x3FAB] =	sst s5  }
0xe: {  	[smem:$0x3FAC] =	sst s6  }
0xf: {  	[smem:$0x3FAD] =	sst s7  }
0x10: {  	[smem:$0x3FAE] =	sst s8  }
0x11: {  	[smem:$0x3FAF] =	sst s9;
	s0 =	simm.s32 @!p0 $0x0  }
0x12: {  	s1 =	sld [smem:$0x3F95];
	s0 =	simm.s32 @p0 $0x1  }
0x13: {  	[smem:$0x3FB0] =	sst s0;
	s0 =	simm.s32 @!p1 $0x0  }
0x14: {  	s2 =	sld [smem:$0x3F94];
	s0 =	simm.s32 @p1 $0x1  }
0x15: {  	[smem:$0x3FB1] =	sst s0;
	s0 =	simm.s32 @!p2 $0x0  }
0x16: {  	s3 =	sld [smem:$0x3FDB];
	s0 =	simm.s32 @p2 $0x1  }
0x17: {  	s4 =	simm.s32 $0x1BF5;
	[smem:$0x3FB3] =	sst s0  }
0x18: {  	s0 =	sld [smem:$0x3F96];
	_ =	swait.ge [sflag:s4], $0x0  }
0x19: {  	s7 =	sld [smem:$0x3F97]  }
0x1a: {  	s8 =	sadd.s32 $0xFFFFE003, lr  }
0x1b: {  	s9 =	sadd.s32 $0xFFFFFEF7, lr;
	s5 =	simm.s32 $0xFFFFFFFF;
	p2 =	slt.u32 s8, $0xFFFFF086  }
0x1c: {  	p1 =	slt.u32 s9, $0xF7A;
	s5 =	simm.s32 @!p2 $0x0  }
0x1d: {  	s5 =	simm.s32 @p1 $0x1;
	p0 =	seq.s32 s7, s2  }
0x1e: {  	s7 =	smul.u32 @!p0 $0xF7A, s2;
	p2 =	seq.s32 @!p0 s5, $0x0  }
0x1f: {  	s9 =	smul.u32 $0xF7A, s1;
	s8 =	simm.s32 @!p0 $0x1BF5;
	p2 =	por !p2, p0  }
0x20: {  	[sflag:s8] =	ssyncset.s32 @!p0 $0xFFFFF086;
	s6 =	sadd.s32 @!p0 s3, s7;
	s7 =	simm.s32 @!p0 $0x108  }
0x21: {  	s3 =	sadd.s32 s3, s9;
	s6 =	sadd.s32 @!p0 $0x88, s6;
	s7 =	simm.s32 @p2 $0x1082  }
0x22: {  	[simem:s7], [sflag:s8] =	dma.local @!p0 [hbm:s6], $0xF7A  }
0x23: {  	s9 =	sor.u32 $0xD0000000, s2;
	s6 =	simm.s32 $0x108;
	_ =	swait.ge @!p0 [sflag:s8], $0x0  }
0x24: {  	s3 =	sadd.s32 $0x88, s3;
	s6 =	simm.s32 @!p1 $0x1082;
	[sflag:s4] =	ssyncset.s32 $0xFFFFF086  }
0x25: {  	[simem:s6], [sflag:s4] =	dma.local [hbm:s3], $0xF7A  }
0x26: {  	[smem:$0x3F97] =	sst s1;
	(tag) =	ssettag s2;
	_ =	strace s9  }
0x27: {  	s1 =	sld [smem:$0x3FA7]  }
0x28: {  	s2 =	sld [smem:$0x3FA8]  }
0x29: {  	s4 =	sld [smem:$0x3FAA]  }
0x2a: {  	p0 =	seq.s32 s5, $0x0;
	s5 =	sld [smem:$0x3FAB]  }
0x2b: {  	s6 =	sld [smem:$0x3FAC]  }
0x2c: {  	s7 =	sld [smem:$0x3FAD]  }
0x2d: {  	s3 =	simm.s32 $0x108;
	s8 =	sld [smem:$0x3FAE]  }
0x2e: {  	s3 =	simm.s32 @!p0 $0x1082;
	s9 =	sld [smem:$0x3FAF]  }
0x2f: {  	lr =	sadd.s32 s0, s3;
	s0 =	sld [smem:$0x3FA6]  }
0x30: {  	s3 =	sld [smem:$0x3FA9]  }
0x31: {  	[smem:$0x3FB2] =	sst s10  }
0x32: {  	s10 =	sld [smem:$0x3FB0];
	_ =	sdelay $0x3  }
0x33: {  	p0 =	seq.s32 s10, $0x1;
	s10 =	sld [smem:$0x3FB2];
	_ =	sdelay $0x3  }
0x34: {  	[smem:$0x3FB2] =	sst s10  }
0x35: {  	s10 =	sld [smem:$0x3FB1];
	_ =	sdelay $0x3  }
0x36: {  	p1 =	seq.s32 s10, $0x1;
	s10 =	sld [smem:$0x3FB2];
	_ =	sdelay $0x3  }
0x37: {  	[smem:$0x3FB2] =	sst s10  }
0x38: {  	s10 =	sld [smem:$0x3FB3]  }
0x39: {  	_ = 	snop;
	(pc) =	sbr.ind lr, $3  }
0x3a: {  	_ = 	snop  }
0x3b: {  	_ = 	snop  }
0x3c: {  	p2 =	seq.s32 s10, $0x1;
	s10 =	sld [smem:$0x3FB2]  }
0x3d: {  	_ =	shalt  }
0x3e: {  	_ =	shalt  }
0x3f: {  	_ =	shalt  }
0x40: {  	_ =	shalt  }
0x41: {  	_ =	shalt  }
0x42: {  	_ =	shalt  }
0x43: {  	_ =	shalt  }
0x44: {  	_ =	shalt  }
0x45: {  	_ =	shalt  }
0x46: {  	_ =	shalt  }
0x47: {  	_ =	shalt  }
0x48: {  	_ =	shalt  }
0x49: {  	_ =	shalt  }
0x4a: {  	_ =	shalt  }
0x4b: {  	_ =	shalt  }
0x4c: {  	_ =	shalt  }
0x4d: {  	_ =	shalt  }
0x4e: {  	_ =	shalt  }
0x4f: {  	_ =	shalt  }
0x50: {  	_ =	shalt  }
0x51: {  	_ =	shalt  }
0x52: {  	_ =	shalt  }
0x53: {  	_ =	shalt  }
0x54: {  	_ =	shalt  }
0x55: {  	_ =	shalt  }
0x56: {  	_ =	shalt  }
0x57: {  	_ =	shalt  }
0x58: {  	_ =	shalt  }
0x59: {  	_ =	shalt  }
0x5a: {  	_ =	shalt  }
0x5b: {  	_ =	shalt  }
0x5c: {  	_ =	shalt  }
0x5d: {  	_ =	shalt  }
0x5e: {  	_ =	shalt  }
0x5f: {  	_ =	shalt  }
0x60: {  	_ =	shalt  }
0x61: {  	_ =	shalt  }
0x62: {  	_ =	shalt  }
0x63: {  	_ =	shalt  }
0x64: {  	_ =	shalt  }
0x65: {  	_ =	shalt  }
0x66: {  	_ =	shalt  }
0x67: {  	_ =	shalt  }
0x68: {  	_ =	shalt  }
0x69: {  	_ =	shalt  }
0x6a: {  	_ =	shalt  }
0x6b: {  	_ =	shalt  }
0x6c: {  	_ =	shalt  }
0x6d: {  	_ =	shalt  }
0x6e: {  	_ =	shalt  }
0x6f: {  	_ =	shalt  }
0x70: {  	_ =	shalt  }
0x71: {  	_ =	shalt  }
0x72: {  	_ =	shalt  }
0x73: {  	_ =	shalt  }
0x74: {  	_ =	shalt  }
0x75: {  	_ =	shalt  }
0x76: {  	_ =	shalt  }
0x77: {  	_ =	shalt  }
0x78: {  	_ =	shalt  }
0x79: {  	_ =	shalt  }
0x7a: {  	_ =	shalt  }
0x7b: {  	_ =	shalt  }
0x7c: {  	_ =	shalt  }
0x7d: {  	_ =	shalt  }
0x7e: {  	_ =	shalt  }
0x7f: {  	_ =	shalt  }
0x80: {  	_ =	shalt  }
0x81: {  	_ =	shalt  }
0x82: {  	_ =	shalt  }
0x83: {  	_ =	shalt  }
0x84: {  	_ =	shalt  }
0x85: {  	_ =	shalt  }
0x86: {  	_ =	shalt  }
0x87: {  	_ =	shalt  }
.Lfunc_end0:
.L_simem_size_0:
called_computation.1_lowered:
.L_overlay_start_0:
0x88: {  	s2 =	sld [smem:$0x3FD9]  }
0x89: {  	s3 =	sld [smem:$0x3FFE];
	_ =	sdelay $0x1  }
0x8a: {  	s1 =	srdreg.scid  }
0x8b: {  	s0 =	sand.u32 $0x1, s1  }
0x8c: {  	s14 =	sshll.u32 s0, $0xA;
	s2 =	sadd.s32 s3, s2  }
0x8d: {  	s2 =	sadd.s32 s2, s14  }
0x8e: {  	[smem:$0x3FBE] =	sst s2  }
0x8f: {  	_ = 	snop  }
0x90: {  	s2 =	sld [smem:$0x3FD0];
	_ =	sdelay $0x2  }
0x91: {  	s15 =	simm.s32 $0xA;
	s4 =	simm.s32 $0x10  }
0x92: {  	[smem:s4], [sflag:s15] =	dma.local [hbm:s2], $0x1  }
0x93: {  	_ =	swait.eq [sflag:s15], $0x1  }
0x94: {  	[sflag:s15] =	ssyncset.done $0x0  }
0x95: {  	s16 =	sld [smem:$0x10];
	[sflag:s15] =	ssyncadd.s32 $0xFFFFFFFF  }
0x96: {  	s17 =	sld [smem:$0x11];
	(tm) =	ssettm $0x1  }
0x97: {  	s18 =	sld [smem:$0x3FFB];
	_ =	sdelay $0x3  }
0x98: {  	_ =	strace s18  }
0x99: {  	s4 =	sld [smem:$0x3FFC];
	_ =	sdelay $0x3  }
0x9a: {  	_ =	strace s4  }
0x9b: {  	s4 =	sld [smem:$0x3FFD];
	_ =	sdelay $0x3  }
0x9c: {  	_ =	strace s4  }
0x9d: {  	_ =	strace $0x8FFFFFFF  }
0x9e: {  	s19 =	sld [smem:$0x3FDB];
	_ =	sdelay $0x1  }
0x9f: {  	s5 =	simm.s32 $_scs_section_size  }
0xa0: {  	s6 =	simm.s32 $_size__tile_overlayer_lowered;
	s7 =	simm.s32 $_tile_overlayer_lowered  }
0xa1: {  	s22 =	simm.s32 $0x1BFF;
	s21 =	sshll.u32 s7, $0x1;
	s4 =	sadd.s32 s5, s19  }
0xa2: {  	s8 =	simm.s32 $0x0;
	s20 =	sshll.u32 s6, $0x1;
	s6 =	sadd.s32 s21, s4  }
0xa3: {  	[timem:s8], [sflag:s22] =	dma.local [hbm:s6], s20  }
0xa4: {  	_ =	swait.ge [sflag:s22], s20  }
0xa5: {  	s5 =	ssub.s32 $0x0, s20;
	[sflag:s22] =	ssyncset.done $0x0  }
0xa6: {  	[sflag:s22] =	ssyncadd.s32 s5;
	_ =	sdelay $0x1  }
0xa7: {  	s23 =	simm.s32 $0x1B8B  }
0xa8: {  	_ =	swait.ge [sflag:s23], $0x1  }
0xa9: {  	[sflag:s23] =	ssyncset.done $0x0  }
0xaa: {  	s25 =	simm.s32 $0x1B8E;
	s24 =	sld [smem:$0x3FFE];
	[sflag:s23] =	ssyncadd.s32 $0xFFFFFFFF  }
0xab: {  	s26 =	simm.s32 $execute0_lowered;
	[smem:$0x3FD2] =	sst s25  }
0xac: {  	s6 =	sshll.u32 s26, $0x1;
	_ =	strace $0x80000049;
	[dreg:$0x1] =	wrdreg $0xFFFFFFFF  }
0xad: {  	s28 =	simm.s32 $_size_execute0_lowered;
	s4 =	sadd.s32 s4, s6;
	[dreg:$0x0] =	wrdreg $0x0  }
0xae: {  	s6 =	sshll.u32 s28, $0x1;
	[dreg:$0x2] =	wrdreg s4  }
0xaf: {  	[dreg:$0x3] =	wrdreg s6  }
0xb0: {  	[dreg:$0x4] =	wrdreg $0xC0  }
0xb1: {  	_ =	task [dreg:s8], $0x5FFFF  }
0xb2: {  	[dreg:$0x1] =	wrdreg $0xFFFFFFFF  }
0xb3: {  	[dreg:$0x0] =	wrdreg $0x60  }
0xb4: {  	[dreg:$0x2] =	wrdreg s24  }
0xb5: {  	[dreg:$0x3] =	wrdreg s17  }
0xb6: {  	[dreg:$0x4] =	wrdreg s16  }
0xb7: {  	[dreg:$0x5] =	wrdreg $0x140000  }
0xb8: {  	[dreg:$0x6] =	wrdreg $0x9  }
0xb9: {  	_ =	task.clear_ibuf [dreg:s8], $0x7FFFF;
	_ =	strace $0x90000049  }
0xba: {  	s29 =	simm.s32 $0x9;
	_ =	strace $0x8000004B  }
0xbb: {  	_ =	swait.ge [sflag:s29], $0x1  }
0xbc: {  	[sflag:s29] =	ssyncadd.s32 $0xFFFFFFFF  }
0xbd: {  	_ =	strace $0x9000004B  }
0xbe: {  	_ =	sfence  }
0xbf: {  	s30 =	sld [smem:$0x0];
	_ =	sdelay $0x2  }
0xc0: {  	s31 =	sshll.u32 s1, $0xD;
	s1 =	sshrl.u32 s1, $0x2  }
0xc1: {  	s3 =	sand.u32 $0x4000, s31;
	s1 =	sadd.s32 s1, s30  }
0xc2: {  	s0 =	sor.u32 s3, s0;
	s1 =	sshll.u32 s1, $0x11  }
0xc3: {  	s0 =	sor.u32 s1, s0  }
0xc4: {  	s0 =	sadd.s32 $0x8F2B, s0  }
0xc5: {  	[sflag:s0] =	ssyncadd.remote.s32 $0x1  }
0xc6: {  	_ =	sfence.sel $0xFFFF  }
0xc7: {  	[dreg:$0x0] =	wrdreg $0xFFFFFFFF;
	(pc) =	sbr.abs _section_cstart, $3  }
0xc8: {  	[dreg:$0x1] =	wrdreg $0xFFFFFFFF  }
0xc9: {  	_ =	task.clear_ibuf [dreg:s8], $0x2FFFF;
	_ =	strace $0x9FFFFFFF  }
0xca: {  	(tm) =	ssettm $0x7FFFFFFF  }
0xcb: {  	_ =	shalt  }
tec
execute0_lowered:
.L_overlay_start_1:
0x0: {  	(tag) =	ssettag $0x1  }
0x1: {  	s0 =	rddreg [dreg:$0x0]  }
0x2: {  	s3 =	rddreg [dreg:$0x1]  }
0x3: {  	s4 =	rddreg [dreg:$0x2]  }
0x4: {  	s1 =	rddreg [dreg:$0x3];
	s5 =	srdreg.scid;
	s2 =	simm.s32 $0x0  }
0x5: {  	s7 =	stileid.u32;
	s28 =	simm.s32 $0x10000;
	s30 =	simm.s32 $0x12000  }
0x6: {  	s31 =	simm.s32 $0x1;
	s29 =	simm.s32 $0x7;
	s5 =	sand.u32 $0x1, s5  }
0x7: {  	[smem:$0x7FF] =	sst s2;
	s11 =	smul.u32 $0xA000, s7;
	s18 =	sadd.s32 $0xA2600, s0  }
0x8: {  	s10 =	smul.u32 $0xA0000, s5;
	_ =	strace $0x8000004A;
	s5 =	ssub.s32 $0x2, s5  }
0x9: {  	[dreg:$0x5] =	wrdreg s18;
	s18 =	smul.u32 $0xA00, s7;
	s19 =	sshrl.u32 s5, $0x1  }
0xa: {  	s14 =	sadd.s32 $0x2000, s11;
	s15 =	sadd.s32 $0x4000, s11;
	s16 =	sadd.s32 $0x6000, s11  }
0xb: {  	s17 =	sadd.s32 $0x8000, s11;
	s6 =	sshrl.u32 s10, $0x3;
	s13 =	ssub.s32 s5, s19  }
0xc: {  	s5 =	sadd.s32 s11, s1;
	s7 =	sadd.s32 s15, s1;
	s8 =	sadd.s32 s16, s1  }
0xd: {  	s9 =	sadd.s32 s17, s1;
	s3 =	sadd.s32 s3, s18;
	s20 =	sadd.s32 s11, s10  }
0xe: {  	s21 =	sadd.s32 s10, s14;
	s4 =	sadd.s32 s4, s18;
	s24 =	sadd.s32 s10, s15  }
0xf: {  	s25 =	sadd.s32 s10, s16;
	s10 =	sadd.s32 s10, s17;
	s19 =	simm.s32 $0xA000  }
0x10: {  	s11 =	simm.s32 $0xA;
	s12 =	sadd.s32 s6, s0;
	[dreg:$0x6] =	wrdreg s3  }
0x11: {  	s0 =	sadd.s32 $0xA2A00, s0;
	s6 =	sadd.s32 s14, s1;
	[dreg:$0x7] =	wrdreg s4  }
0x12: {  	s3 =	sshrl.u32 s20, $0x3;
	s22 =	sshrl.u32 s21, $0x3;
	s4 =	sshrl.u32 s25, $0x3  }
0x13: {  	s10 =	sshrl.u32 s10, $0x3;
	s18 =	smax.u32 s13, $0x1;
	s20 =	simm.s32 $0xB  }
0x14: {  	s25 =	simm.s32 $0xE000;
	s21 =	simm.s32 $0x4;
	s13 =	simm.s32 $0x4F80  }
0x15: {  	s14 =	simm.s32 $0x0;
	s12 =	sadd.s32 $0x7A600, s12;
	s3 =	sadd.s32 s0, s3  }
0x16: {  	s23 =	sadd.s32 s0, s22;
	s26 =	sadd.s32 s0, s4;
	[dreg:$0x8] =	wrdreg s3  }
0x17: {  	s22 =	simm.s32 $0x80;
	s4 =	simm.s32 $0x8;
	[dreg:$0x9] =	wrdreg s23  }
0x18: {  	s3 =	sshrl.u32 s24, $0x3;
	[dreg:$0xb] =	wrdreg s26;
	s23 =	simm.s32 $0xC000  }
0x19: {  	s24 =	simm.s32 $0x5;
	s26 =	simm.s32 $0x6;
	s3 =	sadd.s32 s0, s3  }
0x1a: {  	s0 =	sadd.s32 s0, s10;
	s10 =	simm.s32 $0x9;
	[dreg:$0xa] =	wrdreg s3  }
0x1b: {  	[dreg:$0xc] =	wrdreg s0;
	s0 =	simm.s32 $0x2;
	s3 =	simm.s32 $0x3  }
.LBB2_1:
0x1c: {  	s15 =	rddreg [dreg:$0x5]  }
0x1d: {  	[tilespmem:s19], [sflag:$0xB] =	stream.linear.gather [hbm4b:s15+s2], $0x2000, $0x38;
	[tilespmem:$0x1E000] =	vst v63  }
0x1e: {  	_ =	swait.ge [sflag:s20], $0x2000  }
0x1f: {  	[sflag:s20] =	ssyncset.done $0x0  }
0x20: {  	[sflag:s20] =	ssyncadd.s32 $0xFFFFE000  }
0x21: {  	[spmem:s5] =	stream.linear.scatter [tilespmem:s19], [sflag:$0xB], $0x2000, $0x38;
	[tilespmem:$0x1E000] =	vst v63  }
0x22: {  	_ =	swait.ge [sflag:s20], $0x2000  }
0x23: {  	[sflag:s20] =	ssyncset.done $0x0  }
0x24: {  	[sflag:s20] =	ssyncadd.s32 $0xFFFFE000  }
0x25: {  	[spmem:s6] =	stream.linear.scatter [tilespmem:s19], [sflag:$0xB], $0x2000, $0x38;
	[tilespmem:$0x1E000] =	vst v63  }
0x26: {  	_ =	swait.ge [sflag:s20], $0x2000  }
0x27: {  	[sflag:s20] =	ssyncset.done $0x0  }
0x28: {  	[sflag:s20] =	ssyncadd.s32 $0xFFFFE000  }
0x29: {  	[spmem:s7] =	stream.linear.scatter [tilespmem:s19], [sflag:$0xB], $0x2000, $0x38;
	[tilespmem:$0x1E000] =	vst v63  }
0x2a: {  	_ =	swait.ge [sflag:s20], $0x2000  }
0x2b: {  	[sflag:s20] =	ssyncset.done $0x0  }
0x2c: {  	[sflag:s20] =	ssyncadd.s32 $0xFFFFE000  }
0x2d: {  	[spmem:s8] =	stream.linear.scatter [tilespmem:s19], [sflag:$0xB], $0x2000, $0x38;
	[tilespmem:$0x1E000] =	vst v63  }
0x2e: {  	_ =	swait.ge [sflag:s20], $0x2000  }
0x2f: {  	[sflag:s20] =	ssyncset.done $0x0  }
0x30: {  	[sflag:s20] =	ssyncadd.s32 $0xFFFFE000  }
0x31: {  	[spmem:s9] =	stream.linear.scatter [tilespmem:s19], [sflag:$0xB], $0x2000, $0x38;
	[tilespmem:$0x1E000] =	vst v63  }
0x32: {  	_ =	swait.ge [sflag:s20], $0x2000  }
0x33: {  	[sflag:s20] =	ssyncset.done $0x0  }
0x34: {  	[sflag:s20] =	ssyncadd.s32 $0xFFFFE000  }
0x35: {  	[bflag:$0x0] =	sbarrier.arrive $0xFFFF  }
0x36: {  	s16 =	rddreg [dreg:$0x6]  }
0x37: {  	[tilespmem:s2], [sflag:$0xB] =	stream.linear.gather [hbm4b:s16+s2], $0x5000, $0x38;
	[tilespmem:$0x1E000] =	vst v63  }
0x38: {  	_ =	swait.ge [sflag:s20], $0x5000  }
0x39: {  	[sflag:s20] =	ssyncset.done $0x0  }
0x3a: {  	s16 =	simm.s32 $0x5000;
	s17 =	rddreg [dreg:$0x7];
	[sflag:s20] =	ssyncadd.s32 $0xFFFFB000  }
0x3b: {  	[tilespmem:s16], [sflag:$0xB] =	stream.linear.gather [hbm4b:s17+s2], $0x5000, $0x38;
	[tilespmem:$0x1E000] =	vst v63  }
0x3c: {  	_ =	swait.ge [sflag:s20], $0x5000  }
0x3d: {  	[sflag:s20] =	ssyncset.done $0x0  }
0x3e: {  	[sflag:s20] =	ssyncadd.s32 $0xFFFFB000  }
0x3f: {  	[tilespmem:s19], [sflag:$0x1] =	stream.indirect.gather [hbm4b:s12+s22], $0x40, s2, s22, $0xb8;
	[tilespmem:$0x1E000] =	vst v63  }
0x40: {  	_ = 	snop  }
0x41: {  	[tilespmem:s23], [sflag:$0x2] =	stream.indirect.gather [hbm4b:s12+s22], $0x40, s22, s22, $0xb8;
	[tilespmem:$0x1E000] =	vst v63  }
0x42: {  	s16 =	simm.s32 $0x100  }
0x43: {  	[tilespmem:s25], [sflag:$0x3] =	stream.indirect.gather [hbm4b:s12+s22], $0x40, s16, s22, $0xb8;
	[tilespmem:$0x1E000] =	vst v63  }
0x44: {  	s17 =	simm.s32 $0x180  }
0x45: {  	[tilespmem:s28], [sflag:$0x4] =	stream.indirect.gather [hbm4b:s12+s22], $0x40, s17, s22, $0xb8;
	[tilespmem:$0x1E000] =	vst v63  }
0x46: {  	s16 =	simm.s32 $0x200  }
0x47: {  	[tilespmem:s30], [sflag:$0x5] =	stream.indirect.gather [hbm4b:s12+s22], $0x40, s16, s22, $0xb8;
	[tilespmem:$0x1E000] =	vst v63  }
0x48: {  	_ =	swait.ge [sflag:s31], $0x2000  }
0x49: {  	[sflag:s31] =	ssyncset.done $0x0  }
0x4a: {  	s17 =	simm.s32 $0x5000;
	[sflag:s31] =	ssyncadd.s32 $0xFFFFE000  }
0x4b: {  	[spmem:s1] =	stream.indirect.scatter.add.f32 [tilespmem:s19], [sflag:$0x6], $0x40, s17, s22, $0xb8;
	[tilespmem:$0x1E000] =	vst v63  }
0x4c: {  	_ =	swait.ge [sflag:s0], $0x2000  }
0x4d: {  	[sflag:s0] =	ssyncset.done $0x0  }
0x4e: {  	s16 =	simm.s32 $0x5080;
	[sflag:s0] =	ssyncadd.s32 $0xFFFFE000  }
0x4f: {  	[spmem:s1] =	stream.indirect.scatter.add.f32 [tilespmem:s23], [sflag:$0x7], $0x40, s16, s22, $0xb8;
	[tilespmem:$0x1E000] =	vst v63  }
0x50: {  	_ =	swait.ge [sflag:s3], $0x2000  }
0x51: {  	[sflag:s3] =	ssyncset.done $0x0  }
0x52: {  	s17 =	simm.s32 $0x5100;
	[sflag:s3] =	ssyncadd.s32 $0xFFFFE000  }
0x53: {  	[spmem:s1] =	stream.indirect.scatter.add.f32 [tilespmem:s25], [sflag:$0x8], $0x40, s17, s22, $0xb8;
	[tilespmem:$0x1E000] =	vst v63  }
0x54: {  	_ =	swait.ge [sflag:s21], $0x2000  }
0x55: {  	[sflag:s21] =	ssyncset.done $0x0  }
0x56: {  	s16 =	simm.s32 $0x5180;
	[sflag:s21] =	ssyncadd.s32 $0xFFFFE000  }
0x57: {  	[spmem:s1] =	stream.indirect.scatter.add.f32 [tilespmem:s28], [sflag:$0x9], $0x40, s16, s22, $0xb8;
	[tilespmem:$0x1E000] =	vst v63  }
0x58: {  	_ =	swait.ge [sflag:s24], $0x2000  }
0x59: {  	[sflag:s24] =	ssyncset.done $0x0  }
0x5a: {  	s17 =	simm.s32 $0x5200;
	[sflag:s24] =	ssyncadd.s32 $0xFFFFE000  }
0x5b: {  	[spmem:s1] =	stream.indirect.scatter.add.f32 [tilespmem:s30], [sflag:$0xA], $0x40, s17, s22, $0xb8;
	[tilespmem:$0x1E000] =	vst v63  }
0x5c: {  	_ =	swait.ge [sflag:s26], $0x2000  }
0x5d: {  	[sflag:s26] =	ssyncset.done $0x0  }
0x5e: {  	s16 =	simm.s32 $0x280;
	[sflag:s26] =	ssyncadd.s32 $0xFFFFE000  }
0x5f: {  	[tilespmem:s19], [sflag:$0x1] =	stream.indirect.gather [hbm4b:s12+s22], $0x40, s16, s22, $0xb8;
	[tilespmem:$0x1E000] =	vst v63  }
0x60: {  	_ =	swait.ge [sflag:s29], $0x2000  }
0x61: {  	[sflag:s29] =	ssyncset.done $0x0  }
0x62: {  	s17 =	simm.s32 $0x300;
	[sflag:s29] =	ssyncadd.s32 $0xFFFFE000  }
0x63: {  	[tilespmem:s23], [sflag:$0x2] =	stream.indirect.gather [hbm4b:s12+s22], $0x40, s17, s22, $0xb8;
	[tilespmem:$0x1E000] =	vst v63  }
0x64: {  	_ =	swait.ge [sflag:s4], $0x2000  }
0x65: {  	[sflag:s4] =	ssyncset.done $0x0  }
0x66: {  	s16 =	simm.s32 $0x380;
	[sflag:s4] =	ssyncadd.s32 $0xFFFFE000  }
0x67: {  	[tilespmem:s25], [sflag:$0x3] =	stream.indirect.gather [hbm4b:s12+s22], $0x40, s16, s22, $0xb8;
	[tilespmem:$0x1E000] =	vst v63  }
0x68: {  	_ =	swait.ge [sflag:s10], $0x2000  }
0x69: {  	[sflag:s10] =	ssyncset.done $0x0  }
0x6a: {  	s17 =	simm.s32 $0x400;
	[sflag:s10] =	ssyncadd.s32 $0xFFFFE000  }
0x6b: {  	[tilespmem:s28], [sflag:$0x4] =	stream.indirect.gather [hbm4b:s12+s22], $0x40, s17, s22, $0xb8;
	[tilespmem:$0x1E000] =	vst v63  }
0x6c: {  	_ =	swait.ge [sflag:s11], $0x2000  }
0x6d: {  	[sflag:s11] =	ssyncset.done $0x0  }
0x6e: {  	s15 =	simm.s32 $0xA00;
	s16 =	simm.s32 $0x480;
	[sflag:s11] =	ssyncadd.s32 $0xFFFFE000  }
.LBB2_2:
0x6f: {  	[tilespmem:s30], [sflag:$0x5] =	stream.indirect.gather [hbm4b:s12+s22], $0x40, s16, s22, $0xb8;
	[tilespmem:$0x1E000] =	vst v63  }
0x70: {  	s16 =	smov.u32 s15;
	s15 =	sadd.s32 $0xA00, s15;
	_ =	swait.ge [sflag:s31], $0x2000  }
0x71: {  	s16 =	sshra.s32 s16, $0x2;
	p0 =	sne.s32 s15, $0x12C00;
	[sflag:s31] =	ssyncset.done $0x0  }
0x72: {  	s17 =	sadd.s32 $0x5000, s16;
	[sflag:s31] =	ssyncadd.s32 $0xFFFFE000  }
0x73: {  	[spmem:s1] =	stream.indirect.scatter.add.f32 [tilespmem:s19], [sflag:$0x6], $0x40, s17, s22, $0xb8;
	[tilespmem:$0x1E000] =	vst v63  }
0x74: {  	_ =	swait.ge [sflag:s0], $0x2000  }
0x75: {  	[sflag:s0] =	ssyncset.done $0x0  }
0x76: {  	s17 =	sadd.s32 $0x5080, s16;
	[sflag:s0] =	ssyncadd.s32 $0xFFFFE000  }
0x77: {  	[spmem:s1] =	stream.indirect.scatter.add.f32 [tilespmem:s23], [sflag:$0x7], $0x40, s17, s22, $0xb8;
	[tilespmem:$0x1E000] =	vst v63  }
0x78: {  	_ =	swait.ge [sflag:s3], $0x2000  }
0x79: {  	[sflag:s3] =	ssyncset.done $0x0  }
0x7a: {  	s17 =	sadd.s32 $0x5100, s16;
	[sflag:s3] =	ssyncadd.s32 $0xFFFFE000  }
0x7b: {  	[spmem:s1] =	stream.indirect.scatter.add.f32 [tilespmem:s25], [sflag:$0x8], $0x40, s17, s22, $0xb8;
	[tilespmem:$0x1E000] =	vst v63  }
0x7c: {  	_ =	swait.ge [sflag:s21], $0x2000  }
0x7d: {  	[sflag:s21] =	ssyncset.done $0x0  }
0x7e: {  	s17 =	sadd.s32 $0x5180, s16;
	[sflag:s21] =	ssyncadd.s32 $0xFFFFE000  }
0x7f: {  	[spmem:s1] =	stream.indirect.scatter.add.f32 [tilespmem:s28], [sflag:$0x9], $0x40, s17, s22, $0xb8;
	[tilespmem:$0x1E000] =	vst v63  }
0x80: {  	_ =	swait.ge [sflag:s24], $0x2000  }
0x81: {  	[sflag:s24] =	ssyncset.done $0x0  }
0x82: {  	s17 =	sadd.s32 $0x5200, s16;
	[sflag:s24] =	ssyncadd.s32 $0xFFFFE000  }
0x83: {  	[spmem:s1] =	stream.indirect.scatter.add.f32 [tilespmem:s30], [sflag:$0xA], $0x40, s17, s22, $0xb8;
	[tilespmem:$0x1E000] =	vst v63  }
0x84: {  	_ =	swait.ge [sflag:s26], $0x2000  }
0x85: {  	[sflag:s26] =	ssyncset.done $0x0  }
0x86: {  	s17 =	sadd.s32 $0x280, s16;
	[sflag:s26] =	ssyncadd.s32 $0xFFFFE000  }
0x87: {  	[tilespmem:s19], [sflag:$0x1] =	stream.indirect.gather [hbm4b:s12+s22], $0x40, s17, s22, $0xb8;
	[tilespmem:$0x1E000] =	vst v63  }
0x88: {  	_ =	swait.ge [sflag:s29], $0x2000  }
0x89: {  	[sflag:s29] =	ssyncset.done $0x0  }
0x8a: {  	s17 =	sadd.s32 $0x300, s16;
	[sflag:s29] =	ssyncadd.s32 $0xFFFFE000  }
0x8b: {  	[tilespmem:s23], [sflag:$0x2] =	stream.indirect.gather [hbm4b:s12+s22], $0x40, s17, s22, $0xb8;
	[tilespmem:$0x1E000] =	vst v63  }
0x8c: {  	_ =	swait.ge [sflag:s4], $0x2000  }
0x8d: {  	[sflag:s4] =	ssyncset.done $0x0  }
0x8e: {  	s17 =	sadd.s32 $0x380, s16;
	[sflag:s4] =	ssyncadd.s32 $0xFFFFE000  }
0x8f: {  	[tilespmem:s25], [sflag:$0x3] =	stream.indirect.gather [hbm4b:s12+s22], $0x40, s17, s22, $0xb8;
	[tilespmem:$0x1E000] =	vst v63  }
0x90: {  	_ =	swait.ge [sflag:s10], $0x2000  }
0x91: {  	[sflag:s10] =	ssyncset.done $0x0  }
.Ltmp0:
0x92: {  	s17 =	sadd.s32 $0x400, s16;
	[sflag:s10] =	ssyncadd.s32 $0xFFFFE000;
	(pc) =	sbr.rel @p0 .LBB2_2-.Ltmp0, $4  }
0x93: {  	[tilespmem:s28], [sflag:$0x4] =	stream.indirect.gather [hbm4b:s12+s22], $0x40, s17, s22, $0xb8;
	[tilespmem:$0x1E000] =	vst v63  }
0x94: {  	_ =	swait.ge [sflag:s11], $0x2000  }
0x95: {  	[sflag:s11] =	ssyncset.done $0x0  }
0x96: {  	s16 =	sadd.s32 $0x480, s16;
	[sflag:s11] =	ssyncadd.s32 $0xFFFFE000  }
0x97: {  	[tilespmem:s30], [sflag:$0x5] =	stream.indirect.gather [hbm4b:s12+s22], $0x40, s16, s22, $0xb8;
	[tilespmem:$0x1E000] =	vst v63  }
0x98: {  	_ =	swait.ge [sflag:s31], $0x2000  }
0x99: {  	s15 =	sshra.s32 s15, $0x2;
	[sflag:s31] =	ssyncset.done $0x0  }
0x9a: {  	s17 =	sadd.s32 $0x5000, s15;
	[sflag:s31] =	ssyncadd.s32 $0xFFFFE000  }
0x9b: {  	[spmem:s1] =	stream.indirect.scatter.add.f32 [tilespmem:s19], [sflag:$0x6], $0x40, s17, s22, $0xb8;
	[tilespmem:$0x1E000] =	vst v63  }
0x9c: {  	_ =	swait.ge [sflag:s0], $0x2000  }
0x9d: {  	[sflag:s0] =	ssyncset.done $0x0  }
0x9e: {  	s17 =	sadd.s32 $0x5080, s15;
	[sflag:s0] =	ssyncadd.s32 $0xFFFFE000  }
0x9f: {  	[spmem:s1] =	stream.indirect.scatter.add.f32 [tilespmem:s23], [sflag:$0x7], $0x40, s17, s22, $0xb8;
	[tilespmem:$0x1E000] =	vst v63  }
0xa0: {  	_ =	swait.ge [sflag:s3], $0x2000  }
0xa1: {  	[sflag:s3] =	ssyncset.done $0x0  }
0xa2: {  	s17 =	sadd.s32 $0x5100, s15;
	[sflag:s3] =	ssyncadd.s32 $0xFFFFE000  }
0xa3: {  	[spmem:s1] =	stream.indirect.scatter.add.f32 [tilespmem:s25], [sflag:$0x8], $0x40, s17, s22, $0xb8;
	[tilespmem:$0x1E000] =	vst v63  }
0xa4: {  	_ =	swait.ge [sflag:s21], $0x2000  }
0xa5: {  	[sflag:s21] =	ssyncset.done $0x0  }
0xa6: {  	s17 =	sadd.s32 $0x5180, s15;
	[sflag:s21] =	ssyncadd.s32 $0xFFFFE000  }
0xa7: {  	[spmem:s1] =	stream.indirect.scatter.add.f32 [tilespmem:s28], [sflag:$0x9], $0x40, s17, s22, $0xb8;
	[tilespmem:$0x1E000] =	vst v63  }
0xa8: {  	_ =	swait.ge [sflag:s24], $0x2000  }
0xa9: {  	[sflag:s24] =	ssyncset.done $0x0  }
0xaa: {  	s15 =	sadd.s32 $0x5200, s15;
	[sflag:s24] =	ssyncadd.s32 $0xFFFFE000  }
0xab: {  	[spmem:s1] =	stream.indirect.scatter.add.f32 [tilespmem:s30], [sflag:$0xA], $0x40, s15, s22, $0xb8;
	[tilespmem:$0x1E000] =	vst v63  }
0xac: {  	_ =	swait.ge [sflag:s26], $0x2000  }
0xad: {  	[sflag:s26] =	ssyncset.done $0x0  }
0xae: {  	s16 =	simm.s32 $0x4D80;
	[sflag:s26] =	ssyncadd.s32 $0xFFFFE000  }
0xaf: {  	[tilespmem:s19], [sflag:$0x1] =	stream.indirect.gather [hbm4b:s12+s22], $0x40, s16, s22, $0xb8;
	[tilespmem:$0x1E000] =	vst v63  }
0xb0: {  	_ =	swait.ge [sflag:s29], $0x2000  }
0xb1: {  	[sflag:s29] =	ssyncset.done $0x0  }
0xb2: {  	s17 =	simm.s32 $0x4E00;
	[sflag:s29] =	ssyncadd.s32 $0xFFFFE000  }
0xb3: {  	[tilespmem:s23], [sflag:$0x2] =	stream.indirect.gather [hbm4b:s12+s22], $0x40, s17, s22, $0xb8;
	[tilespmem:$0x1E000] =	vst v63  }
0xb4: {  	_ =	swait.ge [sflag:s4], $0x2000  }
0xb5: {  	[sflag:s4] =	ssyncset.done $0x0  }
0xb6: {  	s16 =	simm.s32 $0x4E80;
	[sflag:s4] =	ssyncadd.s32 $0xFFFFE000  }
0xb7: {  	[tilespmem:s25], [sflag:$0x3] =	stream.indirect.gather [hbm4b:s12+s22], $0x40, s16, s22, $0xb8;
	[tilespmem:$0x1E000] =	vst v63  }
0xb8: {  	_ =	swait.ge [sflag:s10], $0x2000  }
0xb9: {  	[sflag:s10] =	ssyncset.done $0x0  }
0xba: {  	s17 =	simm.s32 $0x4F00;
	[sflag:s10] =	ssyncadd.s32 $0xFFFFE000  }
0xbb: {  	[tilespmem:s28], [sflag:$0x4] =	stream.indirect.gather [hbm4b:s12+s22], $0x40, s17, s22, $0xb8;
	[tilespmem:$0x1E000] =	vst v63  }
0xbc: {  	_ =	swait.ge [sflag:s11], $0x2000  }
0xbd: {  	[sflag:s11] =	ssyncset.done $0x0  }
0xbe: {  	[sflag:s11] =	ssyncadd.s32 $0xFFFFE000  }
0xbf: {  	[tilespmem:s30], [sflag:$0x5] =	stream.indirect.gather [hbm4b:s12+s22], $0x40, s13, s22, $0xb8;
	[tilespmem:$0x1E000] =	vst v63  }
0xc0: {  	_ =	swait.ge [sflag:s31], $0x2000  }
0xc1: {  	[sflag:s31] =	ssyncset.done $0x0  }
0xc2: {  	s16 =	simm.s32 $0x9D80;
	[sflag:s31] =	ssyncadd.s32 $0xFFFFE000  }
0xc3: {  	[spmem:s1] =	stream.indirect.scatter.add.f32 [tilespmem:s19], [sflag:$0x6], $0x40, s16, s22, $0xb8;
	[tilespmem:$0x1E000] =	vst v63  }
0xc4: {  	_ =	swait.ge [sflag:s0], $0x2000  }
0xc5: {  	[sflag:s0] =	ssyncset.done $0x0  }
0xc6: {  	s17 =	simm.s32 $0x9E00;
	[sflag:s0] =	ssyncadd.s32 $0xFFFFE000  }
0xc7: {  	[spmem:s1] =	stream.indirect.scatter.add.f32 [tilespmem:s23], [sflag:$0x7], $0x40, s17, s22, $0xb8;
	[tilespmem:$0x1E000] =	vst v63  }
0xc8: {  	_ =	swait.ge [sflag:s3], $0x2000  }
0xc9: {  	[sflag:s3] =	ssyncset.done $0x0  }
0xca: {  	s16 =	simm.s32 $0x9E80;
	[sflag:s3] =	ssyncadd.s32 $0xFFFFE000  }
0xcb: {  	[spmem:s1] =	stream.indirect.scatter.add.f32 [tilespmem:s25], [sflag:$0x8], $0x40, s16, s22, $0xb8;
	[tilespmem:$0x1E000] =	vst v63  }
0xcc: {  	_ =	swait.ge [sflag:s21], $0x2000  }
0xcd: {  	[sflag:s21] =	ssyncset.done $0x0  }
0xce: {  	s17 =	simm.s32 $0x9F00;
	[sflag:s21] =	ssyncadd.s32 $0xFFFFE000  }
0xcf: {  	[spmem:s1] =	stream.indirect.scatter.add.f32 [tilespmem:s28], [sflag:$0x9], $0x40, s17, s22, $0xb8;
	[tilespmem:$0x1E000] =	vst v63  }
0xd0: {  	_ =	swait.ge [sflag:s24], $0x2000  }
0xd1: {  	[sflag:s24] =	ssyncset.done $0x0  }
0xd2: {  	s16 =	simm.s32 $0x9F80;
	[sflag:s24] =	ssyncadd.s32 $0xFFFFE000  }
0xd3: {  	[spmem:s1] =	stream.indirect.scatter.add.f32 [tilespmem:s30], [sflag:$0xA], $0x40, s16, s22, $0xb8;
	[tilespmem:$0x1E000] =	vst v63  }
0xd4: {  	_ =	swait.ge [sflag:s26], $0x2000  }
0xd5: {  	[sflag:s26] =	ssyncset.done $0x0  }
0xd6: {  	[sflag:s26] =	ssyncadd.s32 $0xFFFFE000  }
0xd7: {  	[tilespmem:s19], [sflag:$0x1] =	stream.indirect.gather [hbm4b:s12+s22], $0x40, s13, s22, $0xb8;
	[tilespmem:$0x1E000] =	vst v63  }
0xd8: {  	_ =	swait.ge [sflag:s29], $0x2000  }
0xd9: {  	[sflag:s29] =	ssyncset.done $0x0  }
0xda: {  	[sflag:s29] =	ssyncadd.s32 $0xFFFFE000  }
0xdb: {  	[tilespmem:s23], [sflag:$0x2] =	stream.indirect.gather [hbm4b:s12+s22], $0x40, s13, s22, $0xb8;
	[tilespmem:$0x1E000] =	vst v63  }
0xdc: {  	_ =	swait.ge [sflag:s4], $0x2000  }
0xdd: {  	[sflag:s4] =	ssyncset.done $0x0  }
0xde: {  	[sflag:s4] =	ssyncadd.s32 $0xFFFFE000  }
0xdf: {  	[tilespmem:s25], [sflag:$0x3] =	stream.indirect.gather [hbm4b:s12+s22], $0x40, s13, s22, $0xb8;
	[tilespmem:$0x1E000] =	vst v63  }
0xe0: {  	_ =	swait.ge [sflag:s10], $0x2000  }
0xe1: {  	[sflag:s10] =	ssyncset.done $0x0  }
0xe2: {  	[sflag:s10] =	ssyncadd.s32 $0xFFFFE000  }
0xe3: {  	[tilespmem:s28], [sflag:$0x4] =	stream.indirect.gather [hbm4b:s12+s22], $0x40, s13, s22, $0xb8;
	[tilespmem:$0x1E000] =	vst v63  }
0xe4: {  	_ =	swait.ge [sflag:s11], $0x2000  }
0xe5: {  	[sflag:s11] =	ssyncset.done $0x0  }
0xe6: {  	[sflag:s11] =	ssyncadd.s32 $0xFFFFE000  }
0xe7: {  	[tilespmem:s30], [sflag:$0x5] =	stream.indirect.gather [hbm4b:s12+s22], $0x40, s13, s22, $0xb8;
	[tilespmem:$0x1E000] =	vst v63  }
0xe8: {  	_ =	swait.ge [sflag:s31], $0x2000  }
0xe9: {  	[sflag:s31] =	ssyncset.done $0x0  }
0xea: {  	[sflag:s31] =	ssyncadd.s32 $0xFFFFE000  }
0xeb: {  	_ =	swait.ge [sflag:s0], $0x2000  }
0xec: {  	[sflag:s0] =	ssyncset.done $0x0  }
0xed: {  	[sflag:s0] =	ssyncadd.s32 $0xFFFFE000  }
0xee: {  	_ =	swait.ge [sflag:s3], $0x2000  }
0xef: {  	[sflag:s3] =	ssyncset.done $0x0  }
0xf0: {  	[sflag:s3] =	ssyncadd.s32 $0xFFFFE000  }
0xf1: {  	_ =	swait.ge [sflag:s21], $0x2000  }
0xf2: {  	[sflag:s21] =	ssyncset.done $0x0  }
0xf3: {  	[sflag:s21] =	ssyncadd.s32 $0xFFFFE000  }
0xf4: {  	_ =	swait.ge [sflag:s24], $0x2000  }
0xf5: {  	[sflag:s24] =	ssyncset.done $0x0  }
0xf6: {  	[sflag:s24] =	ssyncadd.s32 $0xFFFFE000  }
0xf7: {  	[bflag:$0x0] =	sbarrier.arrive $0xFFFF  }
0xf8: {  	[tilespmem:s19], [sflag:$0xB] =	stream.linear.gather [spmem:s5], $0x2000, $0x38;
	[tilespmem:$0x1E000] =	vst v63  }
0xf9: {  	_ =	swait.ge [sflag:s20], $0x2000  }
0xfa: {  	[sflag:s20] =	ssyncset.done $0x0  }
0xfb: {  	s17 =	rddreg [dreg:$0x8];
	[sflag:s20] =	ssyncadd.s32 $0xFFFFE000  }
0xfc: {  	[hbm4b:s17+s2] =	stream.linear.scatter [tilespmem:s19], [sflag:$0xB], $0x2000, $0x38;
	[tilespmem:$0x1E000] =	vst v63  }
0xfd: {  	_ =	swait.ge [sflag:s20], $0x2000  }
0xfe: {  	[sflag:s20] =	ssyncset.done $0x0  }
0xff: {  	[sflag:s20] =	ssyncadd.s32 $0xFFFFE000  }
0x100: {  	[tilespmem:s19], [sflag:$0xB] =	stream.linear.gather [spmem:s6], $0x2000, $0x38;
	[tilespmem:$0x1E000] =	vst v63  }
0x101: {  	_ =	swait.ge [sflag:s20], $0x2000  }
0x102: {  	[sflag:s20] =	ssyncset.done $0x0  }
0x103: {  	s16 =	rddreg [dreg:$0x9];
	[sflag:s20] =	ssyncadd.s32 $0xFFFFE000  }
0x104: {  	[hbm4b:s16+s2] =	stream.linear.scatter [tilespmem:s19], [sflag:$0xB], $0x2000, $0x38;
	[tilespmem:$0x1E000] =	vst v63  }
0x105: {  	_ =	swait.ge [sflag:s20], $0x2000  }
0x106: {  	[sflag:s20] =	ssyncset.done $0x0  }
0x107: {  	[sflag:s20] =	ssyncadd.s32 $0xFFFFE000  }
0x108: {  	[tilespmem:s19], [sflag:$0xB] =	stream.linear.gather [spmem:s7], $0x2000, $0x38;
	[tilespmem:$0x1E000] =	vst v63  }
0x109: {  	_ =	swait.ge [sflag:s20], $0x2000  }
0x10a: {  	[sflag:s20] =	ssyncset.done $0x0  }
0x10b: {  	s17 =	rddreg [dreg:$0xa];
	[sflag:s20] =	ssyncadd.s32 $0xFFFFE000  }
0x10c: {  	[hbm4b:s17+s2] =	stream.linear.scatter [tilespmem:s19], [sflag:$0xB], $0x2000, $0x38;
	[tilespmem:$0x1E000] =	vst v63  }
0x10d: {  	_ =	swait.ge [sflag:s20], $0x2000  }
0x10e: {  	[sflag:s20] =	ssyncset.done $0x0  }
0x10f: {  	[sflag:s20] =	ssyncadd.s32 $0xFFFFE000  }
0x110: {  	[tilespmem:s19], [sflag:$0xB] =	stream.linear.gather [spmem:s8], $0x2000, $0x38;
	[tilespmem:$0x1E000] =	vst v63  }
0x111: {  	_ =	swait.ge [sflag:s20], $0x2000  }
0x112: {  	[sflag:s20] =	ssyncset.done $0x0  }
0x113: {  	s16 =	rddreg [dreg:$0xb];
	[sflag:s20] =	ssyncadd.s32 $0xFFFFE000  }
0x114: {  	[hbm4b:s16+s2] =	stream.linear.scatter [tilespmem:s19], [sflag:$0xB], $0x2000, $0x38;
	[tilespmem:$0x1E000] =	vst v63  }
0x115: {  	_ =	swait.ge [sflag:s20], $0x2000  }
0x116: {  	[sflag:s20] =	ssyncset.done $0x0  }
0x117: {  	[sflag:s20] =	ssyncadd.s32 $0xFFFFE000  }
0x118: {  	[tilespmem:s19], [sflag:$0xB] =	stream.linear.gather [spmem:s9], $0x2000, $0x38;
	[tilespmem:$0x1E000] =	vst v63  }
0x119: {  	s14 =	sadd.s32 $0x1, s14;
	_ =	swait.ge [sflag:s20], $0x2000  }
0x11a: {  	p0 =	sne.s32 s14, s18;
	[sflag:s20] =	ssyncset.done $0x0  }
.Ltmp1:
0x11b: {  	s17 =	rddreg [dreg:$0xc];
	[sflag:s20] =	ssyncadd.s32 $0xFFFFE000;
	(pc) =	sbr.rel @p0 .LBB2_1-.Ltmp1, $4  }
0x11c: {  	[hbm4b:s17+s2] =	stream.linear.scatter [tilespmem:s19], [sflag:$0xB], $0x2000, $0x38;
	[tilespmem:$0x1E000] =	vst v63  }
0x11d: {  	_ =	swait.ge [sflag:s20], $0x2000  }
0x11e: {  	[sflag:s20] =	ssyncset.done $0x0  }
0x11f: {  	[sflag:s20] =	ssyncadd.s32 $0xFFFFE000  }
0x120: {  	_ =	sfence.sel $0x180000  }
0x121: {  	[bflag:$0x0] =	sbarrier.arrive $0xFFFF  }
0x122: {  	_ =	strace $0x9000004A  }
0x123: {  	s0 =	stileid.u32;
	[bflag:$0x2] =	sbarrier.arrive $0xFFFF  }
0x124: {  	p0 =	sne.s32 s0, $0x0;
	s0 =	rddreg [dreg:$0x4]  }
0x125: {  	s0 =	sadd.s32 @!p0 $0x100000, s0  }
0x126: {  	[sflag:s0] =	ssyncadd.tile.s32 @!p0 $0x1;
	_ =	shalt  }
.Lfunc_end2:
_tile_overlayer_lowered:
.L_overlay_start_2:
0x127: {  	(tag) =	ssettag $0x2  }
0x128: {  	s0 =	rddreg [dreg:$0x0];
	s2 =	stileid.u32  }
0x129: {  	s1 =	rddreg [dreg:$0x1];
	p0 =	sne.s32 s2, $0x0  }
0x12a: {  	s3 =	rddreg [dreg:$0x2];
	[bflag:$0x3] =	sbarrier.arrive $0xFFFF;
	s2 =	simm.s32 @!p0 $0x1C0B  }
0x12b: {  	[timem:s3], [sflag:s2] =	dma.local @!p0 [hbm:s0], s1  }
0x12c: {  	s0 =	simm.s32 @!p0 $0xB  }
0x12d: {  	_ =	swait.ge @!p0 [sflag:s0], s1  }
0x12e: {  	s1 =	ssub.s32 @!p0 $0x0, s1;
	[sflag:s0] =	ssyncset.done @!p0 $0x0  }
0x12f: {  	[sflag:s0] =	ssyncadd.s32 @!p0 s1  }
0x130: {  	[bflag:$0x3] =	sbarrier.arrive $0xFFFF  }
0x131: {  	_ =	shalt  }

// kernel: kernel.14.cloned.1.call-start
scs
__scs_entry_jumppad:
0x0: {  	(pc) =	sbr.rel $0x88, $3  }
0x1: {  	(tag) =	ssettag $0x0;
	lr =	simm.s32 $0x1  }
0x2: {  	[smem:$0x3F97] =	sst lr;
	_ =	strace $0xD0000000  }
0x3: {  	_ = 	snop  }
0x4: {  	_ = 	snop  }
0x5: {  	_ = 	snop  }
0x6: {  	_ = 	snop  }
0x7: {  	_ = 	snop  }
__scs_overlays_trampoline_lowered:
0x8: {  	[smem:$0x3FA6] =	sst s0  }
0x9: {  	[smem:$0x3FA7] =	sst s1  }
0xa: {  	[smem:$0x3FA8] =	sst s2  }
0xb: {  	[smem:$0x3FA9] =	sst s3  }
0xc: {  	[smem:$0x3FAA] =	sst s4  }
0xd: {  	[smem:$0x3FAB] =	sst s5  }
0xe: {  	[smem:$0x3FAC] =	sst s6  }
0xf: {  	[smem:$0x3FAD] =	sst s7  }
0x10: {  	[smem:$0x3FAE] =	sst s8  }
0x11: {  	[smem:$0x3FAF] =	sst s9;
	s0 =	simm.s32 @!p0 $0x0  }
0x12: {  	s1 =	sld [smem:$0x3F95];
	s0 =	simm.s32 @p0 $0x1  }
0x13: {  	[smem:$0x3FB0] =	sst s0;
	s0 =	simm.s32 @!p1 $0x0  }
0x14: {  	s2 =	sld [smem:$0x3F94];
	s0 =	simm.s32 @p1 $0x1  }
0x15: {  	[smem:$0x3FB1] =	sst s0;
	s0 =	simm.s32 @!p2 $0x0  }
0x16: {  	s3 =	sld [smem:$0x3FDB];
	s0 =	simm.s32 @p2 $0x1  }
0x17: {  	s4 =	simm.s32 $0x1BF5;
	[smem:$0x3FB3] =	sst s0  }
0x18: {  	s0 =	sld [smem:$0x3F96];
	_ =	swait.ge [sflag:s4], $0x0  }
0x19: {  	s7 =	sld [smem:$0x3F97]  }
0x1a: {  	s8 =	sadd.s32 $0xFFFFE003, lr  }
0x1b: {  	s9 =	sadd.s32 $0xFFFFFEF7, lr;
	s5 =	simm.s32 $0xFFFFFFFF;
	p2 =	slt.u32 s8, $0xFFFFF086  }
0x1c: {  	p1 =	slt.u32 s9, $0xF7A;
	s5 =	simm.s32 @!p2 $0x0  }
0x1d: {  	s5 =	simm.s32 @p1 $0x1;
	p0 =	seq.s32 s7, s2  }
0x1e: {  	s7 =	smul.u32 @!p0 $0xF7A, s2;
	p2 =	seq.s32 @!p0 s5, $0x0  }
0x1f: {  	s9 =	smul.u32 $0xF7A, s1;
	s8 =	simm.s32 @!p0 $0x1BF5;
	p2 =	por !p2, p0  }
0x20: {  	[sflag:s8] =	ssyncset.s32 @!p0 $0xFFFFF086;
	s6 =	sadd.s32 @!p0 s3, s7;
	s7 =	simm.s32 @!p0 $0x108  }
0x21: {  	s3 =	sadd.s32 s3, s9;
	s6 =	sadd.s32 @!p0 $0x88, s6;
	s7 =	simm.s32 @p2 $0x1082  }
0x22: {  	[simem:s7], [sflag:s8] =	dma.local @!p0 [hbm:s6], $0xF7A  }
0x23: {  	s9 =	sor.u32 $0xD0000000, s2;
	s6 =	simm.s32 $0x108;
	_ =	swait.ge @!p0 [sflag:s8], $0x0  }
0x24: {  	s3 =	sadd.s32 $0x88, s3;
	s6 =	simm.s32 @!p1 $0x1082;
	[sflag:s4] =	ssyncset.s32 $0xFFFFF086  }
0x25: {  	[simem:s6], [sflag:s4] =	dma.local [hbm:s3], $0xF7A  }
0x26: {  	[smem:$0x3F97] =	sst s1;
	(tag) =	ssettag s2;
	_ =	strace s9  }
0x27: {  	s1 =	sld [smem:$0x3FA7]  }
0x28: {  	s2 =	sld [smem:$0x3FA8]  }
0x29: {  	s4 =	sld [smem:$0x3FAA]  }
0x2a: {  	p0 =	seq.s32 s5, $0x0;
	s5 =	sld [smem:$0x3FAB]  }
0x2b: {  	s6 =	sld [smem:$0x3FAC]  }
0x2c: {  	s7 =	sld [smem:$0x3FAD]  }
0x2d: {  	s3 =	simm.s32 $0x108;
	s8 =	sld [smem:$0x3FAE]  }
0x2e: {  	s3 =	simm.s32 @!p0 $0x1082;
	s9 =	sld [smem:$0x3FAF]  }
0x2f: {  	lr =	sadd.s32 s0, s3;
	s0 =	sld [smem:$0x3FA6]  }
0x30: {  	s3 =	sld [smem:$0x3FA9]  }
0x31: {  	[smem:$0x3FB2] =	sst s10  }
0x32: {  	s10 =	sld [smem:$0x3FB0];
	_ =	sdelay $0x3  }
0x33: {  	p0 =	seq.s32 s10, $0x1;
	s10 =	sld [smem:$0x3FB2];
	_ =	sdelay $0x3  }
0x34: {  	[smem:$0x3FB2] =	sst s10  }
0x35: {  	s10 =	sld [smem:$0x3FB1];
	_ =	sdelay $0x3  }
0x36: {  	p1 =	seq.s32 s10, $0x1;
	s10 =	sld [smem:$0x3FB2];
	_ =	sdelay $0x3  }
0x37: {  	[smem:$0x3FB2] =	sst s10  }
0x38: {  	s10 =	sld [smem:$0x3FB3]  }
0x39: {  	_ = 	snop;
	(pc) =	sbr.ind lr, $3  }
0x3a: {  	_ = 	snop  }
0x3b: {  	_ = 	snop  }
0x3c: {  	p2 =	seq.s32 s10, $0x1;
	s10 =	sld [smem:$0x3FB2]  }
0x3d: {  	_ =	shalt  }
0x3e: {  	_ =	shalt  }
0x3f: {  	_ =	shalt  }
0x40: {  	_ =	shalt  }
0x41: {  	_ =	shalt  }
0x42: {  	_ =	shalt  }
0x43: {  	_ =	shalt  }
0x44: {  	_ =	shalt  }
0x45: {  	_ =	shalt  }
0x46: {  	_ =	shalt  }
0x47: {  	_ =	shalt  }
0x48: {  	_ =	shalt  }
0x49: {  	_ =	shalt  }
0x4a: {  	_ =	shalt  }
0x4b: {  	_ =	shalt  }
0x4c: {  	_ =	shalt  }
0x4d: {  	_ =	shalt  }
0x4e: {  	_ =	shalt  }
0x4f: {  	_ =	shalt  }
0x50: {  	_ =	shalt  }
0x51: {  	_ =	shalt  }
0x52: {  	_ =	shalt  }
0x53: {  	_ =	shalt  }
0x54: {  	_ =	shalt  }
0x55: {  	_ =	shalt  }
0x56: {  	_ =	shalt  }
0x57: {  	_ =	shalt  }
0x58: {  	_ =	shalt  }
0x59: {  	_ =	shalt  }
0x5a: {  	_ =	shalt  }
0x5b: {  	_ =	shalt  }
0x5c: {  	_ =	shalt  }
0x5d: {  	_ =	shalt  }
0x5e: {  	_ =	shalt  }
0x5f: {  	_ =	shalt  }
0x60: {  	_ =	shalt  }
0x61: {  	_ =	shalt  }
0x62: {  	_ =	shalt  }
0x63: {  	_ =	shalt  }
0x64: {  	_ =	shalt  }
0x65: {  	_ =	shalt  }
0x66: {  	_ =	shalt  }
0x67: {  	_ =	shalt  }
0x68: {  	_ =	shalt  }
0x69: {  	_ =	shalt  }
0x6a: {  	_ =	shalt  }
0x6b: {  	_ =	shalt  }
0x6c: {  	_ =	shalt  }
0x6d: {  	_ =	shalt  }
0x6e: {  	_ =	shalt  }
0x6f: {  	_ =	shalt  }
0x70: {  	_ =	shalt  }
0x71: {  	_ =	shalt  }
0x72: {  	_ =	shalt  }
0x73: {  	_ =	shalt  }
0x74: {  	_ =	shalt  }
0x75: {  	_ =	shalt  }
0x76: {  	_ =	shalt  }
0x77: {  	_ =	shalt  }
0x78: {  	_ =	shalt  }
0x79: {  	_ =	shalt  }
0x7a: {  	_ =	shalt  }
0x7b: {  	_ =	shalt  }
0x7c: {  	_ =	shalt  }
0x7d: {  	_ =	shalt  }
0x7e: {  	_ =	shalt  }
0x7f: {  	_ =	shalt  }
0x80: {  	_ =	shalt  }
0x81: {  	_ =	shalt  }
0x82: {  	_ =	shalt  }
0x83: {  	_ =	shalt  }
0x84: {  	_ =	shalt  }
0x85: {  	_ =	shalt  }
0x86: {  	_ =	shalt  }
0x87: {  	_ =	shalt  }
.Lfunc_end0:
.L_simem_size_0:
called_computation.2_lowered:
.L_overlay_start_0:
0x88: {  	s2 =	sld [smem:$0x3FD9]  }
0x89: {  	s3 =	sld [smem:$0x3FFE];
	_ =	sdelay $0x1  }
0x8a: {  	s1 =	srdreg.scid  }
0x8b: {  	s0 =	sand.u32 $0x1, s1  }
0x8c: {  	s14 =	sshll.u32 s0, $0xA;
	s2 =	sadd.s32 s3, s2  }
0x8d: {  	s2 =	sadd.s32 s2, s14  }
0x8e: {  	[smem:$0x3FBE] =	sst s2  }
0x8f: {  	_ = 	snop  }
0x90: {  	s2 =	sld [smem:$0x3FD0];
	_ =	sdelay $0x2  }
0x91: {  	s15 =	simm.s32 $0xA;
	s4 =	simm.s32 $0x10  }
0x92: {  	[smem:s4], [sflag:s15] =	dma.local [hbm:s2], $0x1  }
0x93: {  	_ =	swait.eq [sflag:s15], $0x1  }
0x94: {  	[sflag:s15] =	ssyncset.done $0x0  }
0x95: {  	s16 =	sld [smem:$0x10];
	[sflag:s15] =	ssyncadd.s32 $0xFFFFFFFF  }
0x96: {  	s17 =	sld [smem:$0x11];
	(tm) =	ssettm $0x1  }
0x97: {  	s18 =	sld [smem:$0x3FFB];
	_ =	sdelay $0x3  }
0x98: {  	_ =	strace s18  }
0x99: {  	s4 =	sld [smem:$0x3FFC];
	_ =	sdelay $0x3  }
0x9a: {  	_ =	strace s4  }
0x9b: {  	s4 =	sld [smem:$0x3FFD];
	_ =	sdelay $0x3  }
0x9c: {  	_ =	strace s4  }
0x9d: {  	_ =	strace $0x8FFFFFFF  }
0x9e: {  	s19 =	sld [smem:$0x3FDB];
	_ =	sdelay $0x1  }
0x9f: {  	s5 =	simm.s32 $_scs_section_size  }
0xa0: {  	s6 =	simm.s32 $_size__tile_overlayer_lowered;
	s7 =	simm.s32 $_tile_overlayer_lowered  }
0xa1: {  	s22 =	simm.s32 $0x1BFF;
	s21 =	sshll.u32 s7, $0x1;
	s4 =	sadd.s32 s5, s19  }
0xa2: {  	s8 =	simm.s32 $0x0;
	s20 =	sshll.u32 s6, $0x1;
	s6 =	sadd.s32 s21, s4  }
0xa3: {  	[timem:s8], [sflag:s22] =	dma.local [hbm:s6], s20  }
0xa4: {  	_ =	swait.ge [sflag:s22], s20  }
0xa5: {  	s5 =	ssub.s32 $0x0, s20;
	[sflag:s22] =	ssyncset.done $0x0  }
0xa6: {  	[sflag:s22] =	ssyncadd.s32 s5;
	_ =	sdelay $0x1  }
0xa7: {  	s23 =	simm.s32 $0x1B8B  }
0xa8: {  	_ =	swait.ge [sflag:s23], $0x1  }
0xa9: {  	[sflag:s23] =	ssyncset.done $0x0  }
0xaa: {  	s25 =	simm.s32 $0x1B8E;
	s24 =	sld [smem:$0x3FFE];
	[sflag:s23] =	ssyncadd.s32 $0xFFFFFFFF  }
0xab: {  	s26 =	simm.s32 $execute0_lowered;
	[smem:$0x3FD2] =	sst s25  }
0xac: {  	s6 =	sshll.u32 s26, $0x1;
	_ =	strace $0x8000004C;
	[dreg:$0x1] =	wrdreg $0xFFFFFFFF  }
0xad: {  	s28 =	simm.s32 $_size_execute0_lowered;
	s4 =	sadd.s32 s4, s6;
	[dreg:$0x0] =	wrdreg $0x0  }
0xae: {  	s6 =	sshll.u32 s28, $0x1;
	[dreg:$0x2] =	wrdreg s4  }
0xaf: {  	[dreg:$0x3] =	wrdreg s6  }
0xb0: {  	[dreg:$0x4] =	wrdreg $0xC0  }
0xb1: {  	_ =	task [dreg:s8], $0x5FFFF  }
0xb2: {  	[dreg:$0x1] =	wrdreg $0xFFFFFFFF  }
0xb3: {  	[dreg:$0x0] =	wrdreg $0x60  }
0xb4: {  	[dreg:$0x2] =	wrdreg s24  }
0xb5: {  	[dreg:$0x3] =	wrdreg s17  }
0xb6: {  	[dreg:$0x4] =	wrdreg s16  }
0xb7: {  	[dreg:$0x5] =	wrdreg $0xF0000  }
0xb8: {  	[dreg:$0x6] =	wrdreg $0x9  }
0xb9: {  	_ =	task.clear_ibuf [dreg:s8], $0x7FFFF;
	_ =	strace $0x9000004C  }
0xba: {  	s29 =	simm.s32 $0x9;
	_ =	strace $0x8000004E  }
0xbb: {  	_ =	swait.ge [sflag:s29], $0x1  }
0xbc: {  	[sflag:s29] =	ssyncadd.s32 $0xFFFFFFFF  }
0xbd: {  	_ =	strace $0x9000004E  }
0xbe: {  	_ =	sfence  }
0xbf: {  	s30 =	sld [smem:$0x0];
	_ =	sdelay $0x2  }
0xc0: {  	s31 =	sshll.u32 s1, $0xD;
	s1 =	sshrl.u32 s1, $0x2  }
0xc1: {  	s3 =	sand.u32 $0x4000, s31;
	s1 =	sadd.s32 s1, s30  }
0xc2: {  	s0 =	sor.u32 s3, s0;
	s1 =	sshll.u32 s1, $0x11  }
0xc3: {  	s0 =	sor.u32 s1, s0  }
0xc4: {  	s0 =	sadd.s32 $0x8F2B, s0  }
0xc5: {  	[sflag:s0] =	ssyncadd.remote.s32 $0x1  }
0xc6: {  	_ =	sfence.sel $0xFFFF  }
0xc7: {  	[dreg:$0x0] =	wrdreg $0xFFFFFFFF;
	(pc) =	sbr.abs _section_cstart, $3  }
0xc8: {  	[dreg:$0x1] =	wrdreg $0xFFFFFFFF  }
0xc9: {  	_ =	task.clear_ibuf [dreg:s8], $0x2FFFF;
	_ =	strace $0x9FFFFFFF  }
0xca: {  	(tm) =	ssettm $0x7FFFFFFF  }
0xcb: {  	_ =	shalt  }
tec
execute0_lowered:
.L_overlay_start_1:
0x0: {  	(tag) =	ssettag $0x1  }
0x1: {  	s0 =	rddreg [dreg:$0x0]  }
0x2: {  	s3 =	rddreg [dreg:$0x1]  }
0x3: {  	s5 =	rddreg [dreg:$0x2]  }
0x4: {  	s1 =	rddreg [dreg:$0x3];
	s2 =	simm.s32 $0x0;
	s4 =	srdreg.scid  }
0x5: {  	s16 =	stileid.u32;
	s28 =	simm.s32 $0xB000;
	s30 =	simm.s32 $0xD000  }
0x6: {  	s31 =	simm.s32 $0x1;
	s29 =	simm.s32 $0x7;
	[smem:$0x7FF] =	sst s2  }
0x7: {  	s9 =	sand.u32 $0x1, s4;
	s4 =	sadd.s32 $0x2600, s0;
	s11 =	smul.u32 $0xA000, s16  }
0x8: {  	s8 =	sadd.s32 $0xA2600, s0;
	s0 =	sadd.s32 $0x16600, s0;
	_ =	strace $0x8000004D  }
0x9: {  	s6 =	ssub.s32 $0x2, s9;
	[dreg:$0x5] =	wrdreg s8;
	s10 =	sshll.u32 s9, $0x4  }
0xa: {  	s19 =	smul.u32 $0xA0000, s9;
	s7 =	sshrl.u32 s6, $0x1;
	s13 =	sadd.s32 $0x2000, s11  }
0xb: {  	s14 =	sadd.s32 $0x4000, s11;
	s15 =	sadd.s32 $0x6000, s11;
	s10 =	sor.u32 s16, s10  }
0xc: {  	s17 =	sadd.s32 $0x8000, s11;
	s12 =	ssub.s32 s6, s7;
	s6 =	sadd.s32 s11, s1  }
0xd: {  	s7 =	sadd.s32 s13, s1;
	s8 =	sadd.s32 s14, s1;
	s9 =	sadd.s32 s15, s1  }
0xe: {  	s18 =	smul.u32 $0x500, s10;
	s10 =	sadd.s32 s17, s1;
	s11 =	sadd.s32 s11, s19  }
0xf: {  	s13 =	sadd.s32 s19, s13;
	s23 =	sadd.s32 s19, s14;
	s24 =	sadd.s32 s19, s15  }
0x10: {  	s25 =	sadd.s32 s19, s17;
	s19 =	simm.s32 $0x5000;
	s14 =	simm.s32 $0x0  }
0x11: {  	s20 =	sshrl.u32 s11, $0x3;
	s21 =	sshrl.u32 s13, $0x3;
	s11 =	sshrl.u32 s25, $0x3  }
0x12: {  	s25 =	simm.s32 $0x9000;
	s13 =	simm.s32 $0x2780;
	s3 =	sadd.s32 s3, s18  }
0x13: {  	s5 =	sadd.s32 s5, s18;
	s22 =	sadd.s32 s0, s21;
	[dreg:$0x6] =	wrdreg s3  }
0x14: {  	s18 =	smax.u32 s12, $0x1;
	s21 =	simm.s32 $0x4;
	[dreg:$0x7] =	wrdreg s5  }
0x15: {  	s12 =	simm.s32 $0xA;
	s3 =	sadd.s32 s0, s20;
	[dreg:$0x9] =	wrdreg s22  }
0x16: {  	s5 =	sshrl.u32 s24, $0x3;
	s20 =	simm.s32 $0xB;
	s22 =	simm.s32 $0x80  }
0x17: {  	s24 =	simm.s32 $0x5;
	[dreg:$0x8] =	wrdreg s3;
	s3 =	sshrl.u32 s23, $0x3  }
0x18: {  	s26 =	sadd.s32 s0, s5;
	s23 =	simm.s32 $0x7000;
	s5 =	simm.s32 $0x8  }
0x19: {  	s3 =	sadd.s32 s0, s3;
	[dreg:$0xb] =	wrdreg s26;
	s0 =	sadd.s32 s0, s11  }
0x1a: {  	s26 =	simm.s32 $0x6;
	s11 =	simm.s32 $0x9;
	[dreg:$0xa] =	wrdreg s3  }
0x1b: {  	[dreg:$0xc] =	wrdreg s0;
	s0 =	simm.s32 $0x2;
	s3 =	simm.s32 $0x3  }
.LBB2_1:
0x1c: {  	s15 =	rddreg [dreg:$0x5]  }
0x1d: {  	[tilespmem:s19], [sflag:$0xB] =	stream.linear.gather [hbm4b:s15+s2], $0x2000, $0x38;
	[tilespmem:$0x19000] =	vst v63  }
0x1e: {  	_ =	swait.ge [sflag:s20], $0x2000  }
0x1f: {  	[sflag:s20] =	ssyncset.done $0x0  }
0x20: {  	[sflag:s20] =	ssyncadd.s32 $0xFFFFE000  }
0x21: {  	[spmem:s6] =	stream.linear.scatter [tilespmem:s19], [sflag:$0xB], $0x2000, $0x38;
	[tilespmem:$0x19000] =	vst v63  }
0x22: {  	_ =	swait.ge [sflag:s20], $0x2000  }
0x23: {  	[sflag:s20] =	ssyncset.done $0x0  }
0x24: {  	[sflag:s20] =	ssyncadd.s32 $0xFFFFE000  }
0x25: {  	[spmem:s7] =	stream.linear.scatter [tilespmem:s19], [sflag:$0xB], $0x2000, $0x38;
	[tilespmem:$0x19000] =	vst v63  }
0x26: {  	_ =	swait.ge [sflag:s20], $0x2000  }
0x27: {  	[sflag:s20] =	ssyncset.done $0x0  }
0x28: {  	[sflag:s20] =	ssyncadd.s32 $0xFFFFE000  }
0x29: {  	[spmem:s8] =	stream.linear.scatter [tilespmem:s19], [sflag:$0xB], $0x2000, $0x38;
	[tilespmem:$0x19000] =	vst v63  }
0x2a: {  	_ =	swait.ge [sflag:s20], $0x2000  }
0x2b: {  	[sflag:s20] =	ssyncset.done $0x0  }
0x2c: {  	[sflag:s20] =	ssyncadd.s32 $0xFFFFE000  }
0x2d: {  	[spmem:s9] =	stream.linear.scatter [tilespmem:s19], [sflag:$0xB], $0x2000, $0x38;
	[tilespmem:$0x19000] =	vst v63  }
0x2e: {  	_ =	swait.ge [sflag:s20], $0x2000  }
0x2f: {  	[sflag:s20] =	ssyncset.done $0x0  }
0x30: {  	[sflag:s20] =	ssyncadd.s32 $0xFFFFE000  }
0x31: {  	[spmem:s10] =	stream.linear.scatter [tilespmem:s19], [sflag:$0xB], $0x2000, $0x38;
	[tilespmem:$0x19000] =	vst v63  }
0x32: {  	_ =	swait.ge [sflag:s20], $0x2000  }
0x33: {  	[sflag:s20] =	ssyncset.done $0x0  }
0x34: {  	[sflag:s20] =	ssyncadd.s32 $0xFFFFE000  }
0x35: {  	[bflag:$0x0] =	sbarrier.arrive $0xFFFF  }
0x36: {  	s16 =	rddreg [dreg:$0x6]  }
0x37: {  	[tilespmem:s2], [sflag:$0xB] =	stream.linear.gather [hbm4b:s16+s2], $0x2800, $0x38;
	[tilespmem:$0x19000] =	vst v63  }
0x38: {  	_ =	swait.ge [sflag:s20], $0x2800  }
0x39: {  	[sflag:s20] =	ssyncset.done $0x0  }
0x3a: {  	s16 =	simm.s32 $0x2800;
	s17 =	rddreg [dreg:$0x7];
	[sflag:s20] =	ssyncadd.s32 $0xFFFFD800  }
0x3b: {  	[tilespmem:s16], [sflag:$0xB] =	stream.linear.gather [hbm4b:s17+s2], $0x2800, $0x38;
	[tilespmem:$0x19000] =	vst v63  }
0x3c: {  	_ =	swait.ge [sflag:s20], $0x2800  }
0x3d: {  	[sflag:s20] =	ssyncset.done $0x0  }
0x3e: {  	[sflag:s20] =	ssyncadd.s32 $0xFFFFD800  }
0x3f: {  	[tilespmem:s19], [sflag:$0x1] =	stream.indirect.gather [hbm4b:s4+s22], $0x40, s2, s22, $0xb8;
	[tilespmem:$0x19000] =	vst v63  }
0x40: {  	_ = 	snop  }
0x41: {  	[tilespmem:s23], [sflag:$0x2] =	stream.indirect.gather [hbm4b:s4+s22], $0x40, s22, s22, $0xb8;
	[tilespmem:$0x19000] =	vst v63  }
0x42: {  	s16 =	simm.s32 $0x100  }
0x43: {  	[tilespmem:s25], [sflag:$0x3] =	stream.indirect.gather [hbm4b:s4+s22], $0x40, s16, s22, $0xb8;
	[tilespmem:$0x19000] =	vst v63  }
0x44: {  	s17 =	simm.s32 $0x180  }
0x45: {  	[tilespmem:s28], [sflag:$0x4] =	stream.indirect.gather [hbm4b:s4+s22], $0x40, s17, s22, $0xb8;
	[tilespmem:$0x19000] =	vst v63  }
0x46: {  	s16 =	simm.s32 $0x200  }
0x47: {  	[tilespmem:s30], [sflag:$0x5] =	stream.indirect.gather [hbm4b:s4+s22], $0x40, s16, s22, $0xb8;
	[tilespmem:$0x19000] =	vst v63  }
0x48: {  	_ =	swait.ge [sflag:s31], $0x2000  }
0x49: {  	[sflag:s31] =	ssyncset.done $0x0  }
0x4a: {  	s17 =	simm.s32 $0x2800;
	[sflag:s31] =	ssyncadd.s32 $0xFFFFE000  }
0x4b: {  	[spmem:s1] =	stream.indirect.scatter.add.f32 [tilespmem:s19], [sflag:$0x6], $0x40, s17, s22, $0xb8;
	[tilespmem:$0x19000] =	vst v63  }
0x4c: {  	_ =	swait.ge [sflag:s0], $0x2000  }
0x4d: {  	[sflag:s0] =	ssyncset.done $0x0  }
0x4e: {  	s16 =	simm.s32 $0x2880;
	[sflag:s0] =	ssyncadd.s32 $0xFFFFE000  }
0x4f: {  	[spmem:s1] =	stream.indirect.scatter.add.f32 [tilespmem:s23], [sflag:$0x7], $0x40, s16, s22, $0xb8;
	[tilespmem:$0x19000] =	vst v63  }
0x50: {  	_ =	swait.ge [sflag:s3], $0x2000  }
0x51: {  	[sflag:s3] =	ssyncset.done $0x0  }
0x52: {  	s17 =	simm.s32 $0x2900;
	[sflag:s3] =	ssyncadd.s32 $0xFFFFE000  }
0x53: {  	[spmem:s1] =	stream.indirect.scatter.add.f32 [tilespmem:s25], [sflag:$0x8], $0x40, s17, s22, $0xb8;
	[tilespmem:$0x19000] =	vst v63  }
0x54: {  	_ =	swait.ge [sflag:s21], $0x2000  }
0x55: {  	[sflag:s21] =	ssyncset.done $0x0  }
0x56: {  	s16 =	simm.s32 $0x2980;
	[sflag:s21] =	ssyncadd.s32 $0xFFFFE000  }
0x57: {  	[spmem:s1] =	stream.indirect.scatter.add.f32 [tilespmem:s28], [sflag:$0x9], $0x40, s16, s22, $0xb8;
	[tilespmem:$0x19000] =	vst v63  }
0x58: {  	_ =	swait.ge [sflag:s24], $0x2000  }
0x59: {  	[sflag:s24] =	ssyncset.done $0x0  }
0x5a: {  	s17 =	simm.s32 $0x2A00;
	[sflag:s24] =	ssyncadd.s32 $0xFFFFE000  }
0x5b: {  	[spmem:s1] =	stream.indirect.scatter.add.f32 [tilespmem:s30], [sflag:$0xA], $0x40, s17, s22, $0xb8;
	[tilespmem:$0x19000] =	vst v63  }
0x5c: {  	_ =	swait.ge [sflag:s26], $0x2000  }
0x5d: {  	[sflag:s26] =	ssyncset.done $0x0  }
0x5e: {  	s16 =	simm.s32 $0x280;
	[sflag:s26] =	ssyncadd.s32 $0xFFFFE000  }
0x5f: {  	[tilespmem:s19], [sflag:$0x1] =	stream.indirect.gather [hbm4b:s4+s22], $0x40, s16, s22, $0xb8;
	[tilespmem:$0x19000] =	vst v63  }
0x60: {  	_ =	swait.ge [sflag:s29], $0x2000  }
0x61: {  	[sflag:s29] =	ssyncset.done $0x0  }
0x62: {  	s17 =	simm.s32 $0x300;
	[sflag:s29] =	ssyncadd.s32 $0xFFFFE000  }
0x63: {  	[tilespmem:s23], [sflag:$0x2] =	stream.indirect.gather [hbm4b:s4+s22], $0x40, s17, s22, $0xb8;
	[tilespmem:$0x19000] =	vst v63  }
0x64: {  	_ =	swait.ge [sflag:s5], $0x2000  }
0x65: {  	[sflag:s5] =	ssyncset.done $0x0  }
0x66: {  	s16 =	simm.s32 $0x380;
	[sflag:s5] =	ssyncadd.s32 $0xFFFFE000  }
0x67: {  	[tilespmem:s25], [sflag:$0x3] =	stream.indirect.gather [hbm4b:s4+s22], $0x40, s16, s22, $0xb8;
	[tilespmem:$0x19000] =	vst v63  }
0x68: {  	_ =	swait.ge [sflag:s11], $0x2000  }
0x69: {  	[sflag:s11] =	ssyncset.done $0x0  }
0x6a: {  	s17 =	simm.s32 $0x400;
	[sflag:s11] =	ssyncadd.s32 $0xFFFFE000  }
0x6b: {  	[tilespmem:s28], [sflag:$0x4] =	stream.indirect.gather [hbm4b:s4+s22], $0x40, s17, s22, $0xb8;
	[tilespmem:$0x19000] =	vst v63  }
0x6c: {  	_ =	swait.ge [sflag:s12], $0x2000  }
0x6d: {  	[sflag:s12] =	ssyncset.done $0x0  }
0x6e: {  	s15 =	simm.s32 $0xA00;
	s16 =	simm.s32 $0x480;
	[sflag:s12] =	ssyncadd.s32 $0xFFFFE000  }
.LBB2_2:
0x6f: {  	[tilespmem:s30], [sflag:$0x5] =	stream.indirect.gather [hbm4b:s4+s22], $0x40, s16, s22, $0xb8;
	[tilespmem:$0x19000] =	vst v63  }
0x70: {  	s16 =	smov.u32 s15;
	s15 =	sadd.s32 $0xA00, s15;
	_ =	swait.ge [sflag:s31], $0x2000  }
0x71: {  	s16 =	sshra.s32 s16, $0x2;
	p0 =	sne.s32 s15, $0x8C00;
	[sflag:s31] =	ssyncset.done $0x0  }
0x72: {  	s17 =	sadd.s32 $0x2800, s16;
	[sflag:s31] =	ssyncadd.s32 $0xFFFFE000  }
0x73: {  	[spmem:s1] =	stream.indirect.scatter.add.f32 [tilespmem:s19], [sflag:$0x6], $0x40, s17, s22, $0xb8;
	[tilespmem:$0x19000] =	vst v63  }
0x74: {  	_ =	swait.ge [sflag:s0], $0x2000  }
0x75: {  	[sflag:s0] =	ssyncset.done $0x0  }
0x76: {  	s17 =	sadd.s32 $0x2880, s16;
	[sflag:s0] =	ssyncadd.s32 $0xFFFFE000  }
0x77: {  	[spmem:s1] =	stream.indirect.scatter.add.f32 [tilespmem:s23], [sflag:$0x7], $0x40, s17, s22, $0xb8;
	[tilespmem:$0x19000] =	vst v63  }
0x78: {  	_ =	swait.ge [sflag:s3], $0x2000  }
0x79: {  	[sflag:s3] =	ssyncset.done $0x0  }
0x7a: {  	s17 =	sadd.s32 $0x2900, s16;
	[sflag:s3] =	ssyncadd.s32 $0xFFFFE000  }
0x7b: {  	[spmem:s1] =	stream.indirect.scatter.add.f32 [tilespmem:s25], [sflag:$0x8], $0x40, s17, s22, $0xb8;
	[tilespmem:$0x19000] =	vst v63  }
0x7c: {  	_ =	swait.ge [sflag:s21], $0x2000  }
0x7d: {  	[sflag:s21] =	ssyncset.done $0x0  }
0x7e: {  	s17 =	sadd.s32 $0x2980, s16;
	[sflag:s21] =	ssyncadd.s32 $0xFFFFE000  }
0x7f: {  	[spmem:s1] =	stream.indirect.scatter.add.f32 [tilespmem:s28], [sflag:$0x9], $0x40, s17, s22, $0xb8;
	[tilespmem:$0x19000] =	vst v63  }
0x80: {  	_ =	swait.ge [sflag:s24], $0x2000  }
0x81: {  	[sflag:s24] =	ssyncset.done $0x0  }
0x82: {  	s17 =	sadd.s32 $0x2A00, s16;
	[sflag:s24] =	ssyncadd.s32 $0xFFFFE000  }
0x83: {  	[spmem:s1] =	stream.indirect.scatter.add.f32 [tilespmem:s30], [sflag:$0xA], $0x40, s17, s22, $0xb8;
	[tilespmem:$0x19000] =	vst v63  }
0x84: {  	_ =	swait.ge [sflag:s26], $0x2000  }
0x85: {  	[sflag:s26] =	ssyncset.done $0x0  }
0x86: {  	s17 =	sadd.s32 $0x280, s16;
	[sflag:s26] =	ssyncadd.s32 $0xFFFFE000  }
0x87: {  	[tilespmem:s19], [sflag:$0x1] =	stream.indirect.gather [hbm4b:s4+s22], $0x40, s17, s22, $0xb8;
	[tilespmem:$0x19000] =	vst v63  }
0x88: {  	_ =	swait.ge [sflag:s29], $0x2000  }
0x89: {  	[sflag:s29] =	ssyncset.done $0x0  }
0x8a: {  	s17 =	sadd.s32 $0x300, s16;
	[sflag:s29] =	ssyncadd.s32 $0xFFFFE000  }
0x8b: {  	[tilespmem:s23], [sflag:$0x2] =	stream.indirect.gather [hbm4b:s4+s22], $0x40, s17, s22, $0xb8;
	[tilespmem:$0x19000] =	vst v63  }
0x8c: {  	_ =	swait.ge [sflag:s5], $0x2000  }
0x8d: {  	[sflag:s5] =	ssyncset.done $0x0  }
0x8e: {  	s17 =	sadd.s32 $0x380, s16;
	[sflag:s5] =	ssyncadd.s32 $0xFFFFE000  }
0x8f: {  	[tilespmem:s25], [sflag:$0x3] =	stream.indirect.gather [hbm4b:s4+s22], $0x40, s17, s22, $0xb8;
	[tilespmem:$0x19000] =	vst v63  }
0x90: {  	_ =	swait.ge [sflag:s11], $0x2000  }
0x91: {  	[sflag:s11] =	ssyncset.done $0x0  }
.Ltmp0:
0x92: {  	s17 =	sadd.s32 $0x400, s16;
	[sflag:s11] =	ssyncadd.s32 $0xFFFFE000;
	(pc) =	sbr.rel @p0 .LBB2_2-.Ltmp0, $4  }
0x93: {  	[tilespmem:s28], [sflag:$0x4] =	stream.indirect.gather [hbm4b:s4+s22], $0x40, s17, s22, $0xb8;
	[tilespmem:$0x19000] =	vst v63  }
0x94: {  	_ =	swait.ge [sflag:s12], $0x2000  }
0x95: {  	[sflag:s12] =	ssyncset.done $0x0  }
0x96: {  	s16 =	sadd.s32 $0x480, s16;
	[sflag:s12] =	ssyncadd.s32 $0xFFFFE000  }
0x97: {  	[tilespmem:s30], [sflag:$0x5] =	stream.indirect.gather [hbm4b:s4+s22], $0x40, s16, s22, $0xb8;
	[tilespmem:$0x19000] =	vst v63  }
0x98: {  	_ =	swait.ge [sflag:s31], $0x2000  }
0x99: {  	s15 =	sshra.s32 s15, $0x2;
	[sflag:s31] =	ssyncset.done $0x0  }
0x9a: {  	s17 =	sadd.s32 $0x2800, s15;
	[sflag:s31] =	ssyncadd.s32 $0xFFFFE000  }
0x9b: {  	[spmem:s1] =	stream.indirect.scatter.add.f32 [tilespmem:s19], [sflag:$0x6], $0x40, s17, s22, $0xb8;
	[tilespmem:$0x19000] =	vst v63  }
0x9c: {  	_ =	swait.ge [sflag:s0], $0x2000  }
0x9d: {  	[sflag:s0] =	ssyncset.done $0x0  }
0x9e: {  	s17 =	sadd.s32 $0x2880, s15;
	[sflag:s0] =	ssyncadd.s32 $0xFFFFE000  }
0x9f: {  	[spmem:s1] =	stream.indirect.scatter.add.f32 [tilespmem:s23], [sflag:$0x7], $0x40, s17, s22, $0xb8;
	[tilespmem:$0x19000] =	vst v63  }
0xa0: {  	_ =	swait.ge [sflag:s3], $0x2000  }
0xa1: {  	[sflag:s3] =	ssyncset.done $0x0  }
0xa2: {  	s17 =	sadd.s32 $0x2900, s15;
	[sflag:s3] =	ssyncadd.s32 $0xFFFFE000  }
0xa3: {  	[spmem:s1] =	stream.indirect.scatter.add.f32 [tilespmem:s25], [sflag:$0x8], $0x40, s17, s22, $0xb8;
	[tilespmem:$0x19000] =	vst v63  }
0xa4: {  	_ =	swait.ge [sflag:s21], $0x2000  }
0xa5: {  	[sflag:s21] =	ssyncset.done $0x0  }
0xa6: {  	s17 =	sadd.s32 $0x2980, s15;
	[sflag:s21] =	ssyncadd.s32 $0xFFFFE000  }
0xa7: {  	[spmem:s1] =	stream.indirect.scatter.add.f32 [tilespmem:s28], [sflag:$0x9], $0x40, s17, s22, $0xb8;
	[tilespmem:$0x19000] =	vst v63  }
0xa8: {  	_ =	swait.ge [sflag:s24], $0x2000  }
0xa9: {  	[sflag:s24] =	ssyncset.done $0x0  }
0xaa: {  	s15 =	sadd.s32 $0x2A00, s15;
	[sflag:s24] =	ssyncadd.s32 $0xFFFFE000  }
0xab: {  	[spmem:s1] =	stream.indirect.scatter.add.f32 [tilespmem:s30], [sflag:$0xA], $0x40, s15, s22, $0xb8;
	[tilespmem:$0x19000] =	vst v63  }
0xac: {  	_ =	swait.ge [sflag:s26], $0x2000  }
0xad: {  	[sflag:s26] =	ssyncset.done $0x0  }
0xae: {  	s16 =	simm.s32 $0x2580;
	[sflag:s26] =	ssyncadd.s32 $0xFFFFE000  }
0xaf: {  	[tilespmem:s19], [sflag:$0x1] =	stream.indirect.gather [hbm4b:s4+s22], $0x40, s16, s22, $0xb8;
	[tilespmem:$0x19000] =	vst v63  }
0xb0: {  	_ =	swait.ge [sflag:s29], $0x2000  }
0xb1: {  	[sflag:s29] =	ssyncset.done $0x0  }
0xb2: {  	s17 =	simm.s32 $0x2600;
	[sflag:s29] =	ssyncadd.s32 $0xFFFFE000  }
0xb3: {  	[tilespmem:s23], [sflag:$0x2] =	stream.indirect.gather [hbm4b:s4+s22], $0x40, s17, s22, $0xb8;
	[tilespmem:$0x19000] =	vst v63  }
0xb4: {  	_ =	swait.ge [sflag:s5], $0x2000  }
0xb5: {  	[sflag:s5] =	ssyncset.done $0x0  }
0xb6: {  	s16 =	simm.s32 $0x2680;
	[sflag:s5] =	ssyncadd.s32 $0xFFFFE000  }
0xb7: {  	[tilespmem:s25], [sflag:$0x3] =	stream.indirect.gather [hbm4b:s4+s22], $0x40, s16, s22, $0xb8;
	[tilespmem:$0x19000] =	vst v63  }
0xb8: {  	_ =	swait.ge [sflag:s11], $0x2000  }
0xb9: {  	[sflag:s11] =	ssyncset.done $0x0  }
0xba: {  	s17 =	simm.s32 $0x2700;
	[sflag:s11] =	ssyncadd.s32 $0xFFFFE000  }
0xbb: {  	[tilespmem:s28], [sflag:$0x4] =	stream.indirect.gather [hbm4b:s4+s22], $0x40, s17, s22, $0xb8;
	[tilespmem:$0x19000] =	vst v63  }
0xbc: {  	_ =	swait.ge [sflag:s12], $0x2000  }
0xbd: {  	[sflag:s12] =	ssyncset.done $0x0  }
0xbe: {  	[sflag:s12] =	ssyncadd.s32 $0xFFFFE000  }
0xbf: {  	[tilespmem:s30], [sflag:$0x5] =	stream.indirect.gather [hbm4b:s4+s22], $0x40, s13, s22, $0xb8;
	[tilespmem:$0x19000] =	vst v63  }
0xc0: {  	_ =	swait.ge [sflag:s31], $0x2000  }
0xc1: {  	[sflag:s31] =	ssyncset.done $0x0  }
0xc2: {  	s16 =	simm.s32 $0x4D80;
	[sflag:s31] =	ssyncadd.s32 $0xFFFFE000  }
0xc3: {  	[spmem:s1] =	stream.indirect.scatter.add.f32 [tilespmem:s19], [sflag:$0x6], $0x40, s16, s22, $0xb8;
	[tilespmem:$0x19000] =	vst v63  }
0xc4: {  	_ =	swait.ge [sflag:s0], $0x2000  }
0xc5: {  	[sflag:s0] =	ssyncset.done $0x0  }
0xc6: {  	s17 =	simm.s32 $0x4E00;
	[sflag:s0] =	ssyncadd.s32 $0xFFFFE000  }
0xc7: {  	[spmem:s1] =	stream.indirect.scatter.add.f32 [tilespmem:s23], [sflag:$0x7], $0x40, s17, s22, $0xb8;
	[tilespmem:$0x19000] =	vst v63  }
0xc8: {  	_ =	swait.ge [sflag:s3], $0x2000  }
0xc9: {  	[sflag:s3] =	ssyncset.done $0x0  }
0xca: {  	s16 =	simm.s32 $0x4E80;
	[sflag:s3] =	ssyncadd.s32 $0xFFFFE000  }
0xcb: {  	[spmem:s1] =	stream.indirect.scatter.add.f32 [tilespmem:s25], [sflag:$0x8], $0x40, s16, s22, $0xb8;
	[tilespmem:$0x19000] =	vst v63  }
0xcc: {  	_ =	swait.ge [sflag:s21], $0x2000  }
0xcd: {  	[sflag:s21] =	ssyncset.done $0x0  }
0xce: {  	s17 =	simm.s32 $0x4F00;
	[sflag:s21] =	ssyncadd.s32 $0xFFFFE000  }
0xcf: {  	[spmem:s1] =	stream.indirect.scatter.add.f32 [tilespmem:s28], [sflag:$0x9], $0x40, s17, s22, $0xb8;
	[tilespmem:$0x19000] =	vst v63  }
0xd0: {  	_ =	swait.ge [sflag:s24], $0x2000  }
0xd1: {  	[sflag:s24] =	ssyncset.done $0x0  }
0xd2: {  	s16 =	simm.s32 $0x4F80;
	[sflag:s24] =	ssyncadd.s32 $0xFFFFE000  }
0xd3: {  	[spmem:s1] =	stream.indirect.scatter.add.f32 [tilespmem:s30], [sflag:$0xA], $0x40, s16, s22, $0xb8;
	[tilespmem:$0x19000] =	vst v63  }
0xd4: {  	_ =	swait.ge [sflag:s26], $0x2000  }
0xd5: {  	[sflag:s26] =	ssyncset.done $0x0  }
0xd6: {  	[sflag:s26] =	ssyncadd.s32 $0xFFFFE000  }
0xd7: {  	[tilespmem:s19], [sflag:$0x1] =	stream.indirect.gather [hbm4b:s4+s22], $0x40, s13, s22, $0xb8;
	[tilespmem:$0x19000] =	vst v63  }
0xd8: {  	_ =	swait.ge [sflag:s29], $0x2000  }
0xd9: {  	[sflag:s29] =	ssyncset.done $0x0  }
0xda: {  	[sflag:s29] =	ssyncadd.s32 $0xFFFFE000  }
0xdb: {  	[tilespmem:s23], [sflag:$0x2] =	stream.indirect.gather [hbm4b:s4+s22], $0x40, s13, s22, $0xb8;
	[tilespmem:$0x19000] =	vst v63  }
0xdc: {  	_ =	swait.ge [sflag:s5], $0x2000  }
0xdd: {  	[sflag:s5] =	ssyncset.done $0x0  }
0xde: {  	[sflag:s5] =	ssyncadd.s32 $0xFFFFE000  }
0xdf: {  	[tilespmem:s25], [sflag:$0x3] =	stream.indirect.gather [hbm4b:s4+s22], $0x40, s13, s22, $0xb8;
	[tilespmem:$0x19000] =	vst v63  }
0xe0: {  	_ =	swait.ge [sflag:s11], $0x2000  }
0xe1: {  	[sflag:s11] =	ssyncset.done $0x0  }
0xe2: {  	[sflag:s11] =	ssyncadd.s32 $0xFFFFE000  }
0xe3: {  	[tilespmem:s28], [sflag:$0x4] =	stream.indirect.gather [hbm4b:s4+s22], $0x40, s13, s22, $0xb8;
	[tilespmem:$0x19000] =	vst v63  }
0xe4: {  	_ =	swait.ge [sflag:s12], $0x2000  }
0xe5: {  	[sflag:s12] =	ssyncset.done $0x0  }
0xe6: {  	[sflag:s12] =	ssyncadd.s32 $0xFFFFE000  }
0xe7: {  	[tilespmem:s30], [sflag:$0x5] =	stream.indirect.gather [hbm4b:s4+s22], $0x40, s13, s22, $0xb8;
	[tilespmem:$0x19000] =	vst v63  }
0xe8: {  	_ =	swait.ge [sflag:s31], $0x2000  }
0xe9: {  	[sflag:s31] =	ssyncset.done $0x0  }
0xea: {  	[sflag:s31] =	ssyncadd.s32 $0xFFFFE000  }
0xeb: {  	_ =	swait.ge [sflag:s0], $0x2000  }
0xec: {  	[sflag:s0] =	ssyncset.done $0x0  }
0xed: {  	[sflag:s0] =	ssyncadd.s32 $0xFFFFE000  }
0xee: {  	_ =	swait.ge [sflag:s3], $0x2000  }
0xef: {  	[sflag:s3] =	ssyncset.done $0x0  }
0xf0: {  	[sflag:s3] =	ssyncadd.s32 $0xFFFFE000  }
0xf1: {  	_ =	swait.ge [sflag:s21], $0x2000  }
0xf2: {  	[sflag:s21] =	ssyncset.done $0x0  }
0xf3: {  	[sflag:s21] =	ssyncadd.s32 $0xFFFFE000  }
0xf4: {  	_ =	swait.ge [sflag:s24], $0x2000  }
0xf5: {  	[sflag:s24] =	ssyncset.done $0x0  }
0xf6: {  	[sflag:s24] =	ssyncadd.s32 $0xFFFFE000  }
0xf7: {  	[bflag:$0x0] =	sbarrier.arrive $0xFFFF  }
0xf8: {  	[tilespmem:s19], [sflag:$0xB] =	stream.linear.gather [spmem:s6], $0x2000, $0x38;
	[tilespmem:$0x19000] =	vst v63  }
0xf9: {  	_ =	swait.ge [sflag:s20], $0x2000  }
0xfa: {  	[sflag:s20] =	ssyncset.done $0x0  }
0xfb: {  	s17 =	rddreg [dreg:$0x8];
	[sflag:s20] =	ssyncadd.s32 $0xFFFFE000  }
0xfc: {  	[hbm4b:s17+s2] =	stream.linear.scatter [tilespmem:s19], [sflag:$0xB], $0x2000, $0x38;
	[tilespmem:$0x19000] =	vst v63  }
0xfd: {  	_ =	swait.ge [sflag:s20], $0x2000  }
0xfe: {  	[sflag:s20] =	ssyncset.done $0x0  }
0xff: {  	[sflag:s20] =	ssyncadd.s32 $0xFFFFE000  }
0x100: {  	[tilespmem:s19], [sflag:$0xB] =	stream.linear.gather [spmem:s7], $0x2000, $0x38;
	[tilespmem:$0x19000] =	vst v63  }
0x101: {  	_ =	swait.ge [sflag:s20], $0x2000  }
0x102: {  	[sflag:s20] =	ssyncset.done $0x0  }
0x103: {  	s16 =	rddreg [dreg:$0x9];
	[sflag:s20] =	ssyncadd.s32 $0xFFFFE000  }
0x104: {  	[hbm4b:s16+s2] =	stream.linear.scatter [tilespmem:s19], [sflag:$0xB], $0x2000, $0x38;
	[tilespmem:$0x19000] =	vst v63  }
0x105: {  	_ =	swait.ge [sflag:s20], $0x2000  }
0x106: {  	[sflag:s20] =	ssyncset.done $0x0  }
0x107: {  	[sflag:s20] =	ssyncadd.s32 $0xFFFFE000  }
0x108: {  	[tilespmem:s19], [sflag:$0xB] =	stream.linear.gather [spmem:s8], $0x2000, $0x38;
	[tilespmem:$0x19000] =	vst v63  }
0x109: {  	_ =	swait.ge [sflag:s20], $0x2000  }
0x10a: {  	[sflag:s20] =	ssyncset.done $0x0  }
0x10b: {  	s17 =	rddreg [dreg:$0xa];
	[sflag:s20] =	ssyncadd.s32 $0xFFFFE000  }
0x10c: {  	[hbm4b:s17+s2] =	stream.linear.scatter [tilespmem:s19], [sflag:$0xB], $0x2000, $0x38;
	[tilespmem:$0x19000] =	vst v63  }
0x10d: {  	_ =	swait.ge [sflag:s20], $0x2000  }
0x10e: {  	[sflag:s20] =	ssyncset.done $0x0  }
0x10f: {  	[sflag:s20] =	ssyncadd.s32 $0xFFFFE000  }
0x110: {  	[tilespmem:s19], [sflag:$0xB] =	stream.linear.gather [spmem:s9], $0x2000, $0x38;
	[tilespmem:$0x19000] =	vst v63  }
0x111: {  	_ =	swait.ge [sflag:s20], $0x2000  }
0x112: {  	[sflag:s20] =	ssyncset.done $0x0  }
0x113: {  	s16 =	rddreg [dreg:$0xb];
	[sflag:s20] =	ssyncadd.s32 $0xFFFFE000  }
0x114: {  	[hbm4b:s16+s2] =	stream.linear.scatter [tilespmem:s19], [sflag:$0xB], $0x2000, $0x38;
	[tilespmem:$0x19000] =	vst v63  }
0x115: {  	_ =	swait.ge [sflag:s20], $0x2000  }
0x116: {  	[sflag:s20] =	ssyncset.done $0x0  }
0x117: {  	[sflag:s20] =	ssyncadd.s32 $0xFFFFE000  }
0x118: {  	[tilespmem:s19], [sflag:$0xB] =	stream.linear.gather [spmem:s10], $0x2000, $0x38;
	[tilespmem:$0x19000] =	vst v63  }
0x119: {  	s14 =	sadd.s32 $0x1, s14;
	_ =	swait.ge [sflag:s20], $0x2000  }
0x11a: {  	p0 =	sne.s32 s14, s18;
	[sflag:s20] =	ssyncset.done $0x0  }
.Ltmp1:
0x11b: {  	s17 =	rddreg [dreg:$0xc];
	[sflag:s20] =	ssyncadd.s32 $0xFFFFE000;
	(pc) =	sbr.rel @p0 .LBB2_1-.Ltmp1, $4  }
0x11c: {  	[hbm4b:s17+s2] =	stream.linear.scatter [tilespmem:s19], [sflag:$0xB], $0x2000, $0x38;
	[tilespmem:$0x19000] =	vst v63  }
0x11d: {  	_ =	swait.ge [sflag:s20], $0x2000  }
0x11e: {  	[sflag:s20] =	ssyncset.done $0x0  }
0x11f: {  	[sflag:s20] =	ssyncadd.s32 $0xFFFFE000  }
0x120: {  	_ =	sfence.sel $0x180000  }
0x121: {  	[bflag:$0x0] =	sbarrier.arrive $0xFFFF  }
0x122: {  	_ =	strace $0x9000004D  }
0x123: {  	s0 =	stileid.u32;
	[bflag:$0x2] =	sbarrier.arrive $0xFFFF  }
0x124: {  	p0 =	sne.s32 s0, $0x0;
	s0 =	rddreg [dreg:$0x4]  }
0x125: {  	s0 =	sadd.s32 @!p0 $0x100000, s0  }
0x126: {  	[sflag:s0] =	ssyncadd.tile.s32 @!p0 $0x1;
	_ =	shalt  }
.Lfunc_end2:
_tile_overlayer_lowered:
.L_overlay_start_2:
0x127: {  	(tag) =	ssettag $0x2  }
0x128: {  	s0 =	rddreg [dreg:$0x0];
	s2 =	stileid.u32  }
0x129: {  	s1 =	rddreg [dreg:$0x1];
	p0 =	sne.s32 s2, $0x0  }
0x12a: {  	s3 =	rddreg [dreg:$0x2];
	[bflag:$0x3] =	sbarrier.arrive $0xFFFF;
	s2 =	simm.s32 @!p0 $0x1C0B  }
0x12b: {  	[timem:s3], [sflag:s2] =	dma.local @!p0 [hbm:s0], s1  }
0x12c: {  	s0 =	simm.s32 @!p0 $0xB  }
0x12d: {  	_ =	swait.ge @!p0 [sflag:s0], s1  }
0x12e: {  	s1 =	ssub.s32 @!p0 $0x0, s1;
	[sflag:s0] =	ssyncset.done @!p0 $0x0  }
0x12f: {  	[sflag:s0] =	ssyncadd.s32 @!p0 s1  }
0x130: {  	[bflag:$0x3] =	sbarrier.arrive $0xFFFF  }
0x131: {  	_ =	shalt  }

// kernel: kernel.8.cloned.1.call-start
scs
__scs_entry_jumppad:
0x0: {  	(pc) =	sbr.rel $0x88, $3  }
0x1: {  	(tag) =	ssettag $0x0;
	lr =	simm.s32 $0x1  }
0x2: {  	[smem:$0x3F97] =	sst lr;
	_ =	strace $0xD0000000  }
0x3: {  	_ = 	snop  }
0x4: {  	_ = 	snop  }
0x5: {  	_ = 	snop  }
0x6: {  	_ = 	snop  }
0x7: {  	_ = 	snop  }
__scs_overlays_trampoline_lowered:
0x8: {  	[smem:$0x3FA6] =	sst s0  }
0x9: {  	[smem:$0x3FA7] =	sst s1  }
0xa: {  	[smem:$0x3FA8] =	sst s2  }
0xb: {  	[smem:$0x3FA9] =	sst s3  }
0xc: {  	[smem:$0x3FAA] =	sst s4  }
0xd: {  	[smem:$0x3FAB] =	sst s5  }
0xe: {  	[smem:$0x3FAC] =	sst s6  }
0xf: {  	[smem:$0x3FAD] =	sst s7  }
0x10: {  	[smem:$0x3FAE] =	sst s8  }
0x11: {  	[smem:$0x3FAF] =	sst s9;
	s0 =	simm.s32 @!p0 $0x0  }
0x12: {  	s1 =	sld [smem:$0x3F95];
	s0 =	simm.s32 @p0 $0x1  }
0x13: {  	[smem:$0x3FB0] =	sst s0;
	s0 =	simm.s32 @!p1 $0x0  }
0x14: {  	s2 =	sld [smem:$0x3F94];
	s0 =	simm.s32 @p1 $0x1  }
0x15: {  	[smem:$0x3FB1] =	sst s0;
	s0 =	simm.s32 @!p2 $0x0  }
0x16: {  	s3 =	sld [smem:$0x3FDB];
	s0 =	simm.s32 @p2 $0x1  }
0x17: {  	s4 =	simm.s32 $0x1BF5;
	[smem:$0x3FB3] =	sst s0  }
0x18: {  	s0 =	sld [smem:$0x3F96];
	_ =	swait.ge [sflag:s4], $0x0  }
0x19: {  	s7 =	sld [smem:$0x3F97]  }
0x1a: {  	s8 =	sadd.s32 $0xFFFFE003, lr  }
0x1b: {  	s9 =	sadd.s32 $0xFFFFFEF7, lr;
	s5 =	simm.s32 $0xFFFFFFFF;
	p2 =	slt.u32 s8, $0xFFFFF086  }
0x1c: {  	p1 =	slt.u32 s9, $0xF7A;
	s5 =	simm.s32 @!p2 $0x0  }
0x1d: {  	s5 =	simm.s32 @p1 $0x1;
	p0 =	seq.s32 s7, s2  }
0x1e: {  	s7 =	smul.u32 @!p0 $0xF7A, s2;
	p2 =	seq.s32 @!p0 s5, $0x0  }
0x1f: {  	s9 =	smul.u32 $0xF7A, s1;
	s8 =	simm.s32 @!p0 $0x1BF5;
	p2 =	por !p2, p0  }
0x20: {  	[sflag:s8] =	ssyncset.s32 @!p0 $0xFFFFF086;
	s6 =	sadd.s32 @!p0 s3, s7;
	s7 =	simm.s32 @!p0 $0x108  }
0x21: {  	s3 =	sadd.s32 s3, s9;
	s6 =	sadd.s32 @!p0 $0x88, s6;
	s7 =	simm.s32 @p2 $0x1082  }
0x22: {  	[simem:s7], [sflag:s8] =	dma.local @!p0 [hbm:s6], $0xF7A  }
0x23: {  	s9 =	sor.u32 $0xD0000000, s2;
	s6 =	simm.s32 $0x108;
	_ =	swait.ge @!p0 [sflag:s8], $0x0  }
0x24: {  	s3 =	sadd.s32 $0x88, s3;
	s6 =	simm.s32 @!p1 $0x1082;
	[sflag:s4] =	ssyncset.s32 $0xFFFFF086  }
0x25: {  	[simem:s6], [sflag:s4] =	dma.local [hbm:s3], $0xF7A  }
0x26: {  	[smem:$0x3F97] =	sst s1;
	(tag) =	ssettag s2;
	_ =	strace s9  }
0x27: {  	s1 =	sld [smem:$0x3FA7]  }
0x28: {  	s2 =	sld [smem:$0x3FA8]  }
0x29: {  	s4 =	sld [smem:$0x3FAA]  }
0x2a: {  	p0 =	seq.s32 s5, $0x0;
	s5 =	sld [smem:$0x3FAB]  }
0x2b: {  	s6 =	sld [smem:$0x3FAC]  }
0x2c: {  	s7 =	sld [smem:$0x3FAD]  }
0x2d: {  	s3 =	simm.s32 $0x108;
	s8 =	sld [smem:$0x3FAE]  }
0x2e: {  	s3 =	simm.s32 @!p0 $0x1082;
	s9 =	sld [smem:$0x3FAF]  }
0x2f: {  	lr =	sadd.s32 s0, s3;
	s0 =	sld [smem:$0x3FA6]  }
0x30: {  	s3 =	sld [smem:$0x3FA9]  }
0x31: {  	[smem:$0x3FB2] =	sst s10  }
0x32: {  	s10 =	sld [smem:$0x3FB0];
	_ =	sdelay $0x3  }
0x33: {  	p0 =	seq.s32 s10, $0x1;
	s10 =	sld [smem:$0x3FB2];
	_ =	sdelay $0x3  }
0x34: {  	[smem:$0x3FB2] =	sst s10  }
0x35: {  	s10 =	sld [smem:$0x3FB1];
	_ =	sdelay $0x3  }
0x36: {  	p1 =	seq.s32 s10, $0x1;
	s10 =	sld [smem:$0x3FB2];
	_ =	sdelay $0x3  }
0x37: {  	[smem:$0x3FB2] =	sst s10  }
0x38: {  	s10 =	sld [smem:$0x3FB3]  }
0x39: {  	_ = 	snop;
	(pc) =	sbr.ind lr, $3  }
0x3a: {  	_ = 	snop  }
0x3b: {  	_ = 	snop  }
0x3c: {  	p2 =	seq.s32 s10, $0x1;
	s10 =	sld [smem:$0x3FB2]  }
0x3d: {  	_ =	shalt  }
0x3e: {  	_ =	shalt  }
0x3f: {  	_ =	shalt  }
0x40: {  	_ =	shalt  }
0x41: {  	_ =	shalt  }
0x42: {  	_ =	shalt  }
0x43: {  	_ =	shalt  }
0x44: {  	_ =	shalt  }
0x45: {  	_ =	shalt  }
0x46: {  	_ =	shalt  }
0x47: {  	_ =	shalt  }
0x48: {  	_ =	shalt  }
0x49: {  	_ =	shalt  }
0x4a: {  	_ =	shalt  }
0x4b: {  	_ =	shalt  }
0x4c: {  	_ =	shalt  }
0x4d: {  	_ =	shalt  }
0x4e: {  	_ =	shalt  }
0x4f: {  	_ =	shalt  }
0x50: {  	_ =	shalt  }
0x51: {  	_ =	shalt  }
0x52: {  	_ =	shalt  }
0x53: {  	_ =	shalt  }
0x54: {  	_ =	shalt  }
0x55: {  	_ =	shalt  }
0x56: {  	_ =	shalt  }
0x57: {  	_ =	shalt  }
0x58: {  	_ =	shalt  }
0x59: {  	_ =	shalt  }
0x5a: {  	_ =	shalt  }
0x5b: {  	_ =	shalt  }
0x5c: {  	_ =	shalt  }
0x5d: {  	_ =	shalt  }
0x5e: {  	_ =	shalt  }
0x5f: {  	_ =	shalt  }
0x60: {  	_ =	shalt  }
0x61: {  	_ =	shalt  }
0x62: {  	_ =	shalt  }
0x63: {  	_ =	shalt  }
0x64: {  	_ =	shalt  }
0x65: {  	_ =	shalt  }
0x66: {  	_ =	shalt  }
0x67: {  	_ =	shalt  }
0x68: {  	_ =	shalt  }
0x69: {  	_ =	shalt  }
0x6a: {  	_ =	shalt  }
0x6b: {  	_ =	shalt  }
0x6c: {  	_ =	shalt  }
0x6d: {  	_ =	shalt  }
0x6e: {  	_ =	shalt  }
0x6f: {  	_ =	shalt  }
0x70: {  	_ =	shalt  }
0x71: {  	_ =	shalt  }
0x72: {  	_ =	shalt  }
0x73: {  	_ =	shalt  }
0x74: {  	_ =	shalt  }
0x75: {  	_ =	shalt  }
0x76: {  	_ =	shalt  }
0x77: {  	_ =	shalt  }
0x78: {  	_ =	shalt  }
0x79: {  	_ =	shalt  }
0x7a: {  	_ =	shalt  }
0x7b: {  	_ =	shalt  }
0x7c: {  	_ =	shalt  }
0x7d: {  	_ =	shalt  }
0x7e: {  	_ =	shalt  }
0x7f: {  	_ =	shalt  }
0x80: {  	_ =	shalt  }
0x81: {  	_ =	shalt  }
0x82: {  	_ =	shalt  }
0x83: {  	_ =	shalt  }
0x84: {  	_ =	shalt  }
0x85: {  	_ =	shalt  }
0x86: {  	_ =	shalt  }
0x87: {  	_ =	shalt  }
.Lfunc_end0:
.L_simem_size_0:
called_computation_lowered:
.L_overlay_start_0:
0x88: {  	s2 =	sld [smem:$0x3FD9]  }
0x89: {  	s3 =	sld [smem:$0x3FFE];
	_ =	sdelay $0x1  }
0x8a: {  	s1 =	srdreg.scid  }
0x8b: {  	s0 =	sand.u32 $0x1, s1  }
0x8c: {  	s14 =	sshll.u32 s0, $0xA;
	s2 =	sadd.s32 s3, s2  }
0x8d: {  	s2 =	sadd.s32 s2, s14  }
0x8e: {  	[smem:$0x3FBE] =	sst s2  }
0x8f: {  	_ = 	snop  }
0x90: {  	s2 =	sld [smem:$0x3FD0];
	_ =	sdelay $0x2  }
0x91: {  	s15 =	simm.s32 $0xA;
	s4 =	simm.s32 $0x10  }
0x92: {  	[smem:s4], [sflag:s15] =	dma.local [hbm:s2], $0x1  }
0x93: {  	_ =	swait.eq [sflag:s15], $0x1  }
0x94: {  	[sflag:s15] =	ssyncset.done $0x0  }
0x95: {  	[sflag:s15] =	ssyncadd.s32 $0xFFFFFFFF  }
0x96: {  	s16 =	sld [smem:$0x10];
	(tm) =	ssettm $0x1  }
0x97: {  	s17 =	sld [smem:$0x3FFB];
	_ =	sdelay $0x3  }
0x98: {  	_ =	strace s17  }
0x99: {  	s3 =	sld [smem:$0x3FFC];
	_ =	sdelay $0x3  }
0x9a: {  	_ =	strace s3  }
0x9b: {  	s3 =	sld [smem:$0x3FFD];
	_ =	sdelay $0x3  }
0x9c: {  	_ =	strace s3  }
0x9d: {  	_ =	strace $0x8FFFFFFF  }
0x9e: {  	s18 =	sld [smem:$0x3FDB];
	_ =	sdelay $0x1  }
0x9f: {  	s19 =	simm.s32 $_scs_section_size  }
0xa0: {  	s5 =	simm.s32 $_size__tile_overlayer_lowered;
	s6 =	simm.s32 $_tile_overlayer_lowered  }
0xa1: {  	s22 =	simm.s32 $0x1BFF;
	s21 =	sshll.u32 s6, $0x1;
	s3 =	sadd.s32 s19, s18  }
0xa2: {  	s7 =	simm.s32 $0x0;
	s20 =	sshll.u32 s5, $0x1;
	s5 =	sadd.s32 s21, s3  }
0xa3: {  	[timem:s7], [sflag:s22] =	dma.local [hbm:s5], s20  }
0xa4: {  	_ =	swait.ge [sflag:s22], s20  }
0xa5: {  	s4 =	ssub.s32 $0x0, s20;
	[sflag:s22] =	ssyncset.done $0x0  }
0xa6: {  	[sflag:s22] =	ssyncadd.s32 s4;
	_ =	sdelay $0x1  }
0xa7: {  	s23 =	simm.s32 $0x1B8B  }
0xa8: {  	_ =	swait.ge [sflag:s23], $0x1  }
0xa9: {  	[sflag:s23] =	ssyncset.done $0x0  }
0xaa: {  	s25 =	simm.s32 $0x1B8E;
	s24 =	sld [smem:$0x3FFE];
	[sflag:s23] =	ssyncadd.s32 $0xFFFFFFFF  }
0xab: {  	s26 =	simm.s32 $execute0_lowered;
	[smem:$0x3FD2] =	sst s25  }
0xac: {  	s5 =	sshll.u32 s26, $0x1;
	_ =	strace $0x80000046;
	[dreg:$0x1] =	wrdreg $0xFFFFFFFF  }
0xad: {  	s28 =	simm.s32 $_size_execute0_lowered;
	s3 =	sadd.s32 s3, s5;
	[dreg:$0x0] =	wrdreg $0x0  }
0xae: {  	s5 =	sshll.u32 s28, $0x1;
	[dreg:$0x2] =	wrdreg s3  }
0xaf: {  	[dreg:$0x3] =	wrdreg s5  }
0xb0: {  	[dreg:$0x4] =	wrdreg $0xC0  }
0xb1: {  	_ =	task [dreg:s7], $0x5FFFF  }
0xb2: {  	[dreg:$0x1] =	wrdreg $0xFFFFFFFF  }
0xb3: {  	[dreg:$0x0] =	wrdreg $0x60  }
0xb4: {  	[dreg:$0x2] =	wrdreg s16  }
0xb5: {  	[dreg:$0x3] =	wrdreg s24  }
0xb6: {  	[dreg:$0x4] =	wrdreg $0x2B000  }
0xb7: {  	[dreg:$0x5] =	wrdreg $0x9  }
0xb8: {  	_ =	task.clear_ibuf [dreg:s7], $0x6FFFF;
	_ =	strace $0x90000046  }
0xb9: {  	s29 =	simm.s32 $0x9;
	_ =	strace $0x80000048  }
0xba: {  	_ =	swait.ge [sflag:s29], $0x1  }
0xbb: {  	[sflag:s29] =	ssyncadd.s32 $0xFFFFFFFF  }
0xbc: {  	_ =	strace $0x90000048  }
0xbd: {  	_ =	sfence  }
0xbe: {  	s30 =	sld [smem:$0x0];
	_ =	sdelay $0x2  }
0xbf: {  	s31 =	sshll.u32 s1, $0xD;
	s1 =	sshrl.u32 s1, $0x2  }
0xc0: {  	s3 =	sand.u32 $0x4000, s31;
	s1 =	sadd.s32 s1, s30  }
0xc1: {  	s0 =	sor.u32 s3, s0;
	s1 =	sshll.u32 s1, $0x11  }
0xc2: {  	s0 =	sor.u32 s1, s0  }
0xc3: {  	s0 =	sadd.s32 $0x8F2B, s0  }
0xc4: {  	[sflag:s0] =	ssyncadd.remote.s32 $0x1  }
0xc5: {  	_ =	sfence.sel $0xFFFF  }
0xc6: {  	[dreg:$0x0] =	wrdreg $0xFFFFFFFF;
	(pc) =	sbr.abs _section_cstart, $3  }
0xc7: {  	[dreg:$0x1] =	wrdreg $0xFFFFFFFF  }
0xc8: {  	_ =	task.clear_ibuf [dreg:s7], $0x2FFFF;
	_ =	strace $0x9FFFFFFF  }
0xc9: {  	(tm) =	ssettm $0x7FFFFFFF  }
tec
execute0_lowered:
.L_overlay_start_1:
0x0: {  	(tag) =	ssettag $0x1  }
0x1: {  	s7 =	rddreg [dreg:$0x0]  }
0x2: {  	s6 =	rddreg [dreg:$0x1]  }
0x3: {  	s2 =	rddreg [dreg:$0x2]  }
0x4: {  	s0 =	rddreg [dreg:$0x3];
	s4 =	srdreg.scid  }
0x5: {  	s1 =	stileid.u32;
	s3 =	simm.s32 $0x0;
	s13 =	simm.s32 $0x80  }
0x6: {  	s14 =	simm.s32 $0x0;
	s5 =	sand.u32 $0x1, s4;
	s8 =	smul.u32 $0x280, s1  }
0x7: {  	[smem:$0x7FF] =	sst s3;
	s4 =	sadd.s32 $0x2800, s6;
	s9 =	smul.u32 $0x2800, s5  }
0x8: {  	_ =	strace $0x80000047;
	s10 =	sshll.u32 s5, $0x4;
	s11 =	ssub.s32 $0x2, s5  }
0x9: {  	s5 =	sadd.s32 $0x2600, s6;
	s30 =	sor.u32 s1, s10;
	s9 =	sadd.s32 s8, s9  }
0xa: {  	s31 =	sshrl.u32 s11, $0x1;
	s12 =	smul.u32 $0x500, s30;
	s9 =	sshrl.u32 s9, $0x3  }
0xb: {  	s10 =	ssub.s32 s11, s31;
	s11 =	simm.s32 $0x1;
	s9 =	sadd.s32 s9, s6  }
0xc: {  	s6 =	sadd.s32 s8, s2;
	s7 =	sadd.s32 s7, s12;
	s12 =	simm.s32 $0x2A80  }
0xd: {  	s8 =	sadd.s32 $0x2A00, s9;
	s9 =	smax.u32 s10, $0x1;
	s10 =	simm.s32 $0x2800  }
.LBB2_1:
0xe: {  	[tilespmem:s10], [sflag:$0x1] =	stream.linear.gather [hbm4b:s4+s3], $0x280, $0x38;
	[tilespmem:$0x2D80] =	vst v63  }
0xf: {  	_ =	swait.ge [sflag:s11], $0x280  }
0x10: {  	[sflag:s11] =	ssyncset.done $0x0  }
0x11: {  	[sflag:s11] =	ssyncadd.s32 $0xFFFFFD80  }
0x12: {  	[tilespmem:s12], [sflag:$0x1] =	stream.linear.gather [hbm4b:s5+s3], $0x80, $0x38;
	[tilespmem:$0x2D80] =	vst v63  }
0x13: {  	_ =	swait.ge [sflag:s11], $0x80  }
0x14: {  	[sflag:s11] =	ssyncset.done $0x0  }
0x15: {  	[sflag:s11] =	ssyncadd.s32 $0xFFFFFF80  }
0x16: {  	[spmem:s6] =	stream.linear.scatter [tilespmem:s10], [sflag:$0x1], $0x280, $0x38;
	[tilespmem:$0x2D80] =	vst v63  }
0x17: {  	_ =	swait.ge [sflag:s11], $0x280  }
0x18: {  	[sflag:s11] =	ssyncset.done $0x0  }
0x19: {  	[sflag:s11] =	ssyncadd.s32 $0xFFFFFD80  }
0x1a: {  	[bflag:$0x0] =	sbarrier.arrive $0xFFFF  }
0x1b: {  	[tilespmem:s3], [sflag:$0x1] =	stream.linear.gather [hbm4b:s7+s3], $0x2800, $0x38;
	[tilespmem:$0x2D80] =	vst v63  }
0x1c: {  	_ =	swait.ge [sflag:s11], $0x2800  }
0x1d: {  	[sflag:s11] =	ssyncset.done $0x0  }
0x1e: {  	s15 =	simm.s32 $0x0;
	[sflag:s11] =	ssyncadd.s32 $0xFFFFD800  }
0x1f: {  	[spmem:s2] =	stream.indirect.scatter.add.f32 [tilespmem:s12], [sflag:$0x1], $0x1, s15, s13, $0xb8;
	[tilespmem:$0x2D80] =	vst v63  }
0x20: {  	_ =	swait.ge [sflag:s11], $0x80  }
0x21: {  	s15 =	simm.s32 $0x200;
	[sflag:s11] =	ssyncset.done $0x0  }
.LBB2_2:
0x22: {  	s16 =	sshra.s32 s15, $0x2;
	[sflag:s11] =	ssyncadd.s32 $0xFFFFFF80;
	p0 =	sne.s32 s15, $0x9E00  }
0x23: {  	[spmem:s2] =	stream.indirect.scatter.add.f32 [tilespmem:s12], [sflag:$0x1], $0x1, s16, s13, $0xb8;
	[tilespmem:$0x2D80] =	vst v63  }
.Ltmp0:
0x24: {  	_ = 	snop;
	(pc) =	sbr.rel @p0 .LBB2_2-.Ltmp0, $4  }
0x25: {  	_ = 	snop  }
0x26: {  	s15 =	sadd.s32 $0x200, s15  }
0x27: {  	_ =	swait.ge [sflag:s11], $0x80  }
0x28: {  	[sflag:s11] =	ssyncset.done $0x0  }
0x29: {  	[sflag:s11] =	ssyncadd.s32 $0xFFFFFF80  }
0x2a: {  	[bflag:$0x0] =	sbarrier.arrive $0xFFFF  }
0x2b: {  	[tilespmem:s10], [sflag:$0x1] =	stream.linear.gather [spmem:s6], $0x280, $0x38;
	[tilespmem:$0x2D80] =	vst v63  }
0x2c: {  	s14 =	sadd.s32 $0x1, s14;
	_ =	swait.ge [sflag:s11], $0x280  }
0x2d: {  	p0 =	sne.s32 s14, s9;
	[sflag:s11] =	ssyncset.done $0x0  }
.Ltmp1:
0x2e: {  	[sflag:s11] =	ssyncadd.s32 $0xFFFFFD80;
	(pc) =	sbr.rel @p0 .LBB2_1-.Ltmp1, $4  }
0x2f: {  	[hbm4b:s8+s3] =	stream.linear.scatter [tilespmem:s10], [sflag:$0x1], $0x280, $0x38;
	[tilespmem:$0x2D80] =	vst v63  }
0x30: {  	_ =	swait.ge [sflag:s11], $0x280  }
0x31: {  	[sflag:s11] =	ssyncset.done $0x0  }
0x32: {  	[sflag:s11] =	ssyncadd.s32 $0xFFFFFD80  }
0x33: {  	_ =	sfence.sel $0x180000  }
0x34: {  	[bflag:$0x0] =	sbarrier.arrive $0xFFFF  }
0x35: {  	p0 =	sne.s32 s1, $0x0;
	_ =	strace $0x90000047  }
0x36: {  	s0 =	sadd.s32 @!p0 $0x100000, s0;
	[bflag:$0x2] =	sbarrier.arrive $0xFFFF  }
0x37: {  	[sflag:s0] =	ssyncadd.tile.s32 @!p0 $0x1;
	_ =	shalt  }
.Lfunc_end2:
_tile_overlayer_lowered:
.L_overlay_start_2:
0x38: {  	(tag) =	ssettag $0x2  }
0x39: {  	s0 =	rddreg [dreg:$0x0];
	s2 =	stileid.u32  }
0x3a: {  	s1 =	rddreg [dreg:$0x1];
	p0 =	sne.s32 s2, $0x0  }
0x3b: {  	s3 =	rddreg [dreg:$0x2];
	[bflag:$0x3] =	sbarrier.arrive $0xFFFF;
	s2 =	simm.s32 @!p0 $0x1C01  }
0x3c: {  	[timem:s3], [sflag:s2] =	dma.local @!p0 [hbm:s0], s1  }
0x3d: {  	s0 =	simm.s32 @!p0 $0x1  }
0x3e: {  	_ =	swait.ge @!p0 [sflag:s0], s1  }
0x3f: {  	s1 =	ssub.s32 @!p0 $0x0, s1;
	[sflag:s0] =	ssyncset.done @!p0 $0x0  }
0x40: {  	[sflag:s0] =	ssyncadd.s32 @!p0 s1  }
0x41: {  	[bflag:$0x3] =	sbarrier.arrive $0xFFFF  }
0x42: {  	_ =	shalt  }

</sc_bundles>
